<compile_context>
chip_gen: v7x
topology: tpu7x:2x2x1
jax: 0.10.2.dev20260603
libtpu: 0.0.44.dev20260713+nightly
codegen_flags: <defaults>
</compile_context>

<pallas_src>
import functools

import jax
import jax.numpy as jnp
from jax import lax
from jax.experimental import pallas as pl
from jax.experimental.pallas import tpu as pltpu
from jax.experimental.pallas import tpu_sc as plsc

_K = 128


def _row_split(n, ns):
    assert n % 8 == 0
    ngrp = n // 8
    return (ngrp // ns) * 8, ngrp % ns


def _pad_chunks(e, nw):
    return -(-e // (_K * nw * 8)) * 8


def _idx_block(nchunk):
    return max(b for b in range(8, min(nchunk, 32) + 1, 8) if nchunk % b == 0)


def _make_pipeline(nchunk, nblk, b):

    def pipeline(tab, acc, s2d, d2d, row0, isb, idb, rows2, sg0, sg1, si):
        def load_block(blk):
            slot = lax.rem(blk, 2)
            base = row0 + blk * b
            pltpu.sync_copy(s2d.at[pl.ds(base, b)], isb.at[slot])
            pltpu.sync_copy(d2d.at[pl.ds(base, b)], idb.at[slot])

        def start_load_block(blk):
            slot = lax.rem(blk, 2)
            base = row0 + blk * b
            pltpu.async_copy(s2d.at[pl.ds(base, b)], isb.at[slot], si)
            pltpu.async_copy(d2d.at[pl.ds(base, b)], idb.at[slot], si)

        def wait_load_block(blk):
            slot = lax.rem(blk, 2)
            base = row0 + blk * b
            pltpu.make_async_copy(s2d.at[pl.ds(base, b)], isb.at[slot],
                                  si).wait()
            pltpu.make_async_copy(d2d.at[pl.ds(base, b)], idb.at[slot],
                                  si).wait()

        def gather(c, slot, sem):
            blk = c // b
            pltpu.async_copy(
                tab.at[isb.at[lax.rem(blk, 2), lax.rem(c, b)]],
                rows2.at[slot], sem)

        def drain_scatter(c, slot, sem):
            blk = c // b
            r = lax.rem(c, b)
            pltpu.make_async_copy(
                tab.at[isb.at[lax.rem(blk, 2), r]], rows2.at[slot], sem
            ).wait()
            pltpu.sync_copy(rows2.at[slot],
                            acc.at[idb.at[lax.rem(blk, 2), r]], add=True)

        load_block(0)
        gather(0, 0, sg0)
        gather(1, 1, sg1)

        def pair(j, carry):
            c0 = 2 * j

            @pl.when(jnp.logical_and(lax.rem(c0, b) == b - 4,
                                     c0 + 4 < nchunk))
            def _():
                start_load_block(c0 // b + 1)

            @pl.when(jnp.logical_and(lax.rem(c0, b) == b - 2,
                                     c0 + 2 < nchunk))
            def _():
                wait_load_block(c0 // b + 1)

            drain_scatter(c0, 0, sg0)

            @pl.when(c0 + 2 < nchunk)
            def _():
                gather(c0 + 2, 0, sg0)

            drain_scatter(c0 + 1, 1, sg1)

            @pl.when(c0 + 3 < nchunk)
            def _():
                gather(c0 + 3, 1, sg1)

            return carry

        lax.fori_loop(0, nchunk // 2, pair, 0)

    return pipeline


_DEAD = 128


def _sc_scratch(n, d, b):
    return [
        pltpu.VMEM_SHARED((n + _DEAD, d), jnp.float32),
        pltpu.VMEM((2, b, _K), jnp.int32),
        pltpu.VMEM((2, b, _K), jnp.int32),
        pltpu.VMEM((2, _K, d), jnp.float32),
        pltpu.SemaphoreType.DMA,
        pltpu.SemaphoreType.DMA,
        pltpu.SemaphoreType.DMA,
    ]


@functools.lru_cache(maxsize=None)
def _make_sc_agg_featsplit(n, e, d2):
    info = plsc.get_sparse_core_info()
    ns = info.num_subcores
    assert d2 % 128 == 0
    nchunk = _pad_chunks(e, ns)
    b = _idx_block(nchunk)
    nblk = nchunk // b
    rpw, grem = _row_split(n, ns)
    pipeline = _make_pipeline(nchunk, nblk, b)

    mesh = plsc.VectorSubcoreMesh(core_axis_name="c", subcore_axis_name="s")

    def body(t0, t1, s2d, d2d, out0, out1, acc, isb, idb, rows2, sg0, sg1, si):
        cid = lax.axis_index("c")
        sid = lax.axis_index("s")
        r0 = sid * rpw
        rem0 = ns * rpw + sid * 8
        row0 = sid * nchunk

        def work(tab, out):
            pltpu.sync_copy(tab.at[pl.ds(r0, rpw)], acc.at[pl.ds(r0, rpw)])
            if grem:
                @pl.when(sid < grem)
                def _():
                    pltpu.sync_copy(tab.at[pl.ds(rem0, 8)],
                                    acc.at[pl.ds(rem0, 8)])
            plsc.subcore_barrier()
            pipeline(tab, acc, s2d, d2d, row0, isb, idb, rows2, sg0, sg1, si)
            plsc.subcore_barrier()
            pltpu.sync_copy(acc.at[pl.ds(r0, rpw)], out.at[pl.ds(r0, rpw)])
            if grem:
                @pl.when(sid < grem)
                def _():
                    pltpu.sync_copy(acc.at[pl.ds(rem0, 8)],
                                    out.at[pl.ds(rem0, 8)])

        @pl.when(cid == 0)
        def _():
            work(t0, out0)

        @pl.when(cid == 1)
        def _():
            work(t1, out1)

    return pl.kernel(
        body,
        out_type=(jax.ShapeDtypeStruct((n, d2), jnp.float32),
                  jax.ShapeDtypeStruct((n, d2), jnp.float32)),
        mesh=mesh,
        scratch_types=_sc_scratch(n, d2, b),
    )


@functools.lru_cache(maxsize=None)
def _make_sc_agg_edgesplit(n, e, d):
    info = plsc.get_sparse_core_info()
    nc, ns = info.num_cores, info.num_subcores
    nw = nc * ns
    assert d % 128 == 0
    nchunk = _pad_chunks(e, nw)
    b = _idx_block(nchunk)
    nblk = nchunk // b
    rpw, grem = _row_split(n, ns)
    pipeline = _make_pipeline(nchunk, nblk, b)

    mesh = plsc.VectorSubcoreMesh(core_axis_name="c", subcore_axis_name="s")

    def body(tab, s2d, d2d, out0, out1, acc, isb, idb, rows2, sg0, sg1, si):
        cid = lax.axis_index("c")
        sid = lax.axis_index("s")
        r0 = sid * rpw
        rem0 = ns * rpw + sid * 8
        row0 = (cid * ns + sid) * nchunk

        pltpu.sync_copy(tab.at[pl.ds(r0, rpw)], acc.at[pl.ds(r0, rpw)])
        if grem:
            @pl.when(sid < grem)
            def _():
                pltpu.sync_copy(tab.at[pl.ds(rem0, 8)],
                                acc.at[pl.ds(rem0, 8)])

        plsc.subcore_barrier()
        pipeline(tab, acc, s2d, d2d, row0, isb, idb, rows2, sg0, sg1, si)
        plsc.subcore_barrier()

        def copyout(out):
            pltpu.sync_copy(acc.at[pl.ds(r0, rpw)], out.at[pl.ds(r0, rpw)])
            if grem:
                @pl.when(sid < grem)
                def _():
                    pltpu.sync_copy(acc.at[pl.ds(rem0, 8)],
                                    out.at[pl.ds(rem0, 8)])

        @pl.when(cid == 0)
        def _():
            copyout(out0)

        @pl.when(cid == 1)
        def _():
            copyout(out1)

    return pl.kernel(
        body,
        out_type=(jax.ShapeDtypeStruct((n, d), jnp.float32),
                  jax.ShapeDtypeStruct((n, d), jnp.float32)),
        mesh=mesh,
        scratch_types=_sc_scratch(n, d, b),
    )


def _bn_relu(z, g, b):
    mu = jnp.mean(z, axis=0, keepdims=True)
    var = jnp.mean((z - mu) ** 2, axis=0, keepdims=True)
    return jnp.maximum((z - mu) * lax.rsqrt(var + 1e-5) * g + b, 0.0)


@functools.lru_cache(maxsize=None)
def _make_mlp(n, d_in2, d_h, d_out, combine, split_out):

    def body(*refs):
        if combine == "concat":
            a0, a1, wa, wb, gm, bm, g, b, *outs = refs
            s = jnp.concatenate([a0[...], a1[...]], axis=1)
        else:
            a0, a1, hin, wa, wb, gm, bm, g, b, *outs = refs
            s = a0[...] + a1[...] - hin[...]
        z = jnp.dot(s, wa[...], preferred_element_type=jnp.float32)
        z = _bn_relu(z, gm[...], bm[...])
        h = jnp.dot(z, wb[...], preferred_element_type=jnp.float32)
        h = _bn_relu(h, g[...], b[...])
        if split_out:
            outs[0][...] = h[:, : d_out // 2]
            outs[1][...] = h[:, d_out // 2:]
        else:
            outs[0][...] = h

    if split_out:
        out_shape = (jax.ShapeDtypeStruct((n, d_out // 2), jnp.float32),
                     jax.ShapeDtypeStruct((n, d_out // 2), jnp.float32))
    else:
        out_shape = jax.ShapeDtypeStruct((n, d_out), jnp.float32)
    return pl.pallas_call(body, out_shape=out_shape)


def _pad_edges(idx, e_pad, base):
    npad = e_pad - idx.shape[0]
    pad = base + jnp.arange(npad, dtype=idx.dtype) % _DEAD
    return jnp.concatenate([idx, pad]).reshape(-1, _K)


def kernel(x, edge_index, W0a, g0m, b0m, W0b, g0, b0, W1a, g1m, b1m, W1b, g1, b1):
    n, d_in = x.shape
    e = edge_index.shape[1]
    d_h = W0a.shape[1]
    d_out = W1b.shape[1]
    info = plsc.get_sparse_core_info()
    nc, ns = info.num_cores, info.num_subcores
    src = edge_index[0]
    dst = edge_index[1]

    r2 = lambda v: v.reshape(1, -1)

    e_pad0 = _pad_chunks(e, nc * ns) * _K * nc * ns
    s2d0 = _pad_edges(src, e_pad0, 0)
    d2d0 = _pad_edges(dst, e_pad0, n)
    a0, a1 = _make_sc_agg_edgesplit(n, e, d_in)(x, s2d0, d2d0)
    h0, h1 = _make_mlp(n, d_in, d_h, d_h, "add", True)(
        a0, a1, x, W0a, W0b, r2(g0m), r2(b0m), r2(g0), r2(b0))

    e_pad1 = _pad_chunks(e, ns) * _K * ns
    s2d1 = _pad_edges(src, e_pad1, 0)
    d2d1 = _pad_edges(dst, e_pad1, n)
    b0_, b1_ = _make_sc_agg_featsplit(n, e, d_h // 2)(h0, h1, s2d1, d2d1)
    out = _make_mlp(n, d_h // 2, d_h, d_out, "concat", False)(
        b0_, b1_, W1a, W1b, r2(g1m), r2(b1m), r2(g1), r2(b1))
    return out

# --- scband reference (transcript-rebuilt; emitter-appended) ---
"""Pipeline reference for scband-gin-56822417326652 (READ-ONLY COPY).

The authoritative reference and input builder live on the scoring server;
editing this copy changes nothing except your own understanding.
"""

import jax, jax.numpy as jnp
import numpy as np

N = 10000
E = 320000
D_IN = 128
D_H = 256
D_OUT = 128


def _bn(h, gamma, beta):
    # BatchNorm1d in training mode: batch statistics, biased variance
    mean = jnp.mean(h, axis=0)
    var = jnp.var(h, axis=0)
    return (h - mean) / jnp.sqrt(var + 1e-5) * gamma + beta


def setup_inputs(seed: int = 0) -> dict:
    key = jax.random.key(seed)
    ks = jax.random.split(key, 8)
    x = jax.random.normal(ks[0], (N, D_IN), dtype=jnp.float32)
    edge_index = jax.random.randint(ks[1], (2, E), 0, N, dtype=jnp.int32)

    def lin(k, fi, fo):
        return (jax.random.normal(k, (fi, fo), dtype=jnp.float32) / np.sqrt(fi)).astype(jnp.float32)

    return {
        "x": x,
        "edge_index": edge_index,
        # layer 0: GINConv MLP(128->256->256) + outer BN(256)
        "W0a": lin(ks[2], D_IN, D_H),
        "g0m": jnp.ones((D_H,), jnp.float32),
        "b0m": jnp.zeros((D_H,), jnp.float32),
        "W0b": lin(ks[3], D_H, D_H),
        "g0": jnp.ones((D_H,), jnp.float32),
        "b0": jnp.zeros((D_H,), jnp.float32),
        # layer 1: GINConv MLP(256->256->128) + outer BN(128)
        "W1a": lin(ks[4], D_H, D_H),
        "g1m": jnp.ones((D_H,), jnp.float32),
        "b1m": jnp.zeros((D_H,), jnp.float32),
        "W1b": lin(ks[5], D_H, D_OUT),
        "g1": jnp.ones((D_OUT,), jnp.float32),
        "b1": jnp.zeros((D_OUT,), jnp.float32),
    }


def reference(x, edge_index, W0a, g0m, b0m, W0b, g0, b0, W1a, g1m, b1m, W1b, g1, b1):
    src = edge_index[0]
    dst = edge_index[1]

    def gin_layer(h, Wa, gm, bm, Wb):
        # DGL GINConv, aggregator=sum, learn_eps=False (eps=0):
        # out = MLP((1+eps)*h + sum_{j in N(i)} h_j)
        agg = jax.ops.segment_sum(h[src], dst, num_segments=N)
        z = (agg + h) @ Wa          # MLP linear 1 (no bias)
        z = _bn(z, gm, bm)          # MLP internal BatchNorm1d
        z = jax.nn.relu(z)
        return z @ Wb               # MLP linear 2 (no bias)

    h = gin_layer(x, W0a, g0m, b0m, W0b)
    h = jax.nn.relu(_bn(h, g0, b0))
    h = gin_layer(h, W1a, g1m, b1m, W1b)
    h = jax.nn.relu(_bn(h, g1, b1))
    return h

if __name__ == "__main__":
    import jax
    _d = setup_inputs()
    print(jax.jit(kernel)(*tuple(_d.values())))

</pallas_src>

<mosaic_0001>
#map = affine_map<(d0, d1) -> (0, 0)>
module attributes {stable_mosaic.version = 14 : i64} {
  func.func @body(%arg0: i32, %arg1: i32, %arg2: memref<10000x128xf32, #tpu.memory_space<hbm>>, %arg3: memref<2560x128xi32, #tpu.memory_space<hbm>>, %arg4: memref<2560x128xi32, #tpu.memory_space<hbm>>, %arg5: memref<10000x128xf32, #tpu.memory_space<hbm>>, %arg6: memref<10000x128xf32, #tpu.memory_space<hbm>>, %arg7: memref<10128x128xf32, #tpu.memory_space<vmem_shared>>, %arg8: memref<2x16x128xi32, #tpu.memory_space<vmem>>, %arg9: memref<2x16x128xi32, #tpu.memory_space<vmem>>, %arg10: memref<2x128x128xf32, #tpu.memory_space<vmem>>, %arg11: memref<!tpu.dma_semaphore, #tpu.memory_space<semaphore_mem>>, %arg12: memref<!tpu.dma_semaphore, #tpu.memory_space<semaphore_mem>>, %arg13: memref<!tpu.dma_semaphore, #tpu.memory_space<semaphore_mem>>) attributes {dimension_semantics = [#tpu.dimension_semantics<core_parallel>, #tpu.dimension_semantics<subcore_parallel>], iteration_bounds = array<i64: 2, 16>, scalar_prefetch = 0 : i64, scratch_operands = 7 : i64, tpu.core_type = #tpu.core_type<sc_vector_subcore>, window_params = [{transform_indices = #map}, {transform_indices = #map}, {transform_indices = #map}, {transform_indices = #map}, {transform_indices = #map}]} {
    %mul3A = arith.constant 624 : i32
    %mul3A_0 = arith.muli %arg1, %mul3A : i32
    %mul3A_1 = arith.constant 8 : i32
    %mul3A_2 = arith.muli %arg1, %mul3A_1 : i32
    %add3A = arith.constant 9984 : i32
    %add3A_3 = arith.addi %add3A, %mul3A_2 : i32
    %mul3A_4 = arith.constant 16 : i32
    %mul3A_5 = arith.muli %arg0, %mul3A_4 : i32
    %add3A_6 = arith.addi %mul3A_5, %arg1 : i32
    %mul3A_7 = arith.constant 80 : i32
    %mul3A_8 = arith.muli %add3A_6, %mul3A_7 : i32
    "tpu.region"() ({
      %run_scoped3A = tpu.sem_alloc : memref<!tpu.dma_semaphore, #tpu.memory_space<semaphore_mem>>
      %dma_start3A_63 = arith.constant 0 : i32
      %dma_start3A_64 = tpu.memref_slice %arg7[%mul3A_0, %dma_start3A_63] : memref<10128x128xf32, #tpu.memory_space<vmem_shared>> -> memref<624x128xf32, #tpu.memory_space<vmem_shared>>
      %dma_start3A_65 = arith.constant 0 : i32
      %dma_start3A_66 = tpu.memref_slice %arg2[%mul3A_0, %dma_start3A_65] : memref<10000x128xf32, #tpu.memory_space<hbm>> -> memref<624x128xf32, #tpu.memory_space<hbm>>
      tpu.enqueue_dma source(%dma_start3A_66 : memref<624x128xf32, #tpu.memory_space<hbm>>) target(%dma_start3A_64 : memref<624x128xf32, #tpu.memory_space<vmem_shared>>) target_semaphore(%run_scoped3A : memref<!tpu.dma_semaphore, #tpu.memory_space<semaphore_mem>>)
      %dma_wait3A = arith.constant 0 : i32
      %dma_wait3A_67 = tpu.memref_slice %arg7[%mul3A_0, %dma_wait3A] : memref<10128x128xf32, #tpu.memory_space<vmem_shared>> -> memref<624x128xf32, #tpu.memory_space<vmem_shared>>
      %dma_wait3A_68 = arith.constant 0 : i32
      %dma_wait3A_69 = tpu.memref_slice %arg2[%mul3A_0, %dma_wait3A_68] : memref<10000x128xf32, #tpu.memory_space<hbm>> -> memref<624x128xf32, #tpu.memory_space<hbm>>
      tpu.wait_dma2 semaphore(%run_scoped3A : memref<!tpu.dma_semaphore, #tpu.memory_space<semaphore_mem>>) src(%dma_wait3A_69 : memref<624x128xf32, #tpu.memory_space<hbm>>) dst(%dma_wait3A_67 : memref<624x128xf32, #tpu.memory_space<vmem_shared>>)
      tpu.yield
    }) : () -> ()
    %lt3A = arith.constant 2 : i32
    %lt3A_9 = arith.cmpi slt, %arg1, %lt3A : i32
    %convert_element_type3A = arith.extui %lt3A_9 : i1 to i32
    %cond3A = arith.constant 0 : i32
    %cond3A_10 = arith.cmpi ne, %convert_element_type3A, %cond3A : i32
    scf.if %cond3A_10 {
      "tpu.region"() ({
        %run_scoped3A = tpu.sem_alloc : memref<!tpu.dma_semaphore, #tpu.memory_space<semaphore_mem>>
        %dma_start3A_63 = arith.constant 0 : i32
        %dma_start3A_64 = tpu.memref_slice %arg7[%add3A_3, %dma_start3A_63] : memref<10128x128xf32, #tpu.memory_space<vmem_shared>> -> memref<8x128xf32, #tpu.memory_space<vmem_shared>>
        %dma_start3A_65 = arith.constant 0 : i32
        %dma_start3A_66 = tpu.memref_slice %arg2[%add3A_3, %dma_start3A_65] : memref<10000x128xf32, #tpu.memory_space<hbm>> -> memref<8x128xf32, #tpu.memory_space<hbm>>
        tpu.enqueue_dma source(%dma_start3A_66 : memref<8x128xf32, #tpu.memory_space<hbm>>) target(%dma_start3A_64 : memref<8x128xf32, #tpu.memory_space<vmem_shared>>) target_semaphore(%run_scoped3A : memref<!tpu.dma_semaphore, #tpu.memory_space<semaphore_mem>>)
        %dma_wait3A = arith.constant 0 : i32
        %dma_wait3A_67 = tpu.memref_slice %arg7[%add3A_3, %dma_wait3A] : memref<10128x128xf32, #tpu.memory_space<vmem_shared>> -> memref<8x128xf32, #tpu.memory_space<vmem_shared>>
        %dma_wait3A_68 = arith.constant 0 : i32
        %dma_wait3A_69 = tpu.memref_slice %arg2[%add3A_3, %dma_wait3A_68] : memref<10000x128xf32, #tpu.memory_space<hbm>> -> memref<8x128xf32, #tpu.memory_space<hbm>>
        tpu.wait_dma2 semaphore(%run_scoped3A : memref<!tpu.dma_semaphore, #tpu.memory_space<semaphore_mem>>) src(%dma_wait3A_69 : memref<8x128xf32, #tpu.memory_space<hbm>>) dst(%dma_wait3A_67 : memref<8x128xf32, #tpu.memory_space<vmem_shared>>)
        tpu.yield
      }) : () -> ()
    } else {
    }
    %barrier3A = arith.constant 0 : index
    tpu.barrier barrier_id(%barrier3A)
    %rem3A = arith.constant 0 : i32
    %rem3A_11 = arith.constant 2 : i32
    %rem3A_12 = arith.remsi %rem3A, %rem3A_11 : i32
    %add3A_13 = arith.constant 0 : i32
    %add3A_14 = arith.addi %mul3A_8, %add3A_13 : i32
    "tpu.region"() ({
      %run_scoped3A = tpu.sem_alloc : memref<!tpu.dma_semaphore, #tpu.memory_space<semaphore_mem>>
      %dma_start3A_63 = arith.constant 0 : i32
      %dma_start3A_64 = arith.constant 0 : i32
      %dma_start3A_65 = tpu.memref_slice %arg8[%rem3A_12, %dma_start3A_63, %dma_start3A_64] : memref<2x16x128xi32, #tpu.memory_space<vmem>> -> memref<1x16x128xi32, #tpu.memory_space<vmem>>
      %dma_start3A_66 = tpu.memref_squeeze %dma_start3A_65 : memref<1x16x128xi32, #tpu.memory_space<vmem>> -> memref<16x128xi32, #tpu.memory_space<vmem>>
      %dma_start3A_67 = arith.constant 0 : i32
      %dma_start3A_68 = tpu.memref_slice %arg3[%add3A_14, %dma_start3A_67] : memref<2560x128xi32, #tpu.memory_space<hbm>> -> memref<16x128xi32, #tpu.memory_space<hbm>>
      %dma_start3A_69 = arith.constant 0 : i32
      %dma_start3A_70 = arith.constant 0 : i32
      %dma_start3A_71 = tpu.memref_slice %arg8[%rem3A_12, %dma_start3A_69, %dma_start3A_70] : memref<2x16x128xi32, #tpu.memory_space<vmem>> -> memref<1x16x128xi32, #tpu.memory_space<vmem>>
      %dma_start3A_72 = tpu.memref_squeeze %dma_start3A_71 : memref<1x16x128xi32, #tpu.memory_space<vmem>> -> memref<16x128xi32, #tpu.memory_space<vmem>>
      %dma_start3A_73 = arith.constant 0 : i32
      %dma_start3A_74 = tpu.memref_slice %arg3[%add3A_14, %dma_start3A_73] : memref<2560x128xi32, #tpu.memory_space<hbm>> -> memref<16x128xi32, #tpu.memory_space<hbm>>
      tpu.enqueue_dma source(%dma_start3A_74 : memref<16x128xi32, #tpu.memory_space<hbm>>) target(%dma_start3A_72 : memref<16x128xi32, #tpu.memory_space<vmem>>) target_semaphore(%run_scoped3A : memref<!tpu.dma_semaphore, #tpu.memory_space<semaphore_mem>>)
      %dma_wait3A = arith.constant 0 : i32
      %dma_wait3A_75 = arith.constant 0 : i32
      %dma_wait3A_76 = tpu.memref_slice %arg8[%rem3A_12, %dma_wait3A, %dma_wait3A_75] : memref<2x16x128xi32, #tpu.memory_space<vmem>> -> memref<1x16x128xi32, #tpu.memory_space<vmem>>
      %dma_wait3A_77 = tpu.memref_squeeze %dma_wait3A_76 : memref<1x16x128xi32, #tpu.memory_space<vmem>> -> memref<16x128xi32, #tpu.memory_space<vmem>>
      %dma_wait3A_78 = arith.constant 0 : i32
      %dma_wait3A_79 = tpu.memref_slice %arg3[%add3A_14, %dma_wait3A_78] : memref<2560x128xi32, #tpu.memory_space<hbm>> -> memref<16x128xi32, #tpu.memory_space<hbm>>
      %dma_wait3A_80 = arith.constant 0 : i32
      %dma_wait3A_81 = arith.constant 0 : i32
      %dma_wait3A_82 = tpu.memref_slice %arg8[%rem3A_12, %dma_wait3A_80, %dma_wait3A_81] : memref<2x16x128xi32, #tpu.memory_space<vmem>> -> memref<1x16x128xi32, #tpu.memory_space<vmem>>
      %dma_wait3A_83 = tpu.memref_squeeze %dma_wait3A_82 : memref<1x16x128xi32, #tpu.memory_space<vmem>> -> memref<16x128xi32, #tpu.memory_space<vmem>>
      %dma_wait3A_84 = arith.constant 0 : i32
      %dma_wait3A_85 = tpu.memref_slice %arg3[%add3A_14, %dma_wait3A_84] : memref<2560x128xi32, #tpu.memory_space<hbm>> -> memref<16x128xi32, #tpu.memory_space<hbm>>
      tpu.wait_dma2 semaphore(%run_scoped3A : memref<!tpu.dma_semaphore, #tpu.memory_space<semaphore_mem>>) src(%dma_wait3A_85 : memref<16x128xi32, #tpu.memory_space<hbm>>) dst(%dma_wait3A_83 : memref<16x128xi32, #tpu.memory_space<vmem>>)
      tpu.yield
    }) : () -> ()
    "tpu.region"() ({
      %run_scoped3A = tpu.sem_alloc : memref<!tpu.dma_semaphore, #tpu.memory_space<semaphore_mem>>
      %dma_start3A_63 = arith.constant 0 : i32
      %dma_start3A_64 = arith.constant 0 : i32
      %dma_start3A_65 = tpu.memref_slice %arg9[%rem3A_12, %dma_start3A_63, %dma_start3A_64] : memref<2x16x128xi32, #tpu.memory_space<vmem>> -> memref<1x16x128xi32, #tpu.memory_space<vmem>>
      %dma_start3A_66 = tpu.memref_squeeze %dma_start3A_65 : memref<1x16x128xi32, #tpu.memory_space<vmem>> -> memref<16x128xi32, #tpu.memory_space<vmem>>
      %dma_start3A_67 = arith.constant 0 : i32
      %dma_start3A_68 = tpu.memref_slice %arg4[%add3A_14, %dma_start3A_67] : memref<2560x128xi32, #tpu.memory_space<hbm>> -> memref<16x128xi32, #tpu.memory_space<hbm>>
      %dma_start3A_69 = arith.constant 0 : i32
      %dma_start3A_70 = arith.constant 0 : i32
      %dma_start3A_71 = tpu.memref_slice %arg9[%rem3A_12, %dma_start3A_69, %dma_start3A_70] : memref<2x16x128xi32, #tpu.memory_space<vmem>> -> memref<1x16x128xi32, #tpu.memory_space<vmem>>
      %dma_start3A_72 = tpu.memref_squeeze %dma_start3A_71 : memref<1x16x128xi32, #tpu.memory_space<vmem>> -> memref<16x128xi32, #tpu.memory_space<vmem>>
      %dma_start3A_73 = arith.constant 0 : i32
      %dma_start3A_74 = tpu.memref_slice %arg4[%add3A_14, %dma_start3A_73] : memref<2560x128xi32, #tpu.memory_space<hbm>> -> memref<16x128xi32, #tpu.memory_space<hbm>>
      tpu.enqueue_dma source(%dma_start3A_74 : memref<16x128xi32, #tpu.memory_space<hbm>>) target(%dma_start3A_72 : memref<16x128xi32, #tpu.memory_space<vmem>>) target_semaphore(%run_scoped3A : memref<!tpu.dma_semaphore, #tpu.memory_space<semaphore_mem>>)
      %dma_wait3A = arith.constant 0 : i32
      %dma_wait3A_75 = arith.constant 0 : i32
      %dma_wait3A_76 = tpu.memref_slice %arg9[%rem3A_12, %dma_wait3A, %dma_wait3A_75] : memref<2x16x128xi32, #tpu.memory_space<vmem>> -> memref<1x16x128xi32, #tpu.memory_space<vmem>>
      %dma_wait3A_77 = tpu.memref_squeeze %dma_wait3A_76 : memref<1x16x128xi32, #tpu.memory_space<vmem>> -> memref<16x128xi32, #tpu.memory_space<vmem>>
      %dma_wait3A_78 = arith.constant 0 : i32
      %dma_wait3A_79 = tpu.memref_slice %arg4[%add3A_14, %dma_wait3A_78] : memref<2560x128xi32, #tpu.memory_space<hbm>> -> memref<16x128xi32, #tpu.memory_space<hbm>>
      %dma_wait3A_80 = arith.constant 0 : i32
      %dma_wait3A_81 = arith.constant 0 : i32
      %dma_wait3A_82 = tpu.memref_slice %arg9[%rem3A_12, %dma_wait3A_80, %dma_wait3A_81] : memref<2x16x128xi32, #tpu.memory_space<vmem>> -> memref<1x16x128xi32, #tpu.memory_space<vmem>>
      %dma_wait3A_83 = tpu.memref_squeeze %dma_wait3A_82 : memref<1x16x128xi32, #tpu.memory_space<vmem>> -> memref<16x128xi32, #tpu.memory_space<vmem>>
      %dma_wait3A_84 = arith.constant 0 : i32
      %dma_wait3A_85 = tpu.memref_slice %arg4[%add3A_14, %dma_wait3A_84] : memref<2560x128xi32, #tpu.memory_space<hbm>> -> memref<16x128xi32, #tpu.memory_space<hbm>>
      tpu.wait_dma2 semaphore(%run_scoped3A : memref<!tpu.dma_semaphore, #tpu.memory_space<semaphore_mem>>) src(%dma_wait3A_85 : memref<16x128xi32, #tpu.memory_space<hbm>>) dst(%dma_wait3A_83 : memref<16x128xi32, #tpu.memory_space<vmem>>)
      tpu.yield
    }) : () -> ()
    %rem3A_15 = arith.constant 0 : i32
    %rem3A_16 = arith.constant 2 : i32
    %rem3A_17 = arith.remsi %rem3A_15, %rem3A_16 : i32
    %rem3A_18 = arith.constant 0 : i32
    %rem3A_19 = arith.constant 16 : i32
    %rem3A_20 = arith.remsi %rem3A_18, %rem3A_19 : i32
    %dma_start3A = arith.constant 0 : i32
    %dma_start3A_21 = arith.constant 0 : i32
    %dma_start3A_22 = arith.constant 0 : i32
    %dma_start3A_23 = tpu.memref_slice %arg10[%dma_start3A, %dma_start3A_21, %dma_start3A_22] : memref<2x128x128xf32, #tpu.memory_space<vmem>> -> memref<1x128x128xf32, #tpu.memory_space<vmem>>
    %dma_start3A_24 = tpu.memref_squeeze %dma_start3A_23 : memref<1x128x128xf32, #tpu.memory_space<vmem>> -> memref<128x128xf32, #tpu.memory_space<vmem>>
    %dma_start3A_25 = arith.constant 0 : i32
    %dma_start3A_26 = tpu.memref_slice %arg8[%rem3A_17, %rem3A_20, %dma_start3A_25] : memref<2x16x128xi32, #tpu.memory_space<vmem>> -> memref<1x1x128xi32, #tpu.memory_space<vmem>>
    %dma_start3A_27 = tpu.memref_squeeze %dma_start3A_26 : memref<1x1x128xi32, #tpu.memory_space<vmem>> -> memref<128xi32, #tpu.memory_space<vmem>>
    %dma_start3A_28 = arith.constant 0 : i32
    %dma_start3A_29 = arith.constant 0 : i32
    %dma_start3A_30 = tpu.memref_slice %arg2[%dma_start3A_28, %dma_start3A_29] : memref<10000x128xf32, #tpu.memory_space<hbm>> -> memref<10000x128xf32, #tpu.memory_space<hbm>>
    tpu.enqueue_indirect_dma source(%dma_start3A_30 : memref<10000x128xf32, #tpu.memory_space<hbm>>) target(%dma_start3A_24 : memref<128x128xf32, #tpu.memory_space<vmem>>) offsets(%dma_start3A_27 : memref<128xi32, #tpu.memory_space<vmem>>) semaphore(%arg11 : memref<!tpu.dma_semaphore, #tpu.memory_space<semaphore_mem>>)
    %rem3A_31 = arith.constant 0 : i32
    %rem3A_32 = arith.constant 2 : i32
    %rem3A_33 = arith.remsi %rem3A_31, %rem3A_32 : i32
    %rem3A_34 = arith.constant 1 : i32
    %rem3A_35 = arith.constant 16 : i32
    %rem3A_36 = arith.remsi %rem3A_34, %rem3A_35 : i32
    %dma_start3A_37 = arith.constant 1 : i32
    %dma_start3A_38 = arith.constant 0 : i32
    %dma_start3A_39 = arith.constant 0 : i32
    %dma_start3A_40 = tpu.memref_slice %arg10[%dma_start3A_37, %dma_start3A_38, %dma_start3A_39] : memref<2x128x128xf32, #tpu.memory_space<vmem>> -> memref<1x128x128xf32, #tpu.memory_space<vmem>>
    %dma_start3A_41 = tpu.memref_squeeze %dma_start3A_40 : memref<1x128x128xf32, #tpu.memory_space<vmem>> -> memref<128x128xf32, #tpu.memory_space<vmem>>
    %dma_start3A_42 = arith.constant 0 : i32
    %dma_start3A_43 = tpu.memref_slice %arg8[%rem3A_33, %rem3A_36, %dma_start3A_42] : memref<2x16x128xi32, #tpu.memory_space<vmem>> -> memref<1x1x128xi32, #tpu.memory_space<vmem>>
    %dma_start3A_44 = tpu.memref_squeeze %dma_start3A_43 : memref<1x1x128xi32, #tpu.memory_space<vmem>> -> memref<128xi32, #tpu.memory_space<vmem>>
    %dma_start3A_45 = arith.constant 0 : i32
    %dma_start3A_46 = arith.constant 0 : i32
    %dma_start3A_47 = tpu.memref_slice %arg2[%dma_start3A_45, %dma_start3A_46] : memref<10000x128xf32, #tpu.memory_space<hbm>> -> memref<10000x128xf32, #tpu.memory_space<hbm>>
    tpu.enqueue_indirect_dma source(%dma_start3A_47 : memref<10000x128xf32, #tpu.memory_space<hbm>>) target(%dma_start3A_41 : memref<128x128xf32, #tpu.memory_space<vmem>>) offsets(%dma_start3A_44 : memref<128xi32, #tpu.memory_space<vmem>>) semaphore(%arg12 : memref<!tpu.dma_semaphore, #tpu.memory_space<semaphore_mem>>)
    %scan3A = arith.constant 0 : i32
    %scan3A_48 = arith.constant 0 : i32
    %scan3A_49 = arith.constant 40 : i32
    %scan3A_50 = arith.addi %scan3A_48, %scan3A_49 : i32
    %scan3A_51 = arith.constant 1 : i32
    scf.for %scan3A_63 = %scan3A_48 to %scan3A_50 step %scan3A_51  : i32 {
      %mul3A_64 = arith.constant 2 : i32
      %mul3A_65 = arith.muli %mul3A_64, %scan3A_63 : i32
      %rem3A_66 = arith.constant 16 : i32
      %rem3A_67 = arith.remsi %mul3A_65, %rem3A_66 : i32
      %eq3A_68 = arith.constant 12 : i32
      %eq3A_69 = arith.cmpi eq, %rem3A_67, %eq3A_68 : i32
      %add3A_70 = arith.constant 4 : i32
      %add3A_71 = arith.addi %mul3A_65, %add3A_70 : i32
      %lt3A_72 = arith.constant 80 : i32
      %lt3A_73 = arith.cmpi slt, %add3A_71, %lt3A_72 : i32
      %and3A = arith.andi %eq3A_69, %lt3A_73 : i1
      %convert_element_type3A_74 = arith.extui %and3A : i1 to i32
      %cond3A_75 = arith.constant 0 : i32
      %cond3A_76 = arith.cmpi ne, %convert_element_type3A_74, %cond3A_75 : i32
      scf.if %cond3A_76 {
        %jit3A_181 = arith.constant 16 : i32
        %div3A_182 = arith.divsi %mul3A_65, %jit3A_181 : i32
        %sign3A_183 = arith.constant 0 : i32
        %sign3A_184 = arith.cmpi sgt, %mul3A_65, %sign3A_183 : i32
        %sign3A_185 = arith.extui %sign3A_184 : i1 to i32
        %sign3A_186 = arith.constant 0 : i32
        %sign3A_187 = arith.cmpi slt, %mul3A_65, %sign3A_186 : i32
        %sign3A_188 = arith.extui %sign3A_187 : i1 to i32
        %sign3A_189 = arith.subi %sign3A_185, %sign3A_188 : i32
        %sign3A_190 = arith.constant 0 : i32
        %sign3A_191 = arith.cmpi sgt, %jit3A_181, %sign3A_190 : i32
        %sign3A_192 = arith.extui %sign3A_191 : i1 to i32
        %sign3A_193 = arith.constant 0 : i32
        %sign3A_194 = arith.cmpi slt, %jit3A_181, %sign3A_193 : i32
        %sign3A_195 = arith.extui %sign3A_194 : i1 to i32
        %sign3A_196 = arith.subi %sign3A_192, %sign3A_195 : i32
        %ne3A_197 = arith.cmpi ne, %sign3A_189, %sign3A_196 : i32
        %rem3A_198 = arith.remsi %mul3A_65, %jit3A_181 : i32
        %ne3A_199 = arith.constant 0 : i32
        %ne3A_200 = arith.cmpi ne, %rem3A_198, %ne3A_199 : i32
        %and3A_201 = arith.andi %ne3A_197, %ne3A_200 : i1
        %sub3A_202 = arith.constant 1 : i32
        %sub3A_203 = arith.subi %div3A_182, %sub3A_202 : i32
        %select_n3A_204 = arith.select %and3A_201, %sub3A_203, %div3A_182 : i32
        %add3A_205 = arith.constant 1 : i32
        %add3A_206 = arith.addi %select_n3A_204, %add3A_205 : i32
        %rem3A_207 = arith.constant 2 : i32
        %rem3A_208 = arith.remsi %add3A_206, %rem3A_207 : i32
        %mul3A_209 = arith.constant 16 : i32
        %mul3A_210 = arith.muli %add3A_206, %mul3A_209 : i32
        %add3A_211 = arith.addi %mul3A_8, %mul3A_210 : i32
        %dma_start3A_212 = arith.constant 0 : i32
        %dma_start3A_213 = arith.constant 0 : i32
        %dma_start3A_214 = tpu.memref_slice %arg8[%rem3A_208, %dma_start3A_212, %dma_start3A_213] : memref<2x16x128xi32, #tpu.memory_space<vmem>> -> memref<1x16x128xi32, #tpu.memory_space<vmem>>
        %dma_start3A_215 = tpu.memref_squeeze %dma_start3A_214 : memref<1x16x128xi32, #tpu.memory_space<vmem>> -> memref<16x128xi32, #tpu.memory_space<vmem>>
        %dma_start3A_216 = arith.constant 0 : i32
        %dma_start3A_217 = tpu.memref_slice %arg3[%add3A_211, %dma_start3A_216] : memref<2560x128xi32, #tpu.memory_space<hbm>> -> memref<16x128xi32, #tpu.memory_space<hbm>>
        %dma_start3A_218 = arith.constant 0 : i32
        %dma_start3A_219 = arith.constant 0 : i32
        %dma_start3A_220 = tpu.memref_slice %arg8[%rem3A_208, %dma_start3A_218, %dma_start3A_219] : memref<2x16x128xi32, #tpu.memory_space<vmem>> -> memref<1x16x128xi32, #tpu.memory_space<vmem>>
        %dma_start3A_221 = tpu.memref_squeeze %dma_start3A_220 : memref<1x16x128xi32, #tpu.memory_space<vmem>> -> memref<16x128xi32, #tpu.memory_space<vmem>>
        %dma_start3A_222 = arith.constant 0 : i32
        %dma_start3A_223 = tpu.memref_slice %arg3[%add3A_211, %dma_start3A_222] : memref<2560x128xi32, #tpu.memory_space<hbm>> -> memref<16x128xi32, #tpu.memory_space<hbm>>
        tpu.enqueue_dma source(%dma_start3A_223 : memref<16x128xi32, #tpu.memory_space<hbm>>) target(%dma_start3A_221 : memref<16x128xi32, #tpu.memory_space<vmem>>) target_semaphore(%arg13 : memref<!tpu.dma_semaphore, #tpu.memory_space<semaphore_mem>>)
        %dma_start3A_224 = arith.constant 0 : i32
        %dma_start3A_225 = arith.constant 0 : i32
        %dma_start3A_226 = tpu.memref_slice %arg9[%rem3A_208, %dma_start3A_224, %dma_start3A_225] : memref<2x16x128xi32, #tpu.memory_space<vmem>> -> memref<1x16x128xi32, #tpu.memory_space<vmem>>
        %dma_start3A_227 = tpu.memref_squeeze %dma_start3A_226 : memref<1x16x128xi32, #tpu.memory_space<vmem>> -> memref<16x128xi32, #tpu.memory_space<vmem>>
        %dma_start3A_228 = arith.constant 0 : i32
        %dma_start3A_229 = tpu.memref_slice %arg4[%add3A_211, %dma_start3A_228] : memref<2560x128xi32, #tpu.memory_space<hbm>> -> memref<16x128xi32, #tpu.memory_space<hbm>>
        %dma_start3A_230 = arith.constant 0 : i32
        %dma_start3A_231 = arith.constant 0 : i32
        %dma_start3A_232 = tpu.memref_slice %arg9[%rem3A_208, %dma_start3A_230, %dma_start3A_231] : memref<2x16x128xi32, #tpu.memory_space<vmem>> -> memref<1x16x128xi32, #tpu.memory_space<vmem>>
        %dma_start3A_233 = tpu.memref_squeeze %dma_start3A_232 : memref<1x16x128xi32, #tpu.memory_space<vmem>> -> memref<16x128xi32, #tpu.memory_space<vmem>>
        %dma_start3A_234 = arith.constant 0 : i32
        %dma_start3A_235 = tpu.memref_slice %arg4[%add3A_211, %dma_start3A_234] : memref<2560x128xi32, #tpu.memory_space<hbm>> -> memref<16x128xi32, #tpu.memory_space<hbm>>
        tpu.enqueue_dma source(%dma_start3A_235 : memref<16x128xi32, #tpu.memory_space<hbm>>) target(%dma_start3A_233 : memref<16x128xi32, #tpu.memory_space<vmem>>) target_semaphore(%arg13 : memref<!tpu.dma_semaphore, #tpu.memory_space<semaphore_mem>>)
      } else {
      }
      %rem3A_77 = arith.constant 16 : i32
      %rem3A_78 = arith.remsi %mul3A_65, %rem3A_77 : i32
      %eq3A_79 = arith.constant 14 : i32
      %eq3A_80 = arith.cmpi eq, %rem3A_78, %eq3A_79 : i32
      %add3A_81 = arith.constant 2 : i32
      %add3A_82 = arith.addi %mul3A_65, %add3A_81 : i32
      %lt3A_83 = arith.constant 80 : i32
      %lt3A_84 = arith.cmpi slt, %add3A_82, %lt3A_83 : i32
      %and3A_85 = arith.andi %eq3A_80, %lt3A_84 : i1
      %convert_element_type3A_86 = arith.extui %and3A_85 : i1 to i32
      %cond3A_87 = arith.constant 0 : i32
      %cond3A_88 = arith.cmpi ne, %convert_element_type3A_86, %cond3A_87 : i32
      scf.if %cond3A_88 {
        %jit3A_181 = arith.constant 16 : i32
        %div3A_182 = arith.divsi %mul3A_65, %jit3A_181 : i32
        %sign3A_183 = arith.constant 0 : i32
        %sign3A_184 = arith.cmpi sgt, %mul3A_65, %sign3A_183 : i32
        %sign3A_185 = arith.extui %sign3A_184 : i1 to i32
        %sign3A_186 = arith.constant 0 : i32
        %sign3A_187 = arith.cmpi slt, %mul3A_65, %sign3A_186 : i32
        %sign3A_188 = arith.extui %sign3A_187 : i1 to i32
        %sign3A_189 = arith.subi %sign3A_185, %sign3A_188 : i32
        %sign3A_190 = arith.constant 0 : i32
        %sign3A_191 = arith.cmpi sgt, %jit3A_181, %sign3A_190 : i32
        %sign3A_192 = arith.extui %sign3A_191 : i1 to i32
        %sign3A_193 = arith.constant 0 : i32
        %sign3A_194 = arith.cmpi slt, %jit3A_181, %sign3A_193 : i32
        %sign3A_195 = arith.extui %sign3A_194 : i1 to i32
        %sign3A_196 = arith.subi %sign3A_192, %sign3A_195 : i32
        %ne3A_197 = arith.cmpi ne, %sign3A_189, %sign3A_196 : i32
        %rem3A_198 = arith.remsi %mul3A_65, %jit3A_181 : i32
        %ne3A_199 = arith.constant 0 : i32
        %ne3A_200 = arith.cmpi ne, %rem3A_198, %ne3A_199 : i32
        %and3A_201 = arith.andi %ne3A_197, %ne3A_200 : i1
        %sub3A_202 = arith.constant 1 : i32
        %sub3A_203 = arith.subi %div3A_182, %sub3A_202 : i32
        %select_n3A_204 = arith.select %and3A_201, %sub3A_203, %div3A_182 : i32
        %add3A_205 = arith.constant 1 : i32
        %add3A_206 = arith.addi %select_n3A_204, %add3A_205 : i32
        %rem3A_207 = arith.constant 2 : i32
        %rem3A_208 = arith.remsi %add3A_206, %rem3A_207 : i32
        %mul3A_209 = arith.constant 16 : i32
        %mul3A_210 = arith.muli %add3A_206, %mul3A_209 : i32
        %add3A_211 = arith.addi %mul3A_8, %mul3A_210 : i32
        %dma_wait3A_212 = arith.constant 0 : i32
        %dma_wait3A_213 = arith.constant 0 : i32
        %dma_wait3A_214 = tpu.memref_slice %arg8[%rem3A_208, %dma_wait3A_212, %dma_wait3A_213] : memref<2x16x128xi32, #tpu.memory_space<vmem>> -> memref<1x16x128xi32, #tpu.memory_space<vmem>>
        %dma_wait3A_215 = tpu.memref_squeeze %dma_wait3A_214 : memref<1x16x128xi32, #tpu.memory_space<vmem>> -> memref<16x128xi32, #tpu.memory_space<vmem>>
        %dma_wait3A_216 = arith.constant 0 : i32
        %dma_wait3A_217 = tpu.memref_slice %arg3[%add3A_211, %dma_wait3A_216] : memref<2560x128xi32, #tpu.memory_space<hbm>> -> memref<16x128xi32, #tpu.memory_space<hbm>>
        %dma_wait3A_218 = arith.constant 0 : i32
        %dma_wait3A_219 = arith.constant 0 : i32
        %dma_wait3A_220 = tpu.memref_slice %arg8[%rem3A_208, %dma_wait3A_218, %dma_wait3A_219] : memref<2x16x128xi32, #tpu.memory_space<vmem>> -> memref<1x16x128xi32, #tpu.memory_space<vmem>>
        %dma_wait3A_221 = tpu.memref_squeeze %dma_wait3A_220 : memref<1x16x128xi32, #tpu.memory_space<vmem>> -> memref<16x128xi32, #tpu.memory_space<vmem>>
        %dma_wait3A_222 = arith.constant 0 : i32
        %dma_wait3A_223 = tpu.memref_slice %arg3[%add3A_211, %dma_wait3A_222] : memref<2560x128xi32, #tpu.memory_space<hbm>> -> memref<16x128xi32, #tpu.memory_space<hbm>>
        tpu.wait_dma2 semaphore(%arg13 : memref<!tpu.dma_semaphore, #tpu.memory_space<semaphore_mem>>) src(%dma_wait3A_223 : memref<16x128xi32, #tpu.memory_space<hbm>>) dst(%dma_wait3A_221 : memref<16x128xi32, #tpu.memory_space<vmem>>)
        %dma_wait3A_224 = arith.constant 0 : i32
        %dma_wait3A_225 = arith.constant 0 : i32
        %dma_wait3A_226 = tpu.memref_slice %arg9[%rem3A_208, %dma_wait3A_224, %dma_wait3A_225] : memref<2x16x128xi32, #tpu.memory_space<vmem>> -> memref<1x16x128xi32, #tpu.memory_space<vmem>>
        %dma_wait3A_227 = tpu.memref_squeeze %dma_wait3A_226 : memref<1x16x128xi32, #tpu.memory_space<vmem>> -> memref<16x128xi32, #tpu.memory_space<vmem>>
        %dma_wait3A_228 = arith.constant 0 : i32
        %dma_wait3A_229 = tpu.memref_slice %arg4[%add3A_211, %dma_wait3A_228] : memref<2560x128xi32, #tpu.memory_space<hbm>> -> memref<16x128xi32, #tpu.memory_space<hbm>>
        %dma_wait3A_230 = arith.constant 0 : i32
        %dma_wait3A_231 = arith.constant 0 : i32
        %dma_wait3A_232 = tpu.memref_slice %arg9[%rem3A_208, %dma_wait3A_230, %dma_wait3A_231] : memref<2x16x128xi32, #tpu.memory_space<vmem>> -> memref<1x16x128xi32, #tpu.memory_space<vmem>>
        %dma_wait3A_233 = tpu.memref_squeeze %dma_wait3A_232 : memref<1x16x128xi32, #tpu.memory_space<vmem>> -> memref<16x128xi32, #tpu.memory_space<vmem>>
        %dma_wait3A_234 = arith.constant 0 : i32
        %dma_wait3A_235 = tpu.memref_slice %arg4[%add3A_211, %dma_wait3A_234] : memref<2560x128xi32, #tpu.memory_space<hbm>> -> memref<16x128xi32, #tpu.memory_space<hbm>>
        tpu.wait_dma2 semaphore(%arg13 : memref<!tpu.dma_semaphore, #tpu.memory_space<semaphore_mem>>) src(%dma_wait3A_235 : memref<16x128xi32, #tpu.memory_space<hbm>>) dst(%dma_wait3A_233 : memref<16x128xi32, #tpu.memory_space<vmem>>)
      } else {
      }
      %jit3A = arith.constant 16 : i32
      %div3A = arith.divsi %mul3A_65, %jit3A : i32
      %sign3A = arith.constant 0 : i32
      %sign3A_89 = arith.cmpi sgt, %mul3A_65, %sign3A : i32
      %sign3A_90 = arith.extui %sign3A_89 : i1 to i32
      %sign3A_91 = arith.constant 0 : i32
      %sign3A_92 = arith.cmpi slt, %mul3A_65, %sign3A_91 : i32
      %sign3A_93 = arith.extui %sign3A_92 : i1 to i32
      %sign3A_94 = arith.subi %sign3A_90, %sign3A_93 : i32
      %sign3A_95 = arith.constant 0 : i32
      %sign3A_96 = arith.cmpi sgt, %jit3A, %sign3A_95 : i32
      %sign3A_97 = arith.extui %sign3A_96 : i1 to i32
      %sign3A_98 = arith.constant 0 : i32
      %sign3A_99 = arith.cmpi slt, %jit3A, %sign3A_98 : i32
      %sign3A_100 = arith.extui %sign3A_99 : i1 to i32
      %sign3A_101 = arith.subi %sign3A_97, %sign3A_100 : i32
      %ne3A = arith.cmpi ne, %sign3A_94, %sign3A_101 : i32
      %rem3A_102 = arith.remsi %mul3A_65, %jit3A : i32
      %ne3A_103 = arith.constant 0 : i32
      %ne3A_104 = arith.cmpi ne, %rem3A_102, %ne3A_103 : i32
      %and3A_105 = arith.andi %ne3A, %ne3A_104 : i1
      %sub3A = arith.constant 1 : i32
      %sub3A_106 = arith.subi %div3A, %sub3A : i32
      %select_n3A = arith.select %and3A_105, %sub3A_106, %div3A : i32
      %rem3A_107 = arith.constant 16 : i32
      %rem3A_108 = arith.remsi %mul3A_65, %rem3A_107 : i32
      %rem3A_109 = arith.constant 2 : i32
      %rem3A_110 = arith.remsi %select_n3A, %rem3A_109 : i32
      %dma_wait3A = arith.constant 0 : i32
      %dma_wait3A_111 = arith.constant 0 : i32
      %dma_wait3A_112 = arith.constant 0 : i32
      %dma_wait3A_113 = tpu.memref_slice %arg10[%dma_wait3A, %dma_wait3A_111, %dma_wait3A_112] : memref<2x128x128xf32, #tpu.memory_space<vmem>> -> memref<1x128x128xf32, #tpu.memory_space<vmem>>
      %dma_wait3A_114 = tpu.memref_squeeze %dma_wait3A_113 : memref<1x128x128xf32, #tpu.memory_space<vmem>> -> memref<128x128xf32, #tpu.memory_space<vmem>>
      %dma_wait3A_115 = arith.constant 0 : i32
      %dma_wait3A_116 = tpu.memref_slice %arg8[%rem3A_110, %rem3A_108, %dma_wait3A_115] : memref<2x16x128xi32, #tpu.memory_space<vmem>> -> memref<1x1x128xi32, #tpu.memory_space<vmem>>
      %dma_wait3A_117 = tpu.memref_squeeze %dma_wait3A_116 : memref<1x1x128xi32, #tpu.memory_space<vmem>> -> memref<128xi32, #tpu.memory_space<vmem>>
      %dma_wait3A_118 = arith.constant 0 : i32
      %dma_wait3A_119 = arith.constant 0 : i32
      %dma_wait3A_120 = tpu.memref_slice %arg2[%dma_wait3A_118, %dma_wait3A_119] : memref<10000x128xf32, #tpu.memory_space<hbm>> -> memref<10000x128xf32, #tpu.memory_space<hbm>>
      tpu.wait_indirect_dma semaphore(%arg11 : memref<!tpu.dma_semaphore, #tpu.memory_space<semaphore_mem>>) src(%dma_wait3A_120 : memref<10000x128xf32, #tpu.memory_space<hbm>>) dst(%dma_wait3A_114 : memref<128x128xf32, #tpu.memory_space<vmem>>)
      %rem3A_121 = arith.constant 2 : i32
      %rem3A_122 = arith.remsi %select_n3A, %rem3A_121 : i32
      %run_scoped3A = arith.constant 0 : i32
      "tpu.region"() ({
        %run_scoped3A_181 = tpu.sem_alloc : memref<!tpu.dma_semaphore, #tpu.memory_space<semaphore_mem>>
        %dma_start3A_182 = arith.constant 0 : i32
        %dma_start3A_183 = arith.constant 0 : i32
        %dma_start3A_184 = tpu.memref_slice %arg10[%run_scoped3A, %dma_start3A_182, %dma_start3A_183] : memref<2x128x128xf32, #tpu.memory_space<vmem>> -> memref<1x128x128xf32, #tpu.memory_space<vmem>>
        %dma_start3A_185 = tpu.memref_squeeze %dma_start3A_184 : memref<1x128x128xf32, #tpu.memory_space<vmem>> -> memref<128x128xf32, #tpu.memory_space<vmem>>
        %dma_start3A_186 = arith.constant 0 : i32
        %dma_start3A_187 = tpu.memref_slice %arg9[%rem3A_122, %rem3A_108, %dma_start3A_186] : memref<2x16x128xi32, #tpu.memory_space<vmem>> -> memref<1x1x128xi32, #tpu.memory_space<vmem>>
        %dma_start3A_188 = tpu.memref_squeeze %dma_start3A_187 : memref<1x1x128xi32, #tpu.memory_space<vmem>> -> memref<128xi32, #tpu.memory_space<vmem>>
        %dma_start3A_189 = arith.constant 0 : i32
        %dma_start3A_190 = arith.constant 0 : i32
        %dma_start3A_191 = tpu.memref_slice %arg7[%dma_start3A_189, %dma_start3A_190] : memref<10128x128xf32, #tpu.memory_space<vmem_shared>> -> memref<10128x128xf32, #tpu.memory_space<vmem_shared>>
        tpu.enqueue_indirect_dma source(%dma_start3A_185 : memref<128x128xf32, #tpu.memory_space<vmem>>) target(%dma_start3A_191 : memref<10128x128xf32, #tpu.memory_space<vmem_shared>>) offsets(%dma_start3A_188 : memref<128xi32, #tpu.memory_space<vmem>>) semaphore(%run_scoped3A_181 : memref<!tpu.dma_semaphore, #tpu.memory_space<semaphore_mem>>) {add = true}
        %dma_wait3A_192 = arith.constant 0 : i32
        %dma_wait3A_193 = arith.constant 0 : i32
        %dma_wait3A_194 = tpu.memref_slice %arg10[%run_scoped3A, %dma_wait3A_192, %dma_wait3A_193] : memref<2x128x128xf32, #tpu.memory_space<vmem>> -> memref<1x128x128xf32, #tpu.memory_space<vmem>>
        %dma_wait3A_195 = tpu.memref_squeeze %dma_wait3A_194 : memref<1x128x128xf32, #tpu.memory_space<vmem>> -> memref<128x128xf32, #tpu.memory_space<vmem>>
        %dma_wait3A_196 = arith.constant 0 : i32
        %dma_wait3A_197 = tpu.memref_slice %arg9[%rem3A_122, %rem3A_108, %dma_wait3A_196] : memref<2x16x128xi32, #tpu.memory_space<vmem>> -> memref<1x1x128xi32, #tpu.memory_space<vmem>>
        %dma_wait3A_198 = tpu.memref_squeeze %dma_wait3A_197 : memref<1x1x128xi32, #tpu.memory_space<vmem>> -> memref<128xi32, #tpu.memory_space<vmem>>
        %dma_wait3A_199 = arith.constant 0 : i32
        %dma_wait3A_200 = arith.constant 0 : i32
        %dma_wait3A_201 = tpu.memref_slice %arg7[%dma_wait3A_199, %dma_wait3A_200] : memref<10128x128xf32, #tpu.memory_space<vmem_shared>> -> memref<10128x128xf32, #tpu.memory_space<vmem_shared>>
        tpu.wait_indirect_dma semaphore(%run_scoped3A_181 : memref<!tpu.dma_semaphore, #tpu.memory_space<semaphore_mem>>) src(%dma_wait3A_195 : memref<128x128xf32, #tpu.memory_space<vmem>>) dst(%dma_wait3A_201 : memref<10128x128xf32, #tpu.memory_space<vmem_shared>>)
        tpu.yield
      }) : () -> ()
      %add3A_123 = arith.constant 2 : i32
      %add3A_124 = arith.addi %mul3A_65, %add3A_123 : i32
      %lt3A_125 = arith.constant 80 : i32
      %lt3A_126 = arith.cmpi slt, %add3A_124, %lt3A_125 : i32
      %convert_element_type3A_127 = arith.extui %lt3A_126 : i1 to i32
      %cond3A_128 = arith.constant 0 : i32
      %cond3A_129 = arith.cmpi ne, %convert_element_type3A_127, %cond3A_128 : i32
      scf.if %cond3A_129 {
        %add3A_181 = arith.constant 2 : i32
        %add3A_182 = arith.addi %mul3A_65, %add3A_181 : i32
        %jit3A_183 = arith.constant 16 : i32
        %div3A_184 = arith.divsi %add3A_182, %jit3A_183 : i32
        %sign3A_185 = arith.constant 0 : i32
        %sign3A_186 = arith.cmpi sgt, %add3A_182, %sign3A_185 : i32
        %sign3A_187 = arith.extui %sign3A_186 : i1 to i32
        %sign3A_188 = arith.constant 0 : i32
        %sign3A_189 = arith.cmpi slt, %add3A_182, %sign3A_188 : i32
        %sign3A_190 = arith.extui %sign3A_189 : i1 to i32
        %sign3A_191 = arith.subi %sign3A_187, %sign3A_190 : i32
        %sign3A_192 = arith.constant 0 : i32
        %sign3A_193 = arith.cmpi sgt, %jit3A_183, %sign3A_192 : i32
        %sign3A_194 = arith.extui %sign3A_193 : i1 to i32
        %sign3A_195 = arith.constant 0 : i32
        %sign3A_196 = arith.cmpi slt, %jit3A_183, %sign3A_195 : i32
        %sign3A_197 = arith.extui %sign3A_196 : i1 to i32
        %sign3A_198 = arith.subi %sign3A_194, %sign3A_197 : i32
        %ne3A_199 = arith.cmpi ne, %sign3A_191, %sign3A_198 : i32
        %rem3A_200 = arith.remsi %add3A_182, %jit3A_183 : i32
        %ne3A_201 = arith.constant 0 : i32
        %ne3A_202 = arith.cmpi ne, %rem3A_200, %ne3A_201 : i32
        %and3A_203 = arith.andi %ne3A_199, %ne3A_202 : i1
        %sub3A_204 = arith.constant 1 : i32
        %sub3A_205 = arith.subi %div3A_184, %sub3A_204 : i32
        %select_n3A_206 = arith.select %and3A_203, %sub3A_205, %div3A_184 : i32
        %rem3A_207 = arith.constant 2 : i32
        %rem3A_208 = arith.remsi %select_n3A_206, %rem3A_207 : i32
        %rem3A_209 = arith.constant 16 : i32
        %rem3A_210 = arith.remsi %add3A_182, %rem3A_209 : i32
        %dma_start3A_211 = arith.constant 0 : i32
        %dma_start3A_212 = arith.constant 0 : i32
        %dma_start3A_213 = arith.constant 0 : i32
        %dma_start3A_214 = tpu.memref_slice %arg10[%dma_start3A_211, %dma_start3A_212, %dma_start3A_213] : memref<2x128x128xf32, #tpu.memory_space<vmem>> -> memref<1x128x128xf32, #tpu.memory_space<vmem>>
        %dma_start3A_215 = tpu.memref_squeeze %dma_start3A_214 : memref<1x128x128xf32, #tpu.memory_space<vmem>> -> memref<128x128xf32, #tpu.memory_space<vmem>>
        %dma_start3A_216 = arith.constant 0 : i32
        %dma_start3A_217 = tpu.memref_slice %arg8[%rem3A_208, %rem3A_210, %dma_start3A_216] : memref<2x16x128xi32, #tpu.memory_space<vmem>> -> memref<1x1x128xi32, #tpu.memory_space<vmem>>
        %dma_start3A_218 = tpu.memref_squeeze %dma_start3A_217 : memref<1x1x128xi32, #tpu.memory_space<vmem>> -> memref<128xi32, #tpu.memory_space<vmem>>
        %dma_start3A_219 = arith.constant 0 : i32
        %dma_start3A_220 = arith.constant 0 : i32
        %dma_start3A_221 = tpu.memref_slice %arg2[%dma_start3A_219, %dma_start3A_220] : memref<10000x128xf32, #tpu.memory_space<hbm>> -> memref<10000x128xf32, #tpu.memory_space<hbm>>
        tpu.enqueue_indirect_dma source(%dma_start3A_221 : memref<10000x128xf32, #tpu.memory_space<hbm>>) target(%dma_start3A_215 : memref<128x128xf32, #tpu.memory_space<vmem>>) offsets(%dma_start3A_218 : memref<128xi32, #tpu.memory_space<vmem>>) semaphore(%arg11 : memref<!tpu.dma_semaphore, #tpu.memory_space<semaphore_mem>>)
      } else {
      }
      %add3A_130 = arith.constant 1 : i32
      %add3A_131 = arith.addi %mul3A_65, %add3A_130 : i32
      %jit3A_132 = arith.constant 16 : i32
      %div3A_133 = arith.divsi %add3A_131, %jit3A_132 : i32
      %sign3A_134 = arith.constant 0 : i32
      %sign3A_135 = arith.cmpi sgt, %add3A_131, %sign3A_134 : i32
      %sign3A_136 = arith.extui %sign3A_135 : i1 to i32
      %sign3A_137 = arith.constant 0 : i32
      %sign3A_138 = arith.cmpi slt, %add3A_131, %sign3A_137 : i32
      %sign3A_139 = arith.extui %sign3A_138 : i1 to i32
      %sign3A_140 = arith.subi %sign3A_136, %sign3A_139 : i32
      %sign3A_141 = arith.constant 0 : i32
      %sign3A_142 = arith.cmpi sgt, %jit3A_132, %sign3A_141 : i32
      %sign3A_143 = arith.extui %sign3A_142 : i1 to i32
      %sign3A_144 = arith.constant 0 : i32
      %sign3A_145 = arith.cmpi slt, %jit3A_132, %sign3A_144 : i32
      %sign3A_146 = arith.extui %sign3A_145 : i1 to i32
      %sign3A_147 = arith.subi %sign3A_143, %sign3A_146 : i32
      %ne3A_148 = arith.cmpi ne, %sign3A_140, %sign3A_147 : i32
      %rem3A_149 = arith.remsi %add3A_131, %jit3A_132 : i32
      %ne3A_150 = arith.constant 0 : i32
      %ne3A_151 = arith.cmpi ne, %rem3A_149, %ne3A_150 : i32
      %and3A_152 = arith.andi %ne3A_148, %ne3A_151 : i1
      %sub3A_153 = arith.constant 1 : i32
      %sub3A_154 = arith.subi %div3A_133, %sub3A_153 : i32
      %select_n3A_155 = arith.select %and3A_152, %sub3A_154, %div3A_133 : i32
      %rem3A_156 = arith.constant 16 : i32
      %rem3A_157 = arith.remsi %add3A_131, %rem3A_156 : i32
      %rem3A_158 = arith.constant 2 : i32
      %rem3A_159 = arith.remsi %select_n3A_155, %rem3A_158 : i32
      %dma_wait3A_160 = arith.constant 1 : i32
      %dma_wait3A_161 = arith.constant 0 : i32
      %dma_wait3A_162 = arith.constant 0 : i32
      %dma_wait3A_163 = tpu.memref_slice %arg10[%dma_wait3A_160, %dma_wait3A_161, %dma_wait3A_162] : memref<2x128x128xf32, #tpu.memory_space<vmem>> -> memref<1x128x128xf32, #tpu.memory_space<vmem>>
      %dma_wait3A_164 = tpu.memref_squeeze %dma_wait3A_163 : memref<1x128x128xf32, #tpu.memory_space<vmem>> -> memref<128x128xf32, #tpu.memory_space<vmem>>
      %dma_wait3A_165 = arith.constant 0 : i32
      %dma_wait3A_166 = tpu.memref_slice %arg8[%rem3A_159, %rem3A_157, %dma_wait3A_165] : memref<2x16x128xi32, #tpu.memory_space<vmem>> -> memref<1x1x128xi32, #tpu.memory_space<vmem>>
      %dma_wait3A_167 = tpu.memref_squeeze %dma_wait3A_166 : memref<1x1x128xi32, #tpu.memory_space<vmem>> -> memref<128xi32, #tpu.memory_space<vmem>>
      %dma_wait3A_168 = arith.constant 0 : i32
      %dma_wait3A_169 = arith.constant 0 : i32
      %dma_wait3A_170 = tpu.memref_slice %arg2[%dma_wait3A_168, %dma_wait3A_169] : memref<10000x128xf32, #tpu.memory_space<hbm>> -> memref<10000x128xf32, #tpu.memory_space<hbm>>
      tpu.wait_indirect_dma semaphore(%arg12 : memref<!tpu.dma_semaphore, #tpu.memory_space<semaphore_mem>>) src(%dma_wait3A_170 : memref<10000x128xf32, #tpu.memory_space<hbm>>) dst(%dma_wait3A_164 : memref<128x128xf32, #tpu.memory_space<vmem>>)
      %rem3A_171 = arith.constant 2 : i32
      %rem3A_172 = arith.remsi %select_n3A_155, %rem3A_171 : i32
      %run_scoped3A_173 = arith.constant 1 : i32
      "tpu.region"() ({
        %run_scoped3A_181 = tpu.sem_alloc : memref<!tpu.dma_semaphore, #tpu.memory_space<semaphore_mem>>
        %dma_start3A_182 = arith.constant 0 : i32
        %dma_start3A_183 = arith.constant 0 : i32
        %dma_start3A_184 = tpu.memref_slice %arg10[%run_scoped3A_173, %dma_start3A_182, %dma_start3A_183] : memref<2x128x128xf32, #tpu.memory_space<vmem>> -> memref<1x128x128xf32, #tpu.memory_space<vmem>>
        %dma_start3A_185 = tpu.memref_squeeze %dma_start3A_184 : memref<1x128x128xf32, #tpu.memory_space<vmem>> -> memref<128x128xf32, #tpu.memory_space<vmem>>
        %dma_start3A_186 = arith.constant 0 : i32
        %dma_start3A_187 = tpu.memref_slice %arg9[%rem3A_172, %rem3A_157, %dma_start3A_186] : memref<2x16x128xi32, #tpu.memory_space<vmem>> -> memref<1x1x128xi32, #tpu.memory_space<vmem>>
        %dma_start3A_188 = tpu.memref_squeeze %dma_start3A_187 : memref<1x1x128xi32, #tpu.memory_space<vmem>> -> memref<128xi32, #tpu.memory_space<vmem>>
        %dma_start3A_189 = arith.constant 0 : i32
        %dma_start3A_190 = arith.constant 0 : i32
        %dma_start3A_191 = tpu.memref_slice %arg7[%dma_start3A_189, %dma_start3A_190] : memref<10128x128xf32, #tpu.memory_space<vmem_shared>> -> memref<10128x128xf32, #tpu.memory_space<vmem_shared>>
        tpu.enqueue_indirect_dma source(%dma_start3A_185 : memref<128x128xf32, #tpu.memory_space<vmem>>) target(%dma_start3A_191 : memref<10128x128xf32, #tpu.memory_space<vmem_shared>>) offsets(%dma_start3A_188 : memref<128xi32, #tpu.memory_space<vmem>>) semaphore(%run_scoped3A_181 : memref<!tpu.dma_semaphore, #tpu.memory_space<semaphore_mem>>) {add = true}
        %dma_wait3A_192 = arith.constant 0 : i32
        %dma_wait3A_193 = arith.constant 0 : i32
        %dma_wait3A_194 = tpu.memref_slice %arg10[%run_scoped3A_173, %dma_wait3A_192, %dma_wait3A_193] : memref<2x128x128xf32, #tpu.memory_space<vmem>> -> memref<1x128x128xf32, #tpu.memory_space<vmem>>
        %dma_wait3A_195 = tpu.memref_squeeze %dma_wait3A_194 : memref<1x128x128xf32, #tpu.memory_space<vmem>> -> memref<128x128xf32, #tpu.memory_space<vmem>>
        %dma_wait3A_196 = arith.constant 0 : i32
        %dma_wait3A_197 = tpu.memref_slice %arg9[%rem3A_172, %rem3A_157, %dma_wait3A_196] : memref<2x16x128xi32, #tpu.memory_space<vmem>> -> memref<1x1x128xi32, #tpu.memory_space<vmem>>
        %dma_wait3A_198 = tpu.memref_squeeze %dma_wait3A_197 : memref<1x1x128xi32, #tpu.memory_space<vmem>> -> memref<128xi32, #tpu.memory_space<vmem>>
        %dma_wait3A_199 = arith.constant 0 : i32
        %dma_wait3A_200 = arith.constant 0 : i32
        %dma_wait3A_201 = tpu.memref_slice %arg7[%dma_wait3A_199, %dma_wait3A_200] : memref<10128x128xf32, #tpu.memory_space<vmem_shared>> -> memref<10128x128xf32, #tpu.memory_space<vmem_shared>>
        tpu.wait_indirect_dma semaphore(%run_scoped3A_181 : memref<!tpu.dma_semaphore, #tpu.memory_space<semaphore_mem>>) src(%dma_wait3A_195 : memref<128x128xf32, #tpu.memory_space<vmem>>) dst(%dma_wait3A_201 : memref<10128x128xf32, #tpu.memory_space<vmem_shared>>)
        tpu.yield
      }) : () -> ()
      %add3A_174 = arith.constant 3 : i32
      %add3A_175 = arith.addi %mul3A_65, %add3A_174 : i32
      %lt3A_176 = arith.constant 80 : i32
      %lt3A_177 = arith.cmpi slt, %add3A_175, %lt3A_176 : i32
      %convert_element_type3A_178 = arith.extui %lt3A_177 : i1 to i32
      %cond3A_179 = arith.constant 0 : i32
      %cond3A_180 = arith.cmpi ne, %convert_element_type3A_178, %cond3A_179 : i32
      scf.if %cond3A_180 {
        %add3A_181 = arith.constant 3 : i32
        %add3A_182 = arith.addi %mul3A_65, %add3A_181 : i32
        %jit3A_183 = arith.constant 16 : i32
        %div3A_184 = arith.divsi %add3A_182, %jit3A_183 : i32
        %sign3A_185 = arith.constant 0 : i32
        %sign3A_186 = arith.cmpi sgt, %add3A_182, %sign3A_185 : i32
        %sign3A_187 = arith.extui %sign3A_186 : i1 to i32
        %sign3A_188 = arith.constant 0 : i32
        %sign3A_189 = arith.cmpi slt, %add3A_182, %sign3A_188 : i32
        %sign3A_190 = arith.extui %sign3A_189 : i1 to i32
        %sign3A_191 = arith.subi %sign3A_187, %sign3A_190 : i32
        %sign3A_192 = arith.constant 0 : i32
        %sign3A_193 = arith.cmpi sgt, %jit3A_183, %sign3A_192 : i32
        %sign3A_194 = arith.extui %sign3A_193 : i1 to i32
        %sign3A_195 = arith.constant 0 : i32
        %sign3A_196 = arith.cmpi slt, %jit3A_183, %sign3A_195 : i32
        %sign3A_197 = arith.extui %sign3A_196 : i1 to i32
        %sign3A_198 = arith.subi %sign3A_194, %sign3A_197 : i32
        %ne3A_199 = arith.cmpi ne, %sign3A_191, %sign3A_198 : i32
        %rem3A_200 = arith.remsi %add3A_182, %jit3A_183 : i32
        %ne3A_201 = arith.constant 0 : i32
        %ne3A_202 = arith.cmpi ne, %rem3A_200, %ne3A_201 : i32
        %and3A_203 = arith.andi %ne3A_199, %ne3A_202 : i1
        %sub3A_204 = arith.constant 1 : i32
        %sub3A_205 = arith.subi %div3A_184, %sub3A_204 : i32
        %select_n3A_206 = arith.select %and3A_203, %sub3A_205, %div3A_184 : i32
        %rem3A_207 = arith.constant 2 : i32
        %rem3A_208 = arith.remsi %select_n3A_206, %rem3A_207 : i32
        %rem3A_209 = arith.constant 16 : i32
        %rem3A_210 = arith.remsi %add3A_182, %rem3A_209 : i32
        %dma_start3A_211 = arith.constant 1 : i32
        %dma_start3A_212 = arith.constant 0 : i32
        %dma_start3A_213 = arith.constant 0 : i32
        %dma_start3A_214 = tpu.memref_slice %arg10[%dma_start3A_211, %dma_start3A_212, %dma_start3A_213] : memref<2x128x128xf32, #tpu.memory_space<vmem>> -> memref<1x128x128xf32, #tpu.memory_space<vmem>>
        %dma_start3A_215 = tpu.memref_squeeze %dma_start3A_214 : memref<1x128x128xf32, #tpu.memory_space<vmem>> -> memref<128x128xf32, #tpu.memory_space<vmem>>
        %dma_start3A_216 = arith.constant 0 : i32
        %dma_start3A_217 = tpu.memref_slice %arg8[%rem3A_208, %rem3A_210, %dma_start3A_216] : memref<2x16x128xi32, #tpu.memory_space<vmem>> -> memref<1x1x128xi32, #tpu.memory_space<vmem>>
        %dma_start3A_218 = tpu.memref_squeeze %dma_start3A_217 : memref<1x1x128xi32, #tpu.memory_space<vmem>> -> memref<128xi32, #tpu.memory_space<vmem>>
        %dma_start3A_219 = arith.constant 0 : i32
        %dma_start3A_220 = arith.constant 0 : i32
        %dma_start3A_221 = tpu.memref_slice %arg2[%dma_start3A_219, %dma_start3A_220] : memref<10000x128xf32, #tpu.memory_space<hbm>> -> memref<10000x128xf32, #tpu.memory_space<hbm>>
        tpu.enqueue_indirect_dma source(%dma_start3A_221 : memref<10000x128xf32, #tpu.memory_space<hbm>>) target(%dma_start3A_215 : memref<128x128xf32, #tpu.memory_space<vmem>>) offsets(%dma_start3A_218 : memref<128xi32, #tpu.memory_space<vmem>>) semaphore(%arg12 : memref<!tpu.dma_semaphore, #tpu.memory_space<semaphore_mem>>)
      } else {
      }
    }
    %scan3A_52 = arith.constant 40 : i32
    %barrier3A_53 = arith.constant 0 : index
    tpu.barrier barrier_id(%barrier3A_53)
    %eq3A = arith.constant 0 : i32
    %eq3A_54 = arith.cmpi eq, %arg0, %eq3A : i32
    %convert_element_type3A_55 = arith.extui %eq3A_54 : i1 to i32
    %cond3A_56 = arith.constant 0 : i32
    %cond3A_57 = arith.cmpi ne, %convert_element_type3A_55, %cond3A_56 : i32
    scf.if %cond3A_57 {
      "tpu.region"() ({
        %run_scoped3A = tpu.sem_alloc : memref<!tpu.dma_semaphore, #tpu.memory_space<semaphore_mem>>
        %dma_start3A_68 = arith.constant 0 : i32
        %dma_start3A_69 = tpu.memref_slice %arg5[%mul3A_0, %dma_start3A_68] : memref<10000x128xf32, #tpu.memory_space<hbm>> -> memref<624x128xf32, #tpu.memory_space<hbm>>
        %dma_start3A_70 = arith.constant 0 : i32
        %dma_start3A_71 = tpu.memref_slice %arg7[%mul3A_0, %dma_start3A_70] : memref<10128x128xf32, #tpu.memory_space<vmem_shared>> -> memref<624x128xf32, #tpu.memory_space<vmem_shared>>
        tpu.enqueue_dma source(%dma_start3A_71 : memref<624x128xf32, #tpu.memory_space<vmem_shared>>) target(%dma_start3A_69 : memref<624x128xf32, #tpu.memory_space<hbm>>) target_semaphore(%run_scoped3A : memref<!tpu.dma_semaphore, #tpu.memory_space<semaphore_mem>>)
        %dma_wait3A = arith.constant 0 : i32
        %dma_wait3A_72 = tpu.memref_slice %arg5[%mul3A_0, %dma_wait3A] : memref<10000x128xf32, #tpu.memory_space<hbm>> -> memref<624x128xf32, #tpu.memory_space<hbm>>
        %dma_wait3A_73 = arith.constant 0 : i32
        %dma_wait3A_74 = tpu.memref_slice %arg7[%mul3A_0, %dma_wait3A_73] : memref<10128x128xf32, #tpu.memory_space<vmem_shared>> -> memref<624x128xf32, #tpu.memory_space<vmem_shared>>
        tpu.wait_dma2 semaphore(%run_scoped3A : memref<!tpu.dma_semaphore, #tpu.memory_space<semaphore_mem>>) src(%dma_wait3A_74 : memref<624x128xf32, #tpu.memory_space<vmem_shared>>) dst(%dma_wait3A_72 : memref<624x128xf32, #tpu.memory_space<hbm>>)
        tpu.yield
      }) : () -> ()
      %lt3A_63 = arith.constant 2 : i32
      %lt3A_64 = arith.cmpi slt, %arg1, %lt3A_63 : i32
      %convert_element_type3A_65 = arith.extui %lt3A_64 : i1 to i32
      %cond3A_66 = arith.constant 0 : i32
      %cond3A_67 = arith.cmpi ne, %convert_element_type3A_65, %cond3A_66 : i32
      scf.if %cond3A_67 {
        "tpu.region"() ({
          %run_scoped3A = tpu.sem_alloc : memref<!tpu.dma_semaphore, #tpu.memory_space<semaphore_mem>>
          %dma_start3A_68 = arith.constant 0 : i32
          %dma_start3A_69 = tpu.memref_slice %arg5[%add3A_3, %dma_start3A_68] : memref<10000x128xf32, #tpu.memory_space<hbm>> -> memref<8x128xf32, #tpu.memory_space<hbm>>
          %dma_start3A_70 = arith.constant 0 : i32
          %dma_start3A_71 = tpu.memref_slice %arg7[%add3A_3, %dma_start3A_70] : memref<10128x128xf32, #tpu.memory_space<vmem_shared>> -> memref<8x128xf32, #tpu.memory_space<vmem_shared>>
          tpu.enqueue_dma source(%dma_start3A_71 : memref<8x128xf32, #tpu.memory_space<vmem_shared>>) target(%dma_start3A_69 : memref<8x128xf32, #tpu.memory_space<hbm>>) target_semaphore(%run_scoped3A : memref<!tpu.dma_semaphore, #tpu.memory_space<semaphore_mem>>)
          %dma_wait3A = arith.constant 0 : i32
          %dma_wait3A_72 = tpu.memref_slice %arg5[%add3A_3, %dma_wait3A] : memref<10000x128xf32, #tpu.memory_space<hbm>> -> memref<8x128xf32, #tpu.memory_space<hbm>>
          %dma_wait3A_73 = arith.constant 0 : i32
          %dma_wait3A_74 = tpu.memref_slice %arg7[%add3A_3, %dma_wait3A_73] : memref<10128x128xf32, #tpu.memory_space<vmem_shared>> -> memref<8x128xf32, #tpu.memory_space<vmem_shared>>
          tpu.wait_dma2 semaphore(%run_scoped3A : memref<!tpu.dma_semaphore, #tpu.memory_space<semaphore_mem>>) src(%dma_wait3A_74 : memref<8x128xf32, #tpu.memory_space<vmem_shared>>) dst(%dma_wait3A_72 : memref<8x128xf32, #tpu.memory_space<hbm>>)
          tpu.yield
        }) : () -> ()
      } else {
      }
    } else {
    }
    %eq3A_58 = arith.constant 1 : i32
    %eq3A_59 = arith.cmpi eq, %arg0, %eq3A_58 : i32
    %convert_element_type3A_60 = arith.extui %eq3A_59 : i1 to i32
    %cond3A_61 = arith.constant 0 : i32
    %cond3A_62 = arith.cmpi ne, %convert_element_type3A_60, %cond3A_61 : i32
    scf.if %cond3A_62 {
      "tpu.region"() ({
        %run_scoped3A = tpu.sem_alloc : memref<!tpu.dma_semaphore, #tpu.memory_space<semaphore_mem>>
        %dma_start3A_68 = arith.constant 0 : i32
        %dma_start3A_69 = tpu.memref_slice %arg6[%mul3A_0, %dma_start3A_68] : memref<10000x128xf32, #tpu.memory_space<hbm>> -> memref<624x128xf32, #tpu.memory_space<hbm>>
        %dma_start3A_70 = arith.constant 0 : i32
        %dma_start3A_71 = tpu.memref_slice %arg7[%mul3A_0, %dma_start3A_70] : memref<10128x128xf32, #tpu.memory_space<vmem_shared>> -> memref<624x128xf32, #tpu.memory_space<vmem_shared>>
        tpu.enqueue_dma source(%dma_start3A_71 : memref<624x128xf32, #tpu.memory_space<vmem_shared>>) target(%dma_start3A_69 : memref<624x128xf32, #tpu.memory_space<hbm>>) target_semaphore(%run_scoped3A : memref<!tpu.dma_semaphore, #tpu.memory_space<semaphore_mem>>)
        %dma_wait3A = arith.constant 0 : i32
        %dma_wait3A_72 = tpu.memref_slice %arg6[%mul3A_0, %dma_wait3A] : memref<10000x128xf32, #tpu.memory_space<hbm>> -> memref<624x128xf32, #tpu.memory_space<hbm>>
        %dma_wait3A_73 = arith.constant 0 : i32
        %dma_wait3A_74 = tpu.memref_slice %arg7[%mul3A_0, %dma_wait3A_73] : memref<10128x128xf32, #tpu.memory_space<vmem_shared>> -> memref<624x128xf32, #tpu.memory_space<vmem_shared>>
        tpu.wait_dma2 semaphore(%run_scoped3A : memref<!tpu.dma_semaphore, #tpu.memory_space<semaphore_mem>>) src(%dma_wait3A_74 : memref<624x128xf32, #tpu.memory_space<vmem_shared>>) dst(%dma_wait3A_72 : memref<624x128xf32, #tpu.memory_space<hbm>>)
        tpu.yield
      }) : () -> ()
      %lt3A_63 = arith.constant 2 : i32
      %lt3A_64 = arith.cmpi slt, %arg1, %lt3A_63 : i32
      %convert_element_type3A_65 = arith.extui %lt3A_64 : i1 to i32
      %cond3A_66 = arith.constant 0 : i32
      %cond3A_67 = arith.cmpi ne, %convert_element_type3A_65, %cond3A_66 : i32
      scf.if %cond3A_67 {
        "tpu.region"() ({
          %run_scoped3A = tpu.sem_alloc : memref<!tpu.dma_semaphore, #tpu.memory_space<semaphore_mem>>
          %dma_start3A_68 = arith.constant 0 : i32
          %dma_start3A_69 = tpu.memref_slice %arg6[%add3A_3, %dma_start3A_68] : memref<10000x128xf32, #tpu.memory_space<hbm>> -> memref<8x128xf32, #tpu.memory_space<hbm>>
          %dma_start3A_70 = arith.constant 0 : i32
          %dma_start3A_71 = tpu.memref_slice %arg7[%add3A_3, %dma_start3A_70] : memref<10128x128xf32, #tpu.memory_space<vmem_shared>> -> memref<8x128xf32, #tpu.memory_space<vmem_shared>>
          tpu.enqueue_dma source(%dma_start3A_71 : memref<8x128xf32, #tpu.memory_space<vmem_shared>>) target(%dma_start3A_69 : memref<8x128xf32, #tpu.memory_space<hbm>>) target_semaphore(%run_scoped3A : memref<!tpu.dma_semaphore, #tpu.memory_space<semaphore_mem>>)
          %dma_wait3A = arith.constant 0 : i32
          %dma_wait3A_72 = tpu.memref_slice %arg6[%add3A_3, %dma_wait3A] : memref<10000x128xf32, #tpu.memory_space<hbm>> -> memref<8x128xf32, #tpu.memory_space<hbm>>
          %dma_wait3A_73 = arith.constant 0 : i32
          %dma_wait3A_74 = tpu.memref_slice %arg7[%add3A_3, %dma_wait3A_73] : memref<10128x128xf32, #tpu.memory_space<vmem_shared>> -> memref<8x128xf32, #tpu.memory_space<vmem_shared>>
          tpu.wait_dma2 semaphore(%run_scoped3A : memref<!tpu.dma_semaphore, #tpu.memory_space<semaphore_mem>>) src(%dma_wait3A_74 : memref<8x128xf32, #tpu.memory_space<vmem_shared>>) dst(%dma_wait3A_72 : memref<8x128xf32, #tpu.memory_space<hbm>>)
          tpu.yield
        }) : () -> ()
      } else {
      }
    } else {
    }
    return
  }
}

#map = affine_map<(d0, d1) -> (0, 0)>
module attributes {stable_mosaic.version = 14 : i64} {
  func.func @body(%arg0: i32, %arg1: i32, %arg2: memref<10000x128xf32, #tpu.memory_space<hbm>>, %arg3: memref<10000x128xf32, #tpu.memory_space<hbm>>, %arg4: memref<2560x128xi32, #tpu.memory_space<hbm>>, %arg5: memref<2560x128xi32, #tpu.memory_space<hbm>>, %arg6: memref<10000x128xf32, #tpu.memory_space<hbm>>, %arg7: memref<10000x128xf32, #tpu.memory_space<hbm>>, %arg8: memref<10128x128xf32, #tpu.memory_space<vmem_shared>>, %arg9: memref<2x32x128xi32, #tpu.memory_space<vmem>>, %arg10: memref<2x32x128xi32, #tpu.memory_space<vmem>>, %arg11: memref<2x128x128xf32, #tpu.memory_space<vmem>>, %arg12: memref<!tpu.dma_semaphore, #tpu.memory_space<semaphore_mem>>, %arg13: memref<!tpu.dma_semaphore, #tpu.memory_space<semaphore_mem>>, %arg14: memref<!tpu.dma_semaphore, #tpu.memory_space<semaphore_mem>>) attributes {dimension_semantics = [#tpu.dimension_semantics<core_parallel>, #tpu.dimension_semantics<subcore_parallel>], iteration_bounds = array<i64: 2, 16>, scalar_prefetch = 0 : i64, scratch_operands = 7 : i64, tpu.core_type = #tpu.core_type<sc_vector_subcore>, window_params = [{transform_indices = #map}, {transform_indices = #map}, {transform_indices = #map}, {transform_indices = #map}, {transform_indices = #map}, {transform_indices = #map}]} {
    %mul3A = arith.constant 624 : i32
    %mul3A_0 = arith.muli %arg1, %mul3A : i32
    %mul3A_1 = arith.constant 8 : i32
    %mul3A_2 = arith.muli %arg1, %mul3A_1 : i32
    %add3A = arith.constant 9984 : i32
    %add3A_3 = arith.addi %add3A, %mul3A_2 : i32
    %mul3A_4 = arith.constant 160 : i32
    %mul3A_5 = arith.muli %arg1, %mul3A_4 : i32
    %eq3A = arith.constant 0 : i32
    %eq3A_6 = arith.cmpi eq, %arg0, %eq3A : i32
    %convert_element_type3A = arith.extui %eq3A_6 : i1 to i32
    %cond3A = arith.constant 0 : i32
    %cond3A_7 = arith.cmpi ne, %convert_element_type3A, %cond3A : i32
    scf.if %cond3A_7 {
      "tpu.region"() ({
        %run_scoped3A = tpu.sem_alloc : memref<!tpu.dma_semaphore, #tpu.memory_space<semaphore_mem>>
        %dma_start3A_65 = arith.constant 0 : i32
        %dma_start3A_66 = tpu.memref_slice %arg8[%mul3A_0, %dma_start3A_65] : memref<10128x128xf32, #tpu.memory_space<vmem_shared>> -> memref<624x128xf32, #tpu.memory_space<vmem_shared>>
        %dma_start3A_67 = arith.constant 0 : i32
        %dma_start3A_68 = tpu.memref_slice %arg2[%mul3A_0, %dma_start3A_67] : memref<10000x128xf32, #tpu.memory_space<hbm>> -> memref<624x128xf32, #tpu.memory_space<hbm>>
        tpu.enqueue_dma source(%dma_start3A_68 : memref<624x128xf32, #tpu.memory_space<hbm>>) target(%dma_start3A_66 : memref<624x128xf32, #tpu.memory_space<vmem_shared>>) target_semaphore(%run_scoped3A : memref<!tpu.dma_semaphore, #tpu.memory_space<semaphore_mem>>)
        %dma_wait3A = arith.constant 0 : i32
        %dma_wait3A_69 = tpu.memref_slice %arg8[%mul3A_0, %dma_wait3A] : memref<10128x128xf32, #tpu.memory_space<vmem_shared>> -> memref<624x128xf32, #tpu.memory_space<vmem_shared>>
        %dma_wait3A_70 = arith.constant 0 : i32
        %dma_wait3A_71 = tpu.memref_slice %arg2[%mul3A_0, %dma_wait3A_70] : memref<10000x128xf32, #tpu.memory_space<hbm>> -> memref<624x128xf32, #tpu.memory_space<hbm>>
        tpu.wait_dma2 semaphore(%run_scoped3A : memref<!tpu.dma_semaphore, #tpu.memory_space<semaphore_mem>>) src(%dma_wait3A_71 : memref<624x128xf32, #tpu.memory_space<hbm>>) dst(%dma_wait3A_69 : memref<624x128xf32, #tpu.memory_space<vmem_shared>>)
        tpu.yield
      }) : () -> ()
      %lt3A = arith.constant 2 : i32
      %lt3A_13 = arith.cmpi slt, %arg1, %lt3A : i32
      %convert_element_type3A_14 = arith.extui %lt3A_13 : i1 to i32
      %cond3A_15 = arith.constant 0 : i32
      %cond3A_16 = arith.cmpi ne, %convert_element_type3A_14, %cond3A_15 : i32
      scf.if %cond3A_16 {
        "tpu.region"() ({
          %run_scoped3A = tpu.sem_alloc : memref<!tpu.dma_semaphore, #tpu.memory_space<semaphore_mem>>
          %dma_start3A_65 = arith.constant 0 : i32
          %dma_start3A_66 = tpu.memref_slice %arg8[%add3A_3, %dma_start3A_65] : memref<10128x128xf32, #tpu.memory_space<vmem_shared>> -> memref<8x128xf32, #tpu.memory_space<vmem_shared>>
          %dma_start3A_67 = arith.constant 0 : i32
          %dma_start3A_68 = tpu.memref_slice %arg2[%add3A_3, %dma_start3A_67] : memref<10000x128xf32, #tpu.memory_space<hbm>> -> memref<8x128xf32, #tpu.memory_space<hbm>>
          tpu.enqueue_dma source(%dma_start3A_68 : memref<8x128xf32, #tpu.memory_space<hbm>>) target(%dma_start3A_66 : memref<8x128xf32, #tpu.memory_space<vmem_shared>>) target_semaphore(%run_scoped3A : memref<!tpu.dma_semaphore, #tpu.memory_space<semaphore_mem>>)
          %dma_wait3A = arith.constant 0 : i32
          %dma_wait3A_69 = tpu.memref_slice %arg8[%add3A_3, %dma_wait3A] : memref<10128x128xf32, #tpu.memory_space<vmem_shared>> -> memref<8x128xf32, #tpu.memory_space<vmem_shared>>
          %dma_wait3A_70 = arith.constant 0 : i32
          %dma_wait3A_71 = tpu.memref_slice %arg2[%add3A_3, %dma_wait3A_70] : memref<10000x128xf32, #tpu.memory_space<hbm>> -> memref<8x128xf32, #tpu.memory_space<hbm>>
          tpu.wait_dma2 semaphore(%run_scoped3A : memref<!tpu.dma_semaphore, #tpu.memory_space<semaphore_mem>>) src(%dma_wait3A_71 : memref<8x128xf32, #tpu.memory_space<hbm>>) dst(%dma_wait3A_69 : memref<8x128xf32, #tpu.memory_space<vmem_shared>>)
          tpu.yield
        }) : () -> ()
      } else {
      }
      %barrier3A = arith.constant 0 : index
      tpu.barrier barrier_id(%barrier3A)
      %rem3A = arith.constant 0 : i32
      %rem3A_17 = arith.constant 2 : i32
      %rem3A_18 = arith.remsi %rem3A, %rem3A_17 : i32
      %add3A_19 = arith.constant 0 : i32
      %add3A_20 = arith.addi %mul3A_5, %add3A_19 : i32
      "tpu.region"() ({
        %run_scoped3A = tpu.sem_alloc : memref<!tpu.dma_semaphore, #tpu.memory_space<semaphore_mem>>
        %dma_start3A_65 = arith.constant 0 : i32
        %dma_start3A_66 = arith.constant 0 : i32
        %dma_start3A_67 = tpu.memref_slice %arg9[%rem3A_18, %dma_start3A_65, %dma_start3A_66] : memref<2x32x128xi32, #tpu.memory_space<vmem>> -> memref<1x32x128xi32, #tpu.memory_space<vmem>>
        %dma_start3A_68 = tpu.memref_squeeze %dma_start3A_67 : memref<1x32x128xi32, #tpu.memory_space<vmem>> -> memref<32x128xi32, #tpu.memory_space<vmem>>
        %dma_start3A_69 = arith.constant 0 : i32
        %dma_start3A_70 = tpu.memref_slice %arg4[%add3A_20, %dma_start3A_69] : memref<2560x128xi32, #tpu.memory_space<hbm>> -> memref<32x128xi32, #tpu.memory_space<hbm>>
        %dma_start3A_71 = arith.constant 0 : i32
        %dma_start3A_72 = arith.constant 0 : i32
        %dma_start3A_73 = tpu.memref_slice %arg9[%rem3A_18, %dma_start3A_71, %dma_start3A_72] : memref<2x32x128xi32, #tpu.memory_space<vmem>> -> memref<1x32x128xi32, #tpu.memory_space<vmem>>
        %dma_start3A_74 = tpu.memref_squeeze %dma_start3A_73 : memref<1x32x128xi32, #tpu.memory_space<vmem>> -> memref<32x128xi32, #tpu.memory_space<vmem>>
        %dma_start3A_75 = arith.constant 0 : i32
        %dma_start3A_76 = tpu.memref_slice %arg4[%add3A_20, %dma_start3A_75] : memref<2560x128xi32, #tpu.memory_space<hbm>> -> memref<32x128xi32, #tpu.memory_space<hbm>>
        tpu.enqueue_dma source(%dma_start3A_76 : memref<32x128xi32, #tpu.memory_space<hbm>>) target(%dma_start3A_74 : memref<32x128xi32, #tpu.memory_space<vmem>>) target_semaphore(%run_scoped3A : memref<!tpu.dma_semaphore, #tpu.memory_space<semaphore_mem>>)
        %dma_wait3A = arith.constant 0 : i32
        %dma_wait3A_77 = arith.constant 0 : i32
        %dma_wait3A_78 = tpu.memref_slice %arg9[%rem3A_18, %dma_wait3A, %dma_wait3A_77] : memref<2x32x128xi32, #tpu.memory_space<vmem>> -> memref<1x32x128xi32, #tpu.memory_space<vmem>>
        %dma_wait3A_79 = tpu.memref_squeeze %dma_wait3A_78 : memref<1x32x128xi32, #tpu.memory_space<vmem>> -> memref<32x128xi32, #tpu.memory_space<vmem>>
        %dma_wait3A_80 = arith.constant 0 : i32
        %dma_wait3A_81 = tpu.memref_slice %arg4[%add3A_20, %dma_wait3A_80] : memref<2560x128xi32, #tpu.memory_space<hbm>> -> memref<32x128xi32, #tpu.memory_space<hbm>>
        %dma_wait3A_82 = arith.constant 0 : i32
        %dma_wait3A_83 = arith.constant 0 : i32
        %dma_wait3A_84 = tpu.memref_slice %arg9[%rem3A_18, %dma_wait3A_82, %dma_wait3A_83] : memref<2x32x128xi32, #tpu.memory_space<vmem>> -> memref<1x32x128xi32, #tpu.memory_space<vmem>>
        %dma_wait3A_85 = tpu.memref_squeeze %dma_wait3A_84 : memref<1x32x128xi32, #tpu.memory_space<vmem>> -> memref<32x128xi32, #tpu.memory_space<vmem>>
        %dma_wait3A_86 = arith.constant 0 : i32
        %dma_wait3A_87 = tpu.memref_slice %arg4[%add3A_20, %dma_wait3A_86] : memref<2560x128xi32, #tpu.memory_space<hbm>> -> memref<32x128xi32, #tpu.memory_space<hbm>>
        tpu.wait_dma2 semaphore(%run_scoped3A : memref<!tpu.dma_semaphore, #tpu.memory_space<semaphore_mem>>) src(%dma_wait3A_87 : memref<32x128xi32, #tpu.memory_space<hbm>>) dst(%dma_wait3A_85 : memref<32x128xi32, #tpu.memory_space<vmem>>)
        tpu.yield
      }) : () -> ()
      "tpu.region"() ({
        %run_scoped3A = tpu.sem_alloc : memref<!tpu.dma_semaphore, #tpu.memory_space<semaphore_mem>>
        %dma_start3A_65 = arith.constant 0 : i32
        %dma_start3A_66 = arith.constant 0 : i32
        %dma_start3A_67 = tpu.memref_slice %arg10[%rem3A_18, %dma_start3A_65, %dma_start3A_66] : memref<2x32x128xi32, #tpu.memory_space<vmem>> -> memref<1x32x128xi32, #tpu.memory_space<vmem>>
        %dma_start3A_68 = tpu.memref_squeeze %dma_start3A_67 : memref<1x32x128xi32, #tpu.memory_space<vmem>> -> memref<32x128xi32, #tpu.memory_space<vmem>>
        %dma_start3A_69 = arith.constant 0 : i32
        %dma_start3A_70 = tpu.memref_slice %arg5[%add3A_20, %dma_start3A_69] : memref<2560x128xi32, #tpu.memory_space<hbm>> -> memref<32x128xi32, #tpu.memory_space<hbm>>
        %dma_start3A_71 = arith.constant 0 : i32
        %dma_start3A_72 = arith.constant 0 : i32
        %dma_start3A_73 = tpu.memref_slice %arg10[%rem3A_18, %dma_start3A_71, %dma_start3A_72] : memref<2x32x128xi32, #tpu.memory_space<vmem>> -> memref<1x32x128xi32, #tpu.memory_space<vmem>>
        %dma_start3A_74 = tpu.memref_squeeze %dma_start3A_73 : memref<1x32x128xi32, #tpu.memory_space<vmem>> -> memref<32x128xi32, #tpu.memory_space<vmem>>
        %dma_start3A_75 = arith.constant 0 : i32
        %dma_start3A_76 = tpu.memref_slice %arg5[%add3A_20, %dma_start3A_75] : memref<2560x128xi32, #tpu.memory_space<hbm>> -> memref<32x128xi32, #tpu.memory_space<hbm>>
        tpu.enqueue_dma source(%dma_start3A_76 : memref<32x128xi32, #tpu.memory_space<hbm>>) target(%dma_start3A_74 : memref<32x128xi32, #tpu.memory_space<vmem>>) target_semaphore(%run_scoped3A : memref<!tpu.dma_semaphore, #tpu.memory_space<semaphore_mem>>)
        %dma_wait3A = arith.constant 0 : i32
        %dma_wait3A_77 = arith.constant 0 : i32
        %dma_wait3A_78 = tpu.memref_slice %arg10[%rem3A_18, %dma_wait3A, %dma_wait3A_77] : memref<2x32x128xi32, #tpu.memory_space<vmem>> -> memref<1x32x128xi32, #tpu.memory_space<vmem>>
        %dma_wait3A_79 = tpu.memref_squeeze %dma_wait3A_78 : memref<1x32x128xi32, #tpu.memory_space<vmem>> -> memref<32x128xi32, #tpu.memory_space<vmem>>
        %dma_wait3A_80 = arith.constant 0 : i32
        %dma_wait3A_81 = tpu.memref_slice %arg5[%add3A_20, %dma_wait3A_80] : memref<2560x128xi32, #tpu.memory_space<hbm>> -> memref<32x128xi32, #tpu.memory_space<hbm>>
        %dma_wait3A_82 = arith.constant 0 : i32
        %dma_wait3A_83 = arith.constant 0 : i32
        %dma_wait3A_84 = tpu.memref_slice %arg10[%rem3A_18, %dma_wait3A_82, %dma_wait3A_83] : memref<2x32x128xi32, #tpu.memory_space<vmem>> -> memref<1x32x128xi32, #tpu.memory_space<vmem>>
        %dma_wait3A_85 = tpu.memref_squeeze %dma_wait3A_84 : memref<1x32x128xi32, #tpu.memory_space<vmem>> -> memref<32x128xi32, #tpu.memory_space<vmem>>
        %dma_wait3A_86 = arith.constant 0 : i32
        %dma_wait3A_87 = tpu.memref_slice %arg5[%add3A_20, %dma_wait3A_86] : memref<2560x128xi32, #tpu.memory_space<hbm>> -> memref<32x128xi32, #tpu.memory_space<hbm>>
        tpu.wait_dma2 semaphore(%run_scoped3A : memref<!tpu.dma_semaphore, #tpu.memory_space<semaphore_mem>>) src(%dma_wait3A_87 : memref<32x128xi32, #tpu.memory_space<hbm>>) dst(%dma_wait3A_85 : memref<32x128xi32, #tpu.memory_space<vmem>>)
        tpu.yield
      }) : () -> ()
      %rem3A_21 = arith.constant 0 : i32
      %rem3A_22 = arith.constant 2 : i32
      %rem3A_23 = arith.remsi %rem3A_21, %rem3A_22 : i32
      %rem3A_24 = arith.constant 0 : i32
      %rem3A_25 = arith.constant 32 : i32
      %rem3A_26 = arith.remsi %rem3A_24, %rem3A_25 : i32
      %dma_start3A = arith.constant 0 : i32
      %dma_start3A_27 = arith.constant 0 : i32
      %dma_start3A_28 = arith.constant 0 : i32
      %dma_start3A_29 = tpu.memref_slice %arg11[%dma_start3A, %dma_start3A_27, %dma_start3A_28] : memref<2x128x128xf32, #tpu.memory_space<vmem>> -> memref<1x128x128xf32, #tpu.memory_space<vmem>>
      %dma_start3A_30 = tpu.memref_squeeze %dma_start3A_29 : memref<1x128x128xf32, #tpu.memory_space<vmem>> -> memref<128x128xf32, #tpu.memory_space<vmem>>
      %dma_start3A_31 = arith.constant 0 : i32
      %dma_start3A_32 = tpu.memref_slice %arg9[%rem3A_23, %rem3A_26, %dma_start3A_31] : memref<2x32x128xi32, #tpu.memory_space<vmem>> -> memref<1x1x128xi32, #tpu.memory_space<vmem>>
      %dma_start3A_33 = tpu.memref_squeeze %dma_start3A_32 : memref<1x1x128xi32, #tpu.memory_space<vmem>> -> memref<128xi32, #tpu.memory_space<vmem>>
      %dma_start3A_34 = arith.constant 0 : i32
      %dma_start3A_35 = arith.constant 0 : i32
      %dma_start3A_36 = tpu.memref_slice %arg2[%dma_start3A_34, %dma_start3A_35] : memref<10000x128xf32, #tpu.memory_space<hbm>> -> memref<10000x128xf32, #tpu.memory_space<hbm>>
      tpu.enqueue_indirect_dma source(%dma_start3A_36 : memref<10000x128xf32, #tpu.memory_space<hbm>>) target(%dma_start3A_30 : memref<128x128xf32, #tpu.memory_space<vmem>>) offsets(%dma_start3A_33 : memref<128xi32, #tpu.memory_space<vmem>>) semaphore(%arg12 : memref<!tpu.dma_semaphore, #tpu.memory_space<semaphore_mem>>)
      %rem3A_37 = arith.constant 0 : i32
      %rem3A_38 = arith.constant 2 : i32
      %rem3A_39 = arith.remsi %rem3A_37, %rem3A_38 : i32
      %rem3A_40 = arith.constant 1 : i32
      %rem3A_41 = arith.constant 32 : i32
      %rem3A_42 = arith.remsi %rem3A_40, %rem3A_41 : i32
      %dma_start3A_43 = arith.constant 1 : i32
      %dma_start3A_44 = arith.constant 0 : i32
      %dma_start3A_45 = arith.constant 0 : i32
      %dma_start3A_46 = tpu.memref_slice %arg11[%dma_start3A_43, %dma_start3A_44, %dma_start3A_45] : memref<2x128x128xf32, #tpu.memory_space<vmem>> -> memref<1x128x128xf32, #tpu.memory_space<vmem>>
      %dma_start3A_47 = tpu.memref_squeeze %dma_start3A_46 : memref<1x128x128xf32, #tpu.memory_space<vmem>> -> memref<128x128xf32, #tpu.memory_space<vmem>>
      %dma_start3A_48 = arith.constant 0 : i32
      %dma_start3A_49 = tpu.memref_slice %arg9[%rem3A_39, %rem3A_42, %dma_start3A_48] : memref<2x32x128xi32, #tpu.memory_space<vmem>> -> memref<1x1x128xi32, #tpu.memory_space<vmem>>
      %dma_start3A_50 = tpu.memref_squeeze %dma_start3A_49 : memref<1x1x128xi32, #tpu.memory_space<vmem>> -> memref<128xi32, #tpu.memory_space<vmem>>
      %dma_start3A_51 = arith.constant 0 : i32
      %dma_start3A_52 = arith.constant 0 : i32
      %dma_start3A_53 = tpu.memref_slice %arg2[%dma_start3A_51, %dma_start3A_52] : memref<10000x128xf32, #tpu.memory_space<hbm>> -> memref<10000x128xf32, #tpu.memory_space<hbm>>
      tpu.enqueue_indirect_dma source(%dma_start3A_53 : memref<10000x128xf32, #tpu.memory_space<hbm>>) target(%dma_start3A_47 : memref<128x128xf32, #tpu.memory_space<vmem>>) offsets(%dma_start3A_50 : memref<128xi32, #tpu.memory_space<vmem>>) semaphore(%arg13 : memref<!tpu.dma_semaphore, #tpu.memory_space<semaphore_mem>>)
      %scan3A = arith.constant 0 : i32
      %scan3A_54 = arith.constant 0 : i32
      %scan3A_55 = arith.constant 80 : i32
      %scan3A_56 = arith.addi %scan3A_54, %scan3A_55 : i32
      %scan3A_57 = arith.constant 1 : i32
      scf.for %scan3A_65 = %scan3A_54 to %scan3A_56 step %scan3A_57  : i32 {
        %mul3A_66 = arith.constant 2 : i32
        %mul3A_67 = arith.muli %mul3A_66, %scan3A_65 : i32
        %rem3A_68 = arith.constant 32 : i32
        %rem3A_69 = arith.remsi %mul3A_67, %rem3A_68 : i32
        %eq3A_70 = arith.constant 28 : i32
        %eq3A_71 = arith.cmpi eq, %rem3A_69, %eq3A_70 : i32
        %add3A_72 = arith.constant 4 : i32
        %add3A_73 = arith.addi %mul3A_67, %add3A_72 : i32
        %lt3A_74 = arith.constant 160 : i32
        %lt3A_75 = arith.cmpi slt, %add3A_73, %lt3A_74 : i32
        %and3A = arith.andi %eq3A_71, %lt3A_75 : i1
        %convert_element_type3A_76 = arith.extui %and3A : i1 to i32
        %cond3A_77 = arith.constant 0 : i32
        %cond3A_78 = arith.cmpi ne, %convert_element_type3A_76, %cond3A_77 : i32
        scf.if %cond3A_78 {
          %jit3A_183 = arith.constant 32 : i32
          %div3A_184 = arith.divsi %mul3A_67, %jit3A_183 : i32
          %sign3A_185 = arith.constant 0 : i32
          %sign3A_186 = arith.cmpi sgt, %mul3A_67, %sign3A_185 : i32
          %sign3A_187 = arith.extui %sign3A_186 : i1 to i32
          %sign3A_188 = arith.constant 0 : i32
          %sign3A_189 = arith.cmpi slt, %mul3A_67, %sign3A_188 : i32
          %sign3A_190 = arith.extui %sign3A_189 : i1 to i32
          %sign3A_191 = arith.subi %sign3A_187, %sign3A_190 : i32
          %sign3A_192 = arith.constant 0 : i32
          %sign3A_193 = arith.cmpi sgt, %jit3A_183, %sign3A_192 : i32
          %sign3A_194 = arith.extui %sign3A_193 : i1 to i32
          %sign3A_195 = arith.constant 0 : i32
          %sign3A_196 = arith.cmpi slt, %jit3A_183, %sign3A_195 : i32
          %sign3A_197 = arith.extui %sign3A_196 : i1 to i32
          %sign3A_198 = arith.subi %sign3A_194, %sign3A_197 : i32
          %ne3A_199 = arith.cmpi ne, %sign3A_191, %sign3A_198 : i32
          %rem3A_200 = arith.remsi %mul3A_67, %jit3A_183 : i32
          %ne3A_201 = arith.constant 0 : i32
          %ne3A_202 = arith.cmpi ne, %rem3A_200, %ne3A_201 : i32
          %and3A_203 = arith.andi %ne3A_199, %ne3A_202 : i1
          %sub3A_204 = arith.constant 1 : i32
          %sub3A_205 = arith.subi %div3A_184, %sub3A_204 : i32
          %select_n3A_206 = arith.select %and3A_203, %sub3A_205, %div3A_184 : i32
          %add3A_207 = arith.constant 1 : i32
          %add3A_208 = arith.addi %select_n3A_206, %add3A_207 : i32
          %rem3A_209 = arith.constant 2 : i32
          %rem3A_210 = arith.remsi %add3A_208, %rem3A_209 : i32
          %mul3A_211 = arith.constant 32 : i32
          %mul3A_212 = arith.muli %add3A_208, %mul3A_211 : i32
          %add3A_213 = arith.addi %mul3A_5, %mul3A_212 : i32
          %dma_start3A_214 = arith.constant 0 : i32
          %dma_start3A_215 = arith.constant 0 : i32
          %dma_start3A_216 = tpu.memref_slice %arg9[%rem3A_210, %dma_start3A_214, %dma_start3A_215] : memref<2x32x128xi32, #tpu.memory_space<vmem>> -> memref<1x32x128xi32, #tpu.memory_space<vmem>>
          %dma_start3A_217 = tpu.memref_squeeze %dma_start3A_216 : memref<1x32x128xi32, #tpu.memory_space<vmem>> -> memref<32x128xi32, #tpu.memory_space<vmem>>
          %dma_start3A_218 = arith.constant 0 : i32
          %dma_start3A_219 = tpu.memref_slice %arg4[%add3A_213, %dma_start3A_218] : memref<2560x128xi32, #tpu.memory_space<hbm>> -> memref<32x128xi32, #tpu.memory_space<hbm>>
          %dma_start3A_220 = arith.constant 0 : i32
          %dma_start3A_221 = arith.constant 0 : i32
          %dma_start3A_222 = tpu.memref_slice %arg9[%rem3A_210, %dma_start3A_220, %dma_start3A_221] : memref<2x32x128xi32, #tpu.memory_space<vmem>> -> memref<1x32x128xi32, #tpu.memory_space<vmem>>
          %dma_start3A_223 = tpu.memref_squeeze %dma_start3A_222 : memref<1x32x128xi32, #tpu.memory_space<vmem>> -> memref<32x128xi32, #tpu.memory_space<vmem>>
          %dma_start3A_224 = arith.constant 0 : i32
          %dma_start3A_225 = tpu.memref_slice %arg4[%add3A_213, %dma_start3A_224] : memref<2560x128xi32, #tpu.memory_space<hbm>> -> memref<32x128xi32, #tpu.memory_space<hbm>>
          tpu.enqueue_dma source(%dma_start3A_225 : memref<32x128xi32, #tpu.memory_space<hbm>>) target(%dma_start3A_223 : memref<32x128xi32, #tpu.memory_space<vmem>>) target_semaphore(%arg14 : memref<!tpu.dma_semaphore, #tpu.memory_space<semaphore_mem>>)
          %dma_start3A_226 = arith.constant 0 : i32
          %dma_start3A_227 = arith.constant 0 : i32
          %dma_start3A_228 = tpu.memref_slice %arg10[%rem3A_210, %dma_start3A_226, %dma_start3A_227] : memref<2x32x128xi32, #tpu.memory_space<vmem>> -> memref<1x32x128xi32, #tpu.memory_space<vmem>>
          %dma_start3A_229 = tpu.memref_squeeze %dma_start3A_228 : memref<1x32x128xi32, #tpu.memory_space<vmem>> -> memref<32x128xi32, #tpu.memory_space<vmem>>
          %dma_start3A_230 = arith.constant 0 : i32
          %dma_start3A_231 = tpu.memref_slice %arg5[%add3A_213, %dma_start3A_230] : memref<2560x128xi32, #tpu.memory_space<hbm>> -> memref<32x128xi32, #tpu.memory_space<hbm>>
          %dma_start3A_232 = arith.constant 0 : i32
          %dma_start3A_233 = arith.constant 0 : i32
          %dma_start3A_234 = tpu.memref_slice %arg10[%rem3A_210, %dma_start3A_232, %dma_start3A_233] : memref<2x32x128xi32, #tpu.memory_space<vmem>> -> memref<1x32x128xi32, #tpu.memory_space<vmem>>
          %dma_start3A_235 = tpu.memref_squeeze %dma_start3A_234 : memref<1x32x128xi32, #tpu.memory_space<vmem>> -> memref<32x128xi32, #tpu.memory_space<vmem>>
          %dma_start3A_236 = arith.constant 0 : i32
          %dma_start3A_237 = tpu.memref_slice %arg5[%add3A_213, %dma_start3A_236] : memref<2560x128xi32, #tpu.memory_space<hbm>> -> memref<32x128xi32, #tpu.memory_space<hbm>>
          tpu.enqueue_dma source(%dma_start3A_237 : memref<32x128xi32, #tpu.memory_space<hbm>>) target(%dma_start3A_235 : memref<32x128xi32, #tpu.memory_space<vmem>>) target_semaphore(%arg14 : memref<!tpu.dma_semaphore, #tpu.memory_space<semaphore_mem>>)
        } else {
        }
        %rem3A_79 = arith.constant 32 : i32
        %rem3A_80 = arith.remsi %mul3A_67, %rem3A_79 : i32
        %eq3A_81 = arith.constant 30 : i32
        %eq3A_82 = arith.cmpi eq, %rem3A_80, %eq3A_81 : i32
        %add3A_83 = arith.constant 2 : i32
        %add3A_84 = arith.addi %mul3A_67, %add3A_83 : i32
        %lt3A_85 = arith.constant 160 : i32
        %lt3A_86 = arith.cmpi slt, %add3A_84, %lt3A_85 : i32
        %and3A_87 = arith.andi %eq3A_82, %lt3A_86 : i1
        %convert_element_type3A_88 = arith.extui %and3A_87 : i1 to i32
        %cond3A_89 = arith.constant 0 : i32
        %cond3A_90 = arith.cmpi ne, %convert_element_type3A_88, %cond3A_89 : i32
        scf.if %cond3A_90 {
          %jit3A_183 = arith.constant 32 : i32
          %div3A_184 = arith.divsi %mul3A_67, %jit3A_183 : i32
          %sign3A_185 = arith.constant 0 : i32
          %sign3A_186 = arith.cmpi sgt, %mul3A_67, %sign3A_185 : i32
          %sign3A_187 = arith.extui %sign3A_186 : i1 to i32
          %sign3A_188 = arith.constant 0 : i32
          %sign3A_189 = arith.cmpi slt, %mul3A_67, %sign3A_188 : i32
          %sign3A_190 = arith.extui %sign3A_189 : i1 to i32
          %sign3A_191 = arith.subi %sign3A_187, %sign3A_190 : i32
          %sign3A_192 = arith.constant 0 : i32
          %sign3A_193 = arith.cmpi sgt, %jit3A_183, %sign3A_192 : i32
          %sign3A_194 = arith.extui %sign3A_193 : i1 to i32
          %sign3A_195 = arith.constant 0 : i32
          %sign3A_196 = arith.cmpi slt, %jit3A_183, %sign3A_195 : i32
          %sign3A_197 = arith.extui %sign3A_196 : i1 to i32
          %sign3A_198 = arith.subi %sign3A_194, %sign3A_197 : i32
          %ne3A_199 = arith.cmpi ne, %sign3A_191, %sign3A_198 : i32
          %rem3A_200 = arith.remsi %mul3A_67, %jit3A_183 : i32
          %ne3A_201 = arith.constant 0 : i32
          %ne3A_202 = arith.cmpi ne, %rem3A_200, %ne3A_201 : i32
          %and3A_203 = arith.andi %ne3A_199, %ne3A_202 : i1
          %sub3A_204 = arith.constant 1 : i32
          %sub3A_205 = arith.subi %div3A_184, %sub3A_204 : i32
          %select_n3A_206 = arith.select %and3A_203, %sub3A_205, %div3A_184 : i32
          %add3A_207 = arith.constant 1 : i32
          %add3A_208 = arith.addi %select_n3A_206, %add3A_207 : i32
          %rem3A_209 = arith.constant 2 : i32
          %rem3A_210 = arith.remsi %add3A_208, %rem3A_209 : i32
          %mul3A_211 = arith.constant 32 : i32
          %mul3A_212 = arith.muli %add3A_208, %mul3A_211 : i32
          %add3A_213 = arith.addi %mul3A_5, %mul3A_212 : i32
          %dma_wait3A_214 = arith.constant 0 : i32
          %dma_wait3A_215 = arith.constant 0 : i32
          %dma_wait3A_216 = tpu.memref_slice %arg9[%rem3A_210, %dma_wait3A_214, %dma_wait3A_215] : memref<2x32x128xi32, #tpu.memory_space<vmem>> -> memref<1x32x128xi32, #tpu.memory_space<vmem>>
          %dma_wait3A_217 = tpu.memref_squeeze %dma_wait3A_216 : memref<1x32x128xi32, #tpu.memory_space<vmem>> -> memref<32x128xi32, #tpu.memory_space<vmem>>
          %dma_wait3A_218 = arith.constant 0 : i32
          %dma_wait3A_219 = tpu.memref_slice %arg4[%add3A_213, %dma_wait3A_218] : memref<2560x128xi32, #tpu.memory_space<hbm>> -> memref<32x128xi32, #tpu.memory_space<hbm>>
          %dma_wait3A_220 = arith.constant 0 : i32
          %dma_wait3A_221 = arith.constant 0 : i32
          %dma_wait3A_222 = tpu.memref_slice %arg9[%rem3A_210, %dma_wait3A_220, %dma_wait3A_221] : memref<2x32x128xi32, #tpu.memory_space<vmem>> -> memref<1x32x128xi32, #tpu.memory_space<vmem>>
          %dma_wait3A_223 = tpu.memref_squeeze %dma_wait3A_222 : memref<1x32x128xi32, #tpu.memory_space<vmem>> -> memref<32x128xi32, #tpu.memory_space<vmem>>
          %dma_wait3A_224 = arith.constant 0 : i32
          %dma_wait3A_225 = tpu.memref_slice %arg4[%add3A_213, %dma_wait3A_224] : memref<2560x128xi32, #tpu.memory_space<hbm>> -> memref<32x128xi32, #tpu.memory_space<hbm>>
          tpu.wait_dma2 semaphore(%arg14 : memref<!tpu.dma_semaphore, #tpu.memory_space<semaphore_mem>>) src(%dma_wait3A_225 : memref<32x128xi32, #tpu.memory_space<hbm>>) dst(%dma_wait3A_223 : memref<32x128xi32, #tpu.memory_space<vmem>>)
          %dma_wait3A_226 = arith.constant 0 : i32
          %dma_wait3A_227 = arith.constant 0 : i32
          %dma_wait3A_228 = tpu.memref_slice %arg10[%rem3A_210, %dma_wait3A_226, %dma_wait3A_227] : memref<2x32x128xi32, #tpu.memory_space<vmem>> -> memref<1x32x128xi32, #tpu.memory_space<vmem>>
          %dma_wait3A_229 = tpu.memref_squeeze %dma_wait3A_228 : memref<1x32x128xi32, #tpu.memory_space<vmem>> -> memref<32x128xi32, #tpu.memory_space<vmem>>
          %dma_wait3A_230 = arith.constant 0 : i32
          %dma_wait3A_231 = tpu.memref_slice %arg5[%add3A_213, %dma_wait3A_230] : memref<2560x128xi32, #tpu.memory_space<hbm>> -> memref<32x128xi32, #tpu.memory_space<hbm>>
          %dma_wait3A_232 = arith.constant 0 : i32
          %dma_wait3A_233 = arith.constant 0 : i32
          %dma_wait3A_234 = tpu.memref_slice %arg10[%rem3A_210, %dma_wait3A_232, %dma_wait3A_233] : memref<2x32x128xi32, #tpu.memory_space<vmem>> -> memref<1x32x128xi32, #tpu.memory_space<vmem>>
          %dma_wait3A_235 = tpu.memref_squeeze %dma_wait3A_234 : memref<1x32x128xi32, #tpu.memory_space<vmem>> -> memref<32x128xi32, #tpu.memory_space<vmem>>
          %dma_wait3A_236 = arith.constant 0 : i32
          %dma_wait3A_237 = tpu.memref_slice %arg5[%add3A_213, %dma_wait3A_236] : memref<2560x128xi32, #tpu.memory_space<hbm>> -> memref<32x128xi32, #tpu.memory_space<hbm>>
          tpu.wait_dma2 semaphore(%arg14 : memref<!tpu.dma_semaphore, #tpu.memory_space<semaphore_mem>>) src(%dma_wait3A_237 : memref<32x128xi32, #tpu.memory_space<hbm>>) dst(%dma_wait3A_235 : memref<32x128xi32, #tpu.memory_space<vmem>>)
        } else {
        }
        %jit3A = arith.constant 32 : i32
        %div3A = arith.divsi %mul3A_67, %jit3A : i32
        %sign3A = arith.constant 0 : i32
        %sign3A_91 = arith.cmpi sgt, %mul3A_67, %sign3A : i32
        %sign3A_92 = arith.extui %sign3A_91 : i1 to i32
        %sign3A_93 = arith.constant 0 : i32
        %sign3A_94 = arith.cmpi slt, %mul3A_67, %sign3A_93 : i32
        %sign3A_95 = arith.extui %sign3A_94 : i1 to i32
        %sign3A_96 = arith.subi %sign3A_92, %sign3A_95 : i32
        %sign3A_97 = arith.constant 0 : i32
        %sign3A_98 = arith.cmpi sgt, %jit3A, %sign3A_97 : i32
        %sign3A_99 = arith.extui %sign3A_98 : i1 to i32
        %sign3A_100 = arith.constant 0 : i32
        %sign3A_101 = arith.cmpi slt, %jit3A, %sign3A_100 : i32
        %sign3A_102 = arith.extui %sign3A_101 : i1 to i32
        %sign3A_103 = arith.subi %sign3A_99, %sign3A_102 : i32
        %ne3A = arith.cmpi ne, %sign3A_96, %sign3A_103 : i32
        %rem3A_104 = arith.remsi %mul3A_67, %jit3A : i32
        %ne3A_105 = arith.constant 0 : i32
        %ne3A_106 = arith.cmpi ne, %rem3A_104, %ne3A_105 : i32
        %and3A_107 = arith.andi %ne3A, %ne3A_106 : i1
        %sub3A = arith.constant 1 : i32
        %sub3A_108 = arith.subi %div3A, %sub3A : i32
        %select_n3A = arith.select %and3A_107, %sub3A_108, %div3A : i32
        %rem3A_109 = arith.constant 32 : i32
        %rem3A_110 = arith.remsi %mul3A_67, %rem3A_109 : i32
        %rem3A_111 = arith.constant 2 : i32
        %rem3A_112 = arith.remsi %select_n3A, %rem3A_111 : i32
        %dma_wait3A = arith.constant 0 : i32
        %dma_wait3A_113 = arith.constant 0 : i32
        %dma_wait3A_114 = arith.constant 0 : i32
        %dma_wait3A_115 = tpu.memref_slice %arg11[%dma_wait3A, %dma_wait3A_113, %dma_wait3A_114] : memref<2x128x128xf32, #tpu.memory_space<vmem>> -> memref<1x128x128xf32, #tpu.memory_space<vmem>>
        %dma_wait3A_116 = tpu.memref_squeeze %dma_wait3A_115 : memref<1x128x128xf32, #tpu.memory_space<vmem>> -> memref<128x128xf32, #tpu.memory_space<vmem>>
        %dma_wait3A_117 = arith.constant 0 : i32
        %dma_wait3A_118 = tpu.memref_slice %arg9[%rem3A_112, %rem3A_110, %dma_wait3A_117] : memref<2x32x128xi32, #tpu.memory_space<vmem>> -> memref<1x1x128xi32, #tpu.memory_space<vmem>>
        %dma_wait3A_119 = tpu.memref_squeeze %dma_wait3A_118 : memref<1x1x128xi32, #tpu.memory_space<vmem>> -> memref<128xi32, #tpu.memory_space<vmem>>
        %dma_wait3A_120 = arith.constant 0 : i32
        %dma_wait3A_121 = arith.constant 0 : i32
        %dma_wait3A_122 = tpu.memref_slice %arg2[%dma_wait3A_120, %dma_wait3A_121] : memref<10000x128xf32, #tpu.memory_space<hbm>> -> memref<10000x128xf32, #tpu.memory_space<hbm>>
        tpu.wait_indirect_dma semaphore(%arg12 : memref<!tpu.dma_semaphore, #tpu.memory_space<semaphore_mem>>) src(%dma_wait3A_122 : memref<10000x128xf32, #tpu.memory_space<hbm>>) dst(%dma_wait3A_116 : memref<128x128xf32, #tpu.memory_space<vmem>>)
        %rem3A_123 = arith.constant 2 : i32
        %rem3A_124 = arith.remsi %select_n3A, %rem3A_123 : i32
        %run_scoped3A = arith.constant 0 : i32
        "tpu.region"() ({
          %run_scoped3A_183 = tpu.sem_alloc : memref<!tpu.dma_semaphore, #tpu.memory_space<semaphore_mem>>
          %dma_start3A_184 = arith.constant 0 : i32
          %dma_start3A_185 = arith.constant 0 : i32
          %dma_start3A_186 = tpu.memref_slice %arg11[%run_scoped3A, %dma_start3A_184, %dma_start3A_185] : memref<2x128x128xf32, #tpu.memory_space<vmem>> -> memref<1x128x128xf32, #tpu.memory_space<vmem>>
          %dma_start3A_187 = tpu.memref_squeeze %dma_start3A_186 : memref<1x128x128xf32, #tpu.memory_space<vmem>> -> memref<128x128xf32, #tpu.memory_space<vmem>>
          %dma_start3A_188 = arith.constant 0 : i32
          %dma_start3A_189 = tpu.memref_slice %arg10[%rem3A_124, %rem3A_110, %dma_start3A_188] : memref<2x32x128xi32, #tpu.memory_space<vmem>> -> memref<1x1x128xi32, #tpu.memory_space<vmem>>
          %dma_start3A_190 = tpu.memref_squeeze %dma_start3A_189 : memref<1x1x128xi32, #tpu.memory_space<vmem>> -> memref<128xi32, #tpu.memory_space<vmem>>
          %dma_start3A_191 = arith.constant 0 : i32
          %dma_start3A_192 = arith.constant 0 : i32
          %dma_start3A_193 = tpu.memref_slice %arg8[%dma_start3A_191, %dma_start3A_192] : memref<10128x128xf32, #tpu.memory_space<vmem_shared>> -> memref<10128x128xf32, #tpu.memory_space<vmem_shared>>
          tpu.enqueue_indirect_dma source(%dma_start3A_187 : memref<128x128xf32, #tpu.memory_space<vmem>>) target(%dma_start3A_193 : memref<10128x128xf32, #tpu.memory_space<vmem_shared>>) offsets(%dma_start3A_190 : memref<128xi32, #tpu.memory_space<vmem>>) semaphore(%run_scoped3A_183 : memref<!tpu.dma_semaphore, #tpu.memory_space<semaphore_mem>>) {add = true}
          %dma_wait3A_194 = arith.constant 0 : i32
          %dma_wait3A_195 = arith.constant 0 : i32
          %dma_wait3A_196 = tpu.memref_slice %arg11[%run_scoped3A, %dma_wait3A_194, %dma_wait3A_195] : memref<2x128x128xf32, #tpu.memory_space<vmem>> -> memref<1x128x128xf32, #tpu.memory_space<vmem>>
          %dma_wait3A_197 = tpu.memref_squeeze %dma_wait3A_196 : memref<1x128x128xf32, #tpu.memory_space<vmem>> -> memref<128x128xf32, #tpu.memory_space<vmem>>
          %dma_wait3A_198 = arith.constant 0 : i32
          %dma_wait3A_199 = tpu.memref_slice %arg10[%rem3A_124, %rem3A_110, %dma_wait3A_198] : memref<2x32x128xi32, #tpu.memory_space<vmem>> -> memref<1x1x128xi32, #tpu.memory_space<vmem>>
          %dma_wait3A_200 = tpu.memref_squeeze %dma_wait3A_199 : memref<1x1x128xi32, #tpu.memory_space<vmem>> -> memref<128xi32, #tpu.memory_space<vmem>>
          %dma_wait3A_201 = arith.constant 0 : i32
          %dma_wait3A_202 = arith.constant 0 : i32
          %dma_wait3A_203 = tpu.memref_slice %arg8[%dma_wait3A_201, %dma_wait3A_202] : memref<10128x128xf32, #tpu.memory_space<vmem_shared>> -> memref<10128x128xf32, #tpu.memory_space<vmem_shared>>
          tpu.wait_indirect_dma semaphore(%run_scoped3A_183 : memref<!tpu.dma_semaphore, #tpu.memory_space<semaphore_mem>>) src(%dma_wait3A_197 : memref<128x128xf32, #tpu.memory_space<vmem>>) dst(%dma_wait3A_203 : memref<10128x128xf32, #tpu.memory_space<vmem_shared>>)
          tpu.yield
        }) : () -> ()
        %add3A_125 = arith.constant 2 : i32
        %add3A_126 = arith.addi %mul3A_67, %add3A_125 : i32
        %lt3A_127 = arith.constant 160 : i32
        %lt3A_128 = arith.cmpi slt, %add3A_126, %lt3A_127 : i32
        %convert_element_type3A_129 = arith.extui %lt3A_128 : i1 to i32
        %cond3A_130 = arith.constant 0 : i32
        %cond3A_131 = arith.cmpi ne, %convert_element_type3A_129, %cond3A_130 : i32
        scf.if %cond3A_131 {
          %add3A_183 = arith.constant 2 : i32
          %add3A_184 = arith.addi %mul3A_67, %add3A_183 : i32
          %jit3A_185 = arith.constant 32 : i32
          %div3A_186 = arith.divsi %add3A_184, %jit3A_185 : i32
          %sign3A_187 = arith.constant 0 : i32
          %sign3A_188 = arith.cmpi sgt, %add3A_184, %sign3A_187 : i32
          %sign3A_189 = arith.extui %sign3A_188 : i1 to i32
          %sign3A_190 = arith.constant 0 : i32
          %sign3A_191 = arith.cmpi slt, %add3A_184, %sign3A_190 : i32
          %sign3A_192 = arith.extui %sign3A_191 : i1 to i32
          %sign3A_193 = arith.subi %sign3A_189, %sign3A_192 : i32
          %sign3A_194 = arith.constant 0 : i32
          %sign3A_195 = arith.cmpi sgt, %jit3A_185, %sign3A_194 : i32
          %sign3A_196 = arith.extui %sign3A_195 : i1 to i32
          %sign3A_197 = arith.constant 0 : i32
          %sign3A_198 = arith.cmpi slt, %jit3A_185, %sign3A_197 : i32
          %sign3A_199 = arith.extui %sign3A_198 : i1 to i32
          %sign3A_200 = arith.subi %sign3A_196, %sign3A_199 : i32
          %ne3A_201 = arith.cmpi ne, %sign3A_193, %sign3A_200 : i32
          %rem3A_202 = arith.remsi %add3A_184, %jit3A_185 : i32
          %ne3A_203 = arith.constant 0 : i32
          %ne3A_204 = arith.cmpi ne, %rem3A_202, %ne3A_203 : i32
          %and3A_205 = arith.andi %ne3A_201, %ne3A_204 : i1
          %sub3A_206 = arith.constant 1 : i32
          %sub3A_207 = arith.subi %div3A_186, %sub3A_206 : i32
          %select_n3A_208 = arith.select %and3A_205, %sub3A_207, %div3A_186 : i32
          %rem3A_209 = arith.constant 2 : i32
          %rem3A_210 = arith.remsi %select_n3A_208, %rem3A_209 : i32
          %rem3A_211 = arith.constant 32 : i32
          %rem3A_212 = arith.remsi %add3A_184, %rem3A_211 : i32
          %dma_start3A_213 = arith.constant 0 : i32
          %dma_start3A_214 = arith.constant 0 : i32
          %dma_start3A_215 = arith.constant 0 : i32
          %dma_start3A_216 = tpu.memref_slice %arg11[%dma_start3A_213, %dma_start3A_214, %dma_start3A_215] : memref<2x128x128xf32, #tpu.memory_space<vmem>> -> memref<1x128x128xf32, #tpu.memory_space<vmem>>
          %dma_start3A_217 = tpu.memref_squeeze %dma_start3A_216 : memref<1x128x128xf32, #tpu.memory_space<vmem>> -> memref<128x128xf32, #tpu.memory_space<vmem>>
          %dma_start3A_218 = arith.constant 0 : i32
          %dma_start3A_219 = tpu.memref_slice %arg9[%rem3A_210, %rem3A_212, %dma_start3A_218] : memref<2x32x128xi32, #tpu.memory_space<vmem>> -> memref<1x1x128xi32, #tpu.memory_space<vmem>>
          %dma_start3A_220 = tpu.memref_squeeze %dma_start3A_219 : memref<1x1x128xi32, #tpu.memory_space<vmem>> -> memref<128xi32, #tpu.memory_space<vmem>>
          %dma_start3A_221 = arith.constant 0 : i32
          %dma_start3A_222 = arith.constant 0 : i32
          %dma_start3A_223 = tpu.memref_slice %arg2[%dma_start3A_221, %dma_start3A_222] : memref<10000x128xf32, #tpu.memory_space<hbm>> -> memref<10000x128xf32, #tpu.memory_space<hbm>>
          tpu.enqueue_indirect_dma source(%dma_start3A_223 : memref<10000x128xf32, #tpu.memory_space<hbm>>) target(%dma_start3A_217 : memref<128x128xf32, #tpu.memory_space<vmem>>) offsets(%dma_start3A_220 : memref<128xi32, #tpu.memory_space<vmem>>) semaphore(%arg12 : memref<!tpu.dma_semaphore, #tpu.memory_space<semaphore_mem>>)
        } else {
        }
        %add3A_132 = arith.constant 1 : i32
        %add3A_133 = arith.addi %mul3A_67, %add3A_132 : i32
        %jit3A_134 = arith.constant 32 : i32
        %div3A_135 = arith.divsi %add3A_133, %jit3A_134 : i32
        %sign3A_136 = arith.constant 0 : i32
        %sign3A_137 = arith.cmpi sgt, %add3A_133, %sign3A_136 : i32
        %sign3A_138 = arith.extui %sign3A_137 : i1 to i32
        %sign3A_139 = arith.constant 0 : i32
        %sign3A_140 = arith.cmpi slt, %add3A_133, %sign3A_139 : i32
        %sign3A_141 = arith.extui %sign3A_140 : i1 to i32
        %sign3A_142 = arith.subi %sign3A_138, %sign3A_141 : i32
        %sign3A_143 = arith.constant 0 : i32
        %sign3A_144 = arith.cmpi sgt, %jit3A_134, %sign3A_143 : i32
        %sign3A_145 = arith.extui %sign3A_144 : i1 to i32
        %sign3A_146 = arith.constant 0 : i32
        %sign3A_147 = arith.cmpi slt, %jit3A_134, %sign3A_146 : i32
        %sign3A_148 = arith.extui %sign3A_147 : i1 to i32
        %sign3A_149 = arith.subi %sign3A_145, %sign3A_148 : i32
        %ne3A_150 = arith.cmpi ne, %sign3A_142, %sign3A_149 : i32
        %rem3A_151 = arith.remsi %add3A_133, %jit3A_134 : i32
        %ne3A_152 = arith.constant 0 : i32
        %ne3A_153 = arith.cmpi ne, %rem3A_151, %ne3A_152 : i32
        %and3A_154 = arith.andi %ne3A_150, %ne3A_153 : i1
        %sub3A_155 = arith.constant 1 : i32
        %sub3A_156 = arith.subi %div3A_135, %sub3A_155 : i32
        %select_n3A_157 = arith.select %and3A_154, %sub3A_156, %div3A_135 : i32
        %rem3A_158 = arith.constant 32 : i32
        %rem3A_159 = arith.remsi %add3A_133, %rem3A_158 : i32
        %rem3A_160 = arith.constant 2 : i32
        %rem3A_161 = arith.remsi %select_n3A_157, %rem3A_160 : i32
        %dma_wait3A_162 = arith.constant 1 : i32
        %dma_wait3A_163 = arith.constant 0 : i32
        %dma_wait3A_164 = arith.constant 0 : i32
        %dma_wait3A_165 = tpu.memref_slice %arg11[%dma_wait3A_162, %dma_wait3A_163, %dma_wait3A_164] : memref<2x128x128xf32, #tpu.memory_space<vmem>> -> memref<1x128x128xf32, #tpu.memory_space<vmem>>
        %dma_wait3A_166 = tpu.memref_squeeze %dma_wait3A_165 : memref<1x128x128xf32, #tpu.memory_space<vmem>> -> memref<128x128xf32, #tpu.memory_space<vmem>>
        %dma_wait3A_167 = arith.constant 0 : i32
        %dma_wait3A_168 = tpu.memref_slice %arg9[%rem3A_161, %rem3A_159, %dma_wait3A_167] : memref<2x32x128xi32, #tpu.memory_space<vmem>> -> memref<1x1x128xi32, #tpu.memory_space<vmem>>
        %dma_wait3A_169 = tpu.memref_squeeze %dma_wait3A_168 : memref<1x1x128xi32, #tpu.memory_space<vmem>> -> memref<128xi32, #tpu.memory_space<vmem>>
        %dma_wait3A_170 = arith.constant 0 : i32
        %dma_wait3A_171 = arith.constant 0 : i32
        %dma_wait3A_172 = tpu.memref_slice %arg2[%dma_wait3A_170, %dma_wait3A_171] : memref<10000x128xf32, #tpu.memory_space<hbm>> -> memref<10000x128xf32, #tpu.memory_space<hbm>>
        tpu.wait_indirect_dma semaphore(%arg13 : memref<!tpu.dma_semaphore, #tpu.memory_space<semaphore_mem>>) src(%dma_wait3A_172 : memref<10000x128xf32, #tpu.memory_space<hbm>>) dst(%dma_wait3A_166 : memref<128x128xf32, #tpu.memory_space<vmem>>)
        %rem3A_173 = arith.constant 2 : i32
        %rem3A_174 = arith.remsi %select_n3A_157, %rem3A_173 : i32
        %run_scoped3A_175 = arith.constant 1 : i32
        "tpu.region"() ({
          %run_scoped3A_183 = tpu.sem_alloc : memref<!tpu.dma_semaphore, #tpu.memory_space<semaphore_mem>>
          %dma_start3A_184 = arith.constant 0 : i32
          %dma_start3A_185 = arith.constant 0 : i32
          %dma_start3A_186 = tpu.memref_slice %arg11[%run_scoped3A_175, %dma_start3A_184, %dma_start3A_185] : memref<2x128x128xf32, #tpu.memory_space<vmem>> -> memref<1x128x128xf32, #tpu.memory_space<vmem>>
          %dma_start3A_187 = tpu.memref_squeeze %dma_start3A_186 : memref<1x128x128xf32, #tpu.memory_space<vmem>> -> memref<128x128xf32, #tpu.memory_space<vmem>>
          %dma_start3A_188 = arith.constant 0 : i32
          %dma_start3A_189 = tpu.memref_slice %arg10[%rem3A_174, %rem3A_159, %dma_start3A_188] : memref<2x32x128xi32, #tpu.memory_space<vmem>> -> memref<1x1x128xi32, #tpu.memory_space<vmem>>
          %dma_start3A_190 = tpu.memref_squeeze %dma_start3A_189 : memref<1x1x128xi32, #tpu.memory_space<vmem>> -> memref<128xi32, #tpu.memory_space<vmem>>
          %dma_start3A_191 = arith.constant 0 : i32
          %dma_start3A_192 = arith.constant 0 : i32
          %dma_start3A_193 = tpu.memref_slice %arg8[%dma_start3A_191, %dma_start3A_192] : memref<10128x128xf32, #tpu.memory_space<vmem_shared>> -> memref<10128x128xf32, #tpu.memory_space<vmem_shared>>
          tpu.enqueue_indirect_dma source(%dma_start3A_187 : memref<128x128xf32, #tpu.memory_space<vmem>>) target(%dma_start3A_193 : memref<10128x128xf32, #tpu.memory_space<vmem_shared>>) offsets(%dma_start3A_190 : memref<128xi32, #tpu.memory_space<vmem>>) semaphore(%run_scoped3A_183 : memref<!tpu.dma_semaphore, #tpu.memory_space<semaphore_mem>>) {add = true}
          %dma_wait3A_194 = arith.constant 0 : i32
          %dma_wait3A_195 = arith.constant 0 : i32
          %dma_wait3A_196 = tpu.memref_slice %arg11[%run_scoped3A_175, %dma_wait3A_194, %dma_wait3A_195] : memref<2x128x128xf32, #tpu.memory_space<vmem>> -> memref<1x128x128xf32, #tpu.memory_space<vmem>>
          %dma_wait3A_197 = tpu.memref_squeeze %dma_wait3A_196 : memref<1x128x128xf32, #tpu.memory_space<vmem>> -> memref<128x128xf32, #tpu.memory_space<vmem>>
          %dma_wait3A_198 = arith.constant 0 : i32
          %dma_wait3A_199 = tpu.memref_slice %arg10[%rem3A_174, %rem3A_159, %dma_wait3A_198] : memref<2x32x128xi32, #tpu.memory_space<vmem>> -> memref<1x1x128xi32, #tpu.memory_space<vmem>>
          %dma_wait3A_200 = tpu.memref_squeeze %dma_wait3A_199 : memref<1x1x128xi32, #tpu.memory_space<vmem>> -> memref<128xi32, #tpu.memory_space<vmem>>
          %dma_wait3A_201 = arith.constant 0 : i32
          %dma_wait3A_202 = arith.constant 0 : i32
          %dma_wait3A_203 = tpu.memref_slice %arg8[%dma_wait3A_201, %dma_wait3A_202] : memref<10128x128xf32, #tpu.memory_space<vmem_shared>> -> memref<10128x128xf32, #tpu.memory_space<vmem_shared>>
          tpu.wait_indirect_dma semaphore(%run_scoped3A_183 : memref<!tpu.dma_semaphore, #tpu.memory_space<semaphore_mem>>) src(%dma_wait3A_197 : memref<128x128xf32, #tpu.memory_space<vmem>>) dst(%dma_wait3A_203 : memref<10128x128xf32, #tpu.memory_space<vmem_shared>>)
          tpu.yield
        }) : () -> ()
        %add3A_176 = arith.constant 3 : i32
        %add3A_177 = arith.addi %mul3A_67, %add3A_176 : i32
        %lt3A_178 = arith.constant 160 : i32
        %lt3A_179 = arith.cmpi slt, %add3A_177, %lt3A_178 : i32
        %convert_element_type3A_180 = arith.extui %lt3A_179 : i1 to i32
        %cond3A_181 = arith.constant 0 : i32
        %cond3A_182 = arith.cmpi ne, %convert_element_type3A_180, %cond3A_181 : i32
        scf.if %cond3A_182 {
          %add3A_183 = arith.constant 3 : i32
          %add3A_184 = arith.addi %mul3A_67, %add3A_183 : i32
          %jit3A_185 = arith.constant 32 : i32
          %div3A_186 = arith.divsi %add3A_184, %jit3A_185 : i32
          %sign3A_187 = arith.constant 0 : i32
          %sign3A_188 = arith.cmpi sgt, %add3A_184, %sign3A_187 : i32
          %sign3A_189 = arith.extui %sign3A_188 : i1 to i32
          %sign3A_190 = arith.constant 0 : i32
          %sign3A_191 = arith.cmpi slt, %add3A_184, %sign3A_190 : i32
          %sign3A_192 = arith.extui %sign3A_191 : i1 to i32
          %sign3A_193 = arith.subi %sign3A_189, %sign3A_192 : i32
          %sign3A_194 = arith.constant 0 : i32
          %sign3A_195 = arith.cmpi sgt, %jit3A_185, %sign3A_194 : i32
          %sign3A_196 = arith.extui %sign3A_195 : i1 to i32
          %sign3A_197 = arith.constant 0 : i32
          %sign3A_198 = arith.cmpi slt, %jit3A_185, %sign3A_197 : i32
          %sign3A_199 = arith.extui %sign3A_198 : i1 to i32
          %sign3A_200 = arith.subi %sign3A_196, %sign3A_199 : i32
          %ne3A_201 = arith.cmpi ne, %sign3A_193, %sign3A_200 : i32
          %rem3A_202 = arith.remsi %add3A_184, %jit3A_185 : i32
          %ne3A_203 = arith.constant 0 : i32
          %ne3A_204 = arith.cmpi ne, %rem3A_202, %ne3A_203 : i32
          %and3A_205 = arith.andi %ne3A_201, %ne3A_204 : i1
          %sub3A_206 = arith.constant 1 : i32
          %sub3A_207 = arith.subi %div3A_186, %sub3A_206 : i32
          %select_n3A_208 = arith.select %and3A_205, %sub3A_207, %div3A_186 : i32
          %rem3A_209 = arith.constant 2 : i32
          %rem3A_210 = arith.remsi %select_n3A_208, %rem3A_209 : i32
          %rem3A_211 = arith.constant 32 : i32
          %rem3A_212 = arith.remsi %add3A_184, %rem3A_211 : i32
          %dma_start3A_213 = arith.constant 1 : i32
          %dma_start3A_214 = arith.constant 0 : i32
          %dma_start3A_215 = arith.constant 0 : i32
          %dma_start3A_216 = tpu.memref_slice %arg11[%dma_start3A_213, %dma_start3A_214, %dma_start3A_215] : memref<2x128x128xf32, #tpu.memory_space<vmem>> -> memref<1x128x128xf32, #tpu.memory_space<vmem>>
          %dma_start3A_217 = tpu.memref_squeeze %dma_start3A_216 : memref<1x128x128xf32, #tpu.memory_space<vmem>> -> memref<128x128xf32, #tpu.memory_space<vmem>>
          %dma_start3A_218 = arith.constant 0 : i32
          %dma_start3A_219 = tpu.memref_slice %arg9[%rem3A_210, %rem3A_212, %dma_start3A_218] : memref<2x32x128xi32, #tpu.memory_space<vmem>> -> memref<1x1x128xi32, #tpu.memory_space<vmem>>
          %dma_start3A_220 = tpu.memref_squeeze %dma_start3A_219 : memref<1x1x128xi32, #tpu.memory_space<vmem>> -> memref<128xi32, #tpu.memory_space<vmem>>
          %dma_start3A_221 = arith.constant 0 : i32
          %dma_start3A_222 = arith.constant 0 : i32
          %dma_start3A_223 = tpu.memref_slice %arg2[%dma_start3A_221, %dma_start3A_222] : memref<10000x128xf32, #tpu.memory_space<hbm>> -> memref<10000x128xf32, #tpu.memory_space<hbm>>
          tpu.enqueue_indirect_dma source(%dma_start3A_223 : memref<10000x128xf32, #tpu.memory_space<hbm>>) target(%dma_start3A_217 : memref<128x128xf32, #tpu.memory_space<vmem>>) offsets(%dma_start3A_220 : memref<128xi32, #tpu.memory_space<vmem>>) semaphore(%arg13 : memref<!tpu.dma_semaphore, #tpu.memory_space<semaphore_mem>>)
        } else {
        }
      }
      %scan3A_58 = arith.constant 80 : i32
      %barrier3A_59 = arith.constant 0 : index
      tpu.barrier barrier_id(%barrier3A_59)
      "tpu.region"() ({
        %run_scoped3A = tpu.sem_alloc : memref<!tpu.dma_semaphore, #tpu.memory_space<semaphore_mem>>
        %dma_start3A_65 = arith.constant 0 : i32
        %dma_start3A_66 = tpu.memref_slice %arg6[%mul3A_0, %dma_start3A_65] : memref<10000x128xf32, #tpu.memory_space<hbm>> -> memref<624x128xf32, #tpu.memory_space<hbm>>
        %dma_start3A_67 = arith.constant 0 : i32
        %dma_start3A_68 = tpu.memref_slice %arg8[%mul3A_0, %dma_start3A_67] : memref<10128x128xf32, #tpu.memory_space<vmem_shared>> -> memref<624x128xf32, #tpu.memory_space<vmem_shared>>
        tpu.enqueue_dma source(%dma_start3A_68 : memref<624x128xf32, #tpu.memory_space<vmem_shared>>) target(%dma_start3A_66 : memref<624x128xf32, #tpu.memory_space<hbm>>) target_semaphore(%run_scoped3A : memref<!tpu.dma_semaphore, #tpu.memory_space<semaphore_mem>>)
        %dma_wait3A = arith.constant 0 : i32
        %dma_wait3A_69 = tpu.memref_slice %arg6[%mul3A_0, %dma_wait3A] : memref<10000x128xf32, #tpu.memory_space<hbm>> -> memref<624x128xf32, #tpu.memory_space<hbm>>
        %dma_wait3A_70 = arith.constant 0 : i32
        %dma_wait3A_71 = tpu.memref_slice %arg8[%mul3A_0, %dma_wait3A_70] : memref<10128x128xf32, #tpu.memory_space<vmem_shared>> -> memref<624x128xf32, #tpu.memory_space<vmem_shared>>
        tpu.wait_dma2 semaphore(%run_scoped3A : memref<!tpu.dma_semaphore, #tpu.memory_space<semaphore_mem>>) src(%dma_wait3A_71 : memref<624x128xf32, #tpu.memory_space<vmem_shared>>) dst(%dma_wait3A_69 : memref<624x128xf32, #tpu.memory_space<hbm>>)
        tpu.yield
      }) : () -> ()
      %lt3A_60 = arith.constant 2 : i32
      %lt3A_61 = arith.cmpi slt, %arg1, %lt3A_60 : i32
      %convert_element_type3A_62 = arith.extui %lt3A_61 : i1 to i32
      %cond3A_63 = arith.constant 0 : i32
      %cond3A_64 = arith.cmpi ne, %convert_element_type3A_62, %cond3A_63 : i32
      scf.if %cond3A_64 {
        "tpu.region"() ({
          %run_scoped3A = tpu.sem_alloc : memref<!tpu.dma_semaphore, #tpu.memory_space<semaphore_mem>>
          %dma_start3A_65 = arith.constant 0 : i32
          %dma_start3A_66 = tpu.memref_slice %arg6[%add3A_3, %dma_start3A_65] : memref<10000x128xf32, #tpu.memory_space<hbm>> -> memref<8x128xf32, #tpu.memory_space<hbm>>
          %dma_start3A_67 = arith.constant 0 : i32
          %dma_start3A_68 = tpu.memref_slice %arg8[%add3A_3, %dma_start3A_67] : memref<10128x128xf32, #tpu.memory_space<vmem_shared>> -> memref<8x128xf32, #tpu.memory_space<vmem_shared>>
          tpu.enqueue_dma source(%dma_start3A_68 : memref<8x128xf32, #tpu.memory_space<vmem_shared>>) target(%dma_start3A_66 : memref<8x128xf32, #tpu.memory_space<hbm>>) target_semaphore(%run_scoped3A : memref<!tpu.dma_semaphore, #tpu.memory_space<semaphore_mem>>)
          %dma_wait3A = arith.constant 0 : i32
          %dma_wait3A_69 = tpu.memref_slice %arg6[%add3A_3, %dma_wait3A] : memref<10000x128xf32, #tpu.memory_space<hbm>> -> memref<8x128xf32, #tpu.memory_space<hbm>>
          %dma_wait3A_70 = arith.constant 0 : i32
          %dma_wait3A_71 = tpu.memref_slice %arg8[%add3A_3, %dma_wait3A_70] : memref<10128x128xf32, #tpu.memory_space<vmem_shared>> -> memref<8x128xf32, #tpu.memory_space<vmem_shared>>
          tpu.wait_dma2 semaphore(%run_scoped3A : memref<!tpu.dma_semaphore, #tpu.memory_space<semaphore_mem>>) src(%dma_wait3A_71 : memref<8x128xf32, #tpu.memory_space<vmem_shared>>) dst(%dma_wait3A_69 : memref<8x128xf32, #tpu.memory_space<hbm>>)
          tpu.yield
        }) : () -> ()
      } else {
      }
    } else {
    }
    %eq3A_8 = arith.constant 1 : i32
    %eq3A_9 = arith.cmpi eq, %arg0, %eq3A_8 : i32
    %convert_element_type3A_10 = arith.extui %eq3A_9 : i1 to i32
    %cond3A_11 = arith.constant 0 : i32
    %cond3A_12 = arith.cmpi ne, %convert_element_type3A_10, %cond3A_11 : i32
    scf.if %cond3A_12 {
      "tpu.region"() ({
        %run_scoped3A = tpu.sem_alloc : memref<!tpu.dma_semaphore, #tpu.memory_space<semaphore_mem>>
        %dma_start3A_65 = arith.constant 0 : i32
        %dma_start3A_66 = tpu.memref_slice %arg8[%mul3A_0, %dma_start3A_65] : memref<10128x128xf32, #tpu.memory_space<vmem_shared>> -> memref<624x128xf32, #tpu.memory_space<vmem_shared>>
        %dma_start3A_67 = arith.constant 0 : i32
        %dma_start3A_68 = tpu.memref_slice %arg3[%mul3A_0, %dma_start3A_67] : memref<10000x128xf32, #tpu.memory_space<hbm>> -> memref<624x128xf32, #tpu.memory_space<hbm>>
        tpu.enqueue_dma source(%dma_start3A_68 : memref<624x128xf32, #tpu.memory_space<hbm>>) target(%dma_start3A_66 : memref<624x128xf32, #tpu.memory_space<vmem_shared>>) target_semaphore(%run_scoped3A : memref<!tpu.dma_semaphore, #tpu.memory_space<semaphore_mem>>)
        %dma_wait3A = arith.constant 0 : i32
        %dma_wait3A_69 = tpu.memref_slice %arg8[%mul3A_0, %dma_wait3A] : memref<10128x128xf32, #tpu.memory_space<vmem_shared>> -> memref<624x128xf32, #tpu.memory_space<vmem_shared>>
        %dma_wait3A_70 = arith.constant 0 : i32
        %dma_wait3A_71 = tpu.memref_slice %arg3[%mul3A_0, %dma_wait3A_70] : memref<10000x128xf32, #tpu.memory_space<hbm>> -> memref<624x128xf32, #tpu.memory_space<hbm>>
        tpu.wait_dma2 semaphore(%run_scoped3A : memref<!tpu.dma_semaphore, #tpu.memory_space<semaphore_mem>>) src(%dma_wait3A_71 : memref<624x128xf32, #tpu.memory_space<hbm>>) dst(%dma_wait3A_69 : memref<624x128xf32, #tpu.memory_space<vmem_shared>>)
        tpu.yield
      }) : () -> ()
      %lt3A = arith.constant 2 : i32
      %lt3A_13 = arith.cmpi slt, %arg1, %lt3A : i32
      %convert_element_type3A_14 = arith.extui %lt3A_13 : i1 to i32
      %cond3A_15 = arith.constant 0 : i32
      %cond3A_16 = arith.cmpi ne, %convert_element_type3A_14, %cond3A_15 : i32
      scf.if %cond3A_16 {
        "tpu.region"() ({
          %run_scoped3A = tpu.sem_alloc : memref<!tpu.dma_semaphore, #tpu.memory_space<semaphore_mem>>
          %dma_start3A_65 = arith.constant 0 : i32
          %dma_start3A_66 = tpu.memref_slice %arg8[%add3A_3, %dma_start3A_65] : memref<10128x128xf32, #tpu.memory_space<vmem_shared>> -> memref<8x128xf32, #tpu.memory_space<vmem_shared>>
          %dma_start3A_67 = arith.constant 0 : i32
          %dma_start3A_68 = tpu.memref_slice %arg3[%add3A_3, %dma_start3A_67] : memref<10000x128xf32, #tpu.memory_space<hbm>> -> memref<8x128xf32, #tpu.memory_space<hbm>>
          tpu.enqueue_dma source(%dma_start3A_68 : memref<8x128xf32, #tpu.memory_space<hbm>>) target(%dma_start3A_66 : memref<8x128xf32, #tpu.memory_space<vmem_shared>>) target_semaphore(%run_scoped3A : memref<!tpu.dma_semaphore, #tpu.memory_space<semaphore_mem>>)
          %dma_wait3A = arith.constant 0 : i32
          %dma_wait3A_69 = tpu.memref_slice %arg8[%add3A_3, %dma_wait3A] : memref<10128x128xf32, #tpu.memory_space<vmem_shared>> -> memref<8x128xf32, #tpu.memory_space<vmem_shared>>
          %dma_wait3A_70 = arith.constant 0 : i32
          %dma_wait3A_71 = tpu.memref_slice %arg3[%add3A_3, %dma_wait3A_70] : memref<10000x128xf32, #tpu.memory_space<hbm>> -> memref<8x128xf32, #tpu.memory_space<hbm>>
          tpu.wait_dma2 semaphore(%run_scoped3A : memref<!tpu.dma_semaphore, #tpu.memory_space<semaphore_mem>>) src(%dma_wait3A_71 : memref<8x128xf32, #tpu.memory_space<hbm>>) dst(%dma_wait3A_69 : memref<8x128xf32, #tpu.memory_space<vmem_shared>>)
          tpu.yield
        }) : () -> ()
      } else {
      }
      %barrier3A = arith.constant 0 : index
      tpu.barrier barrier_id(%barrier3A)
      %rem3A = arith.constant 0 : i32
      %rem3A_17 = arith.constant 2 : i32
      %rem3A_18 = arith.remsi %rem3A, %rem3A_17 : i32
      %add3A_19 = arith.constant 0 : i32
      %add3A_20 = arith.addi %mul3A_5, %add3A_19 : i32
      "tpu.region"() ({
        %run_scoped3A = tpu.sem_alloc : memref<!tpu.dma_semaphore, #tpu.memory_space<semaphore_mem>>
        %dma_start3A_65 = arith.constant 0 : i32
        %dma_start3A_66 = arith.constant 0 : i32
        %dma_start3A_67 = tpu.memref_slice %arg9[%rem3A_18, %dma_start3A_65, %dma_start3A_66] : memref<2x32x128xi32, #tpu.memory_space<vmem>> -> memref<1x32x128xi32, #tpu.memory_space<vmem>>
        %dma_start3A_68 = tpu.memref_squeeze %dma_start3A_67 : memref<1x32x128xi32, #tpu.memory_space<vmem>> -> memref<32x128xi32, #tpu.memory_space<vmem>>
        %dma_start3A_69 = arith.constant 0 : i32
        %dma_start3A_70 = tpu.memref_slice %arg4[%add3A_20, %dma_start3A_69] : memref<2560x128xi32, #tpu.memory_space<hbm>> -> memref<32x128xi32, #tpu.memory_space<hbm>>
        %dma_start3A_71 = arith.constant 0 : i32
        %dma_start3A_72 = arith.constant 0 : i32
        %dma_start3A_73 = tpu.memref_slice %arg9[%rem3A_18, %dma_start3A_71, %dma_start3A_72] : memref<2x32x128xi32, #tpu.memory_space<vmem>> -> memref<1x32x128xi32, #tpu.memory_space<vmem>>
        %dma_start3A_74 = tpu.memref_squeeze %dma_start3A_73 : memref<1x32x128xi32, #tpu.memory_space<vmem>> -> memref<32x128xi32, #tpu.memory_space<vmem>>
        %dma_start3A_75 = arith.constant 0 : i32
        %dma_start3A_76 = tpu.memref_slice %arg4[%add3A_20, %dma_start3A_75] : memref<2560x128xi32, #tpu.memory_space<hbm>> -> memref<32x128xi32, #tpu.memory_space<hbm>>
        tpu.enqueue_dma source(%dma_start3A_76 : memref<32x128xi32, #tpu.memory_space<hbm>>) target(%dma_start3A_74 : memref<32x128xi32, #tpu.memory_space<vmem>>) target_semaphore(%run_scoped3A : memref<!tpu.dma_semaphore, #tpu.memory_space<semaphore_mem>>)
        %dma_wait3A = arith.constant 0 : i32
        %dma_wait3A_77 = arith.constant 0 : i32
        %dma_wait3A_78 = tpu.memref_slice %arg9[%rem3A_18, %dma_wait3A, %dma_wait3A_77] : memref<2x32x128xi32, #tpu.memory_space<vmem>> -> memref<1x32x128xi32, #tpu.memory_space<vmem>>
        %dma_wait3A_79 = tpu.memref_squeeze %dma_wait3A_78 : memref<1x32x128xi32, #tpu.memory_space<vmem>> -> memref<32x128xi32, #tpu.memory_space<vmem>>
        %dma_wait3A_80 = arith.constant 0 : i32
        %dma_wait3A_81 = tpu.memref_slice %arg4[%add3A_20, %dma_wait3A_80] : memref<2560x128xi32, #tpu.memory_space<hbm>> -> memref<32x128xi32, #tpu.memory_space<hbm>>
        %dma_wait3A_82 = arith.constant 0 : i32
        %dma_wait3A_83 = arith.constant 0 : i32
        %dma_wait3A_84 = tpu.memref_slice %arg9[%rem3A_18, %dma_wait3A_82, %dma_wait3A_83] : memref<2x32x128xi32, #tpu.memory_space<vmem>> -> memref<1x32x128xi32, #tpu.memory_space<vmem>>
        %dma_wait3A_85 = tpu.memref_squeeze %dma_wait3A_84 : memref<1x32x128xi32, #tpu.memory_space<vmem>> -> memref<32x128xi32, #tpu.memory_space<vmem>>
        %dma_wait3A_86 = arith.constant 0 : i32
        %dma_wait3A_87 = tpu.memref_slice %arg4[%add3A_20, %dma_wait3A_86] : memref<2560x128xi32, #tpu.memory_space<hbm>> -> memref<32x128xi32, #tpu.memory_space<hbm>>
        tpu.wait_dma2 semaphore(%run_scoped3A : memref<!tpu.dma_semaphore, #tpu.memory_space<semaphore_mem>>) src(%dma_wait3A_87 : memref<32x128xi32, #tpu.memory_space<hbm>>) dst(%dma_wait3A_85 : memref<32x128xi32, #tpu.memory_space<vmem>>)
        tpu.yield
      }) : () -> ()
      "tpu.region"() ({
        %run_scoped3A = tpu.sem_alloc : memref<!tpu.dma_semaphore, #tpu.memory_space<semaphore_mem>>
        %dma_start3A_65 = arith.constant 0 : i32
        %dma_start3A_66 = arith.constant 0 : i32
        %dma_start3A_67 = tpu.memref_slice %arg10[%rem3A_18, %dma_start3A_65, %dma_start3A_66] : memref<2x32x128xi32, #tpu.memory_space<vmem>> -> memref<1x32x128xi32, #tpu.memory_space<vmem>>
        %dma_start3A_68 = tpu.memref_squeeze %dma_start3A_67 : memref<1x32x128xi32, #tpu.memory_space<vmem>> -> memref<32x128xi32, #tpu.memory_space<vmem>>
        %dma_start3A_69 = arith.constant 0 : i32
        %dma_start3A_70 = tpu.memref_slice %arg5[%add3A_20, %dma_start3A_69] : memref<2560x128xi32, #tpu.memory_space<hbm>> -> memref<32x128xi32, #tpu.memory_space<hbm>>
        %dma_start3A_71 = arith.constant 0 : i32
        %dma_start3A_72 = arith.constant 0 : i32
        %dma_start3A_73 = tpu.memref_slice %arg10[%rem3A_18, %dma_start3A_71, %dma_start3A_72] : memref<2x32x128xi32, #tpu.memory_space<vmem>> -> memref<1x32x128xi32, #tpu.memory_space<vmem>>
        %dma_start3A_74 = tpu.memref_squeeze %dma_start3A_73 : memref<1x32x128xi32, #tpu.memory_space<vmem>> -> memref<32x128xi32, #tpu.memory_space<vmem>>
        %dma_start3A_75 = arith.constant 0 : i32
        %dma_start3A_76 = tpu.memref_slice %arg5[%add3A_20, %dma_start3A_75] : memref<2560x128xi32, #tpu.memory_space<hbm>> -> memref<32x128xi32, #tpu.memory_space<hbm>>
        tpu.enqueue_dma source(%dma_start3A_76 : memref<32x128xi32, #tpu.memory_space<hbm>>) target(%dma_start3A_74 : memref<32x128xi32, #tpu.memory_space<vmem>>) target_semaphore(%run_scoped3A : memref<!tpu.dma_semaphore, #tpu.memory_space<semaphore_mem>>)
        %dma_wait3A = arith.constant 0 : i32
        %dma_wait3A_77 = arith.constant 0 : i32
        %dma_wait3A_78 = tpu.memref_slice %arg10[%rem3A_18, %dma_wait3A, %dma_wait3A_77] : memref<2x32x128xi32, #tpu.memory_space<vmem>> -> memref<1x32x128xi32, #tpu.memory_space<vmem>>
        %dma_wait3A_79 = tpu.memref_squeeze %dma_wait3A_78 : memref<1x32x128xi32, #tpu.memory_space<vmem>> -> memref<32x128xi32, #tpu.memory_space<vmem>>
        %dma_wait3A_80 = arith.constant 0 : i32
        %dma_wait3A_81 = tpu.memref_slice %arg5[%add3A_20, %dma_wait3A_80] : memref<2560x128xi32, #tpu.memory_space<hbm>> -> memref<32x128xi32, #tpu.memory_space<hbm>>
        %dma_wait3A_82 = arith.constant 0 : i32
        %dma_wait3A_83 = arith.constant 0 : i32
        %dma_wait3A_84 = tpu.memref_slice %arg10[%rem3A_18, %dma_wait3A_82, %dma_wait3A_83] : memref<2x32x128xi32, #tpu.memory_space<vmem>> -> memref<1x32x128xi32, #tpu.memory_space<vmem>>
        %dma_wait3A_85 = tpu.memref_squeeze %dma_wait3A_84 : memref<1x32x128xi32, #tpu.memory_space<vmem>> -> memref<32x128xi32, #tpu.memory_space<vmem>>
        %dma_wait3A_86 = arith.constant 0 : i32
        %dma_wait3A_87 = tpu.memref_slice %arg5[%add3A_20, %dma_wait3A_86] : memref<2560x128xi32, #tpu.memory_space<hbm>> -> memref<32x128xi32, #tpu.memory_space<hbm>>
        tpu.wait_dma2 semaphore(%run_scoped3A : memref<!tpu.dma_semaphore, #tpu.memory_space<semaphore_mem>>) src(%dma_wait3A_87 : memref<32x128xi32, #tpu.memory_space<hbm>>) dst(%dma_wait3A_85 : memref<32x128xi32, #tpu.memory_space<vmem>>)
        tpu.yield
      }) : () -> ()
      %rem3A_21 = arith.constant 0 : i32
      %rem3A_22 = arith.constant 2 : i32
      %rem3A_23 = arith.remsi %rem3A_21, %rem3A_22 : i32
      %rem3A_24 = arith.constant 0 : i32
      %rem3A_25 = arith.constant 32 : i32
      %rem3A_26 = arith.remsi %rem3A_24, %rem3A_25 : i32
      %dma_start3A = arith.constant 0 : i32
      %dma_start3A_27 = arith.constant 0 : i32
      %dma_start3A_28 = arith.constant 0 : i32
      %dma_start3A_29 = tpu.memref_slice %arg11[%dma_start3A, %dma_start3A_27, %dma_start3A_28] : memref<2x128x128xf32, #tpu.memory_space<vmem>> -> memref<1x128x128xf32, #tpu.memory_space<vmem>>
      %dma_start3A_30 = tpu.memref_squeeze %dma_start3A_29 : memref<1x128x128xf32, #tpu.memory_space<vmem>> -> memref<128x128xf32, #tpu.memory_space<vmem>>
      %dma_start3A_31 = arith.constant 0 : i32
      %dma_start3A_32 = tpu.memref_slice %arg9[%rem3A_23, %rem3A_26, %dma_start3A_31] : memref<2x32x128xi32, #tpu.memory_space<vmem>> -> memref<1x1x128xi32, #tpu.memory_space<vmem>>
      %dma_start3A_33 = tpu.memref_squeeze %dma_start3A_32 : memref<1x1x128xi32, #tpu.memory_space<vmem>> -> memref<128xi32, #tpu.memory_space<vmem>>
      %dma_start3A_34 = arith.constant 0 : i32
      %dma_start3A_35 = arith.constant 0 : i32
      %dma_start3A_36 = tpu.memref_slice %arg3[%dma_start3A_34, %dma_start3A_35] : memref<10000x128xf32, #tpu.memory_space<hbm>> -> memref<10000x128xf32, #tpu.memory_space<hbm>>
      tpu.enqueue_indirect_dma source(%dma_start3A_36 : memref<10000x128xf32, #tpu.memory_space<hbm>>) target(%dma_start3A_30 : memref<128x128xf32, #tpu.memory_space<vmem>>) offsets(%dma_start3A_33 : memref<128xi32, #tpu.memory_space<vmem>>) semaphore(%arg12 : memref<!tpu.dma_semaphore, #tpu.memory_space<semaphore_mem>>)
      %rem3A_37 = arith.constant 0 : i32
      %rem3A_38 = arith.constant 2 : i32
      %rem3A_39 = arith.remsi %rem3A_37, %rem3A_38 : i32
      %rem3A_40 = arith.constant 1 : i32
      %rem3A_41 = arith.constant 32 : i32
      %rem3A_42 = arith.remsi %rem3A_40, %rem3A_41 : i32
      %dma_start3A_43 = arith.constant 1 : i32
      %dma_start3A_44 = arith.constant 0 : i32
      %dma_start3A_45 = arith.constant 0 : i32
      %dma_start3A_46 = tpu.memref_slice %arg11[%dma_start3A_43, %dma_start3A_44, %dma_start3A_45] : memref<2x128x128xf32, #tpu.memory_space<vmem>> -> memref<1x128x128xf32, #tpu.memory_space<vmem>>
      %dma_start3A_47 = tpu.memref_squeeze %dma_start3A_46 : memref<1x128x128xf32, #tpu.memory_space<vmem>> -> memref<128x128xf32, #tpu.memory_space<vmem>>
      %dma_start3A_48 = arith.constant 0 : i32
      %dma_start3A_49 = tpu.memref_slice %arg9[%rem3A_39, %rem3A_42, %dma_start3A_48] : memref<2x32x128xi32, #tpu.memory_space<vmem>> -> memref<1x1x128xi32, #tpu.memory_space<vmem>>
      %dma_start3A_50 = tpu.memref_squeeze %dma_start3A_49 : memref<1x1x128xi32, #tpu.memory_space<vmem>> -> memref<128xi32, #tpu.memory_space<vmem>>
      %dma_start3A_51 = arith.constant 0 : i32
      %dma_start3A_52 = arith.constant 0 : i32
      %dma_start3A_53 = tpu.memref_slice %arg3[%dma_start3A_51, %dma_start3A_52] : memref<10000x128xf32, #tpu.memory_space<hbm>> -> memref<10000x128xf32, #tpu.memory_space<hbm>>
      tpu.enqueue_indirect_dma source(%dma_start3A_53 : memref<10000x128xf32, #tpu.memory_space<hbm>>) target(%dma_start3A_47 : memref<128x128xf32, #tpu.memory_space<vmem>>) offsets(%dma_start3A_50 : memref<128xi32, #tpu.memory_space<vmem>>) semaphore(%arg13 : memref<!tpu.dma_semaphore, #tpu.memory_space<semaphore_mem>>)
      %scan3A = arith.constant 0 : i32
      %scan3A_54 = arith.constant 0 : i32
      %scan3A_55 = arith.constant 80 : i32
      %scan3A_56 = arith.addi %scan3A_54, %scan3A_55 : i32
      %scan3A_57 = arith.constant 1 : i32
      scf.for %scan3A_65 = %scan3A_54 to %scan3A_56 step %scan3A_57  : i32 {
        %mul3A_66 = arith.constant 2 : i32
        %mul3A_67 = arith.muli %mul3A_66, %scan3A_65 : i32
        %rem3A_68 = arith.constant 32 : i32
        %rem3A_69 = arith.remsi %mul3A_67, %rem3A_68 : i32
        %eq3A_70 = arith.constant 28 : i32
        %eq3A_71 = arith.cmpi eq, %rem3A_69, %eq3A_70 : i32
        %add3A_72 = arith.constant 4 : i32
        %add3A_73 = arith.addi %mul3A_67, %add3A_72 : i32
        %lt3A_74 = arith.constant 160 : i32
        %lt3A_75 = arith.cmpi slt, %add3A_73, %lt3A_74 : i32
        %and3A = arith.andi %eq3A_71, %lt3A_75 : i1
        %convert_element_type3A_76 = arith.extui %and3A : i1 to i32
        %cond3A_77 = arith.constant 0 : i32
        %cond3A_78 = arith.cmpi ne, %convert_element_type3A_76, %cond3A_77 : i32
        scf.if %cond3A_78 {
          %jit3A_183 = arith.constant 32 : i32
          %div3A_184 = arith.divsi %mul3A_67, %jit3A_183 : i32
          %sign3A_185 = arith.constant 0 : i32
          %sign3A_186 = arith.cmpi sgt, %mul3A_67, %sign3A_185 : i32
          %sign3A_187 = arith.extui %sign3A_186 : i1 to i32
          %sign3A_188 = arith.constant 0 : i32
          %sign3A_189 = arith.cmpi slt, %mul3A_67, %sign3A_188 : i32
          %sign3A_190 = arith.extui %sign3A_189 : i1 to i32
          %sign3A_191 = arith.subi %sign3A_187, %sign3A_190 : i32
          %sign3A_192 = arith.constant 0 : i32
          %sign3A_193 = arith.cmpi sgt, %jit3A_183, %sign3A_192 : i32
          %sign3A_194 = arith.extui %sign3A_193 : i1 to i32
          %sign3A_195 = arith.constant 0 : i32
          %sign3A_196 = arith.cmpi slt, %jit3A_183, %sign3A_195 : i32
          %sign3A_197 = arith.extui %sign3A_196 : i1 to i32
          %sign3A_198 = arith.subi %sign3A_194, %sign3A_197 : i32
          %ne3A_199 = arith.cmpi ne, %sign3A_191, %sign3A_198 : i32
          %rem3A_200 = arith.remsi %mul3A_67, %jit3A_183 : i32
          %ne3A_201 = arith.constant 0 : i32
          %ne3A_202 = arith.cmpi ne, %rem3A_200, %ne3A_201 : i32
          %and3A_203 = arith.andi %ne3A_199, %ne3A_202 : i1
          %sub3A_204 = arith.constant 1 : i32
          %sub3A_205 = arith.subi %div3A_184, %sub3A_204 : i32
          %select_n3A_206 = arith.select %and3A_203, %sub3A_205, %div3A_184 : i32
          %add3A_207 = arith.constant 1 : i32
          %add3A_208 = arith.addi %select_n3A_206, %add3A_207 : i32
          %rem3A_209 = arith.constant 2 : i32
          %rem3A_210 = arith.remsi %add3A_208, %rem3A_209 : i32
          %mul3A_211 = arith.constant 32 : i32
          %mul3A_212 = arith.muli %add3A_208, %mul3A_211 : i32
          %add3A_213 = arith.addi %mul3A_5, %mul3A_212 : i32
          %dma_start3A_214 = arith.constant 0 : i32
          %dma_start3A_215 = arith.constant 0 : i32
          %dma_start3A_216 = tpu.memref_slice %arg9[%rem3A_210, %dma_start3A_214, %dma_start3A_215] : memref<2x32x128xi32, #tpu.memory_space<vmem>> -> memref<1x32x128xi32, #tpu.memory_space<vmem>>
          %dma_start3A_217 = tpu.memref_squeeze %dma_start3A_216 : memref<1x32x128xi32, #tpu.memory_space<vmem>> -> memref<32x128xi32, #tpu.memory_space<vmem>>
          %dma_start3A_218 = arith.constant 0 : i32
          %dma_start3A_219 = tpu.memref_slice %arg4[%add3A_213, %dma_start3A_218] : memref<2560x128xi32, #tpu.memory_space<hbm>> -> memref<32x128xi32, #tpu.memory_space<hbm>>
          %dma_start3A_220 = arith.constant 0 : i32
          %dma_start3A_221 = arith.constant 0 : i32
          %dma_start3A_222 = tpu.memref_slice %arg9[%rem3A_210, %dma_start3A_220, %dma_start3A_221] : memref<2x32x128xi32, #tpu.memory_space<vmem>> -> memref<1x32x128xi32, #tpu.memory_space<vmem>>
          %dma_start3A_223 = tpu.memref_squeeze %dma_start3A_222 : memref<1x32x128xi32, #tpu.memory_space<vmem>> -> memref<32x128xi32, #tpu.memory_space<vmem>>
          %dma_start3A_224 = arith.constant 0 : i32
          %dma_start3A_225 = tpu.memref_slice %arg4[%add3A_213, %dma_start3A_224] : memref<2560x128xi32, #tpu.memory_space<hbm>> -> memref<32x128xi32, #tpu.memory_space<hbm>>
          tpu.enqueue_dma source(%dma_start3A_225 : memref<32x128xi32, #tpu.memory_space<hbm>>) target(%dma_start3A_223 : memref<32x128xi32, #tpu.memory_space<vmem>>) target_semaphore(%arg14 : memref<!tpu.dma_semaphore, #tpu.memory_space<semaphore_mem>>)
          %dma_start3A_226 = arith.constant 0 : i32
          %dma_start3A_227 = arith.constant 0 : i32
          %dma_start3A_228 = tpu.memref_slice %arg10[%rem3A_210, %dma_start3A_226, %dma_start3A_227] : memref<2x32x128xi32, #tpu.memory_space<vmem>> -> memref<1x32x128xi32, #tpu.memory_space<vmem>>
          %dma_start3A_229 = tpu.memref_squeeze %dma_start3A_228 : memref<1x32x128xi32, #tpu.memory_space<vmem>> -> memref<32x128xi32, #tpu.memory_space<vmem>>
          %dma_start3A_230 = arith.constant 0 : i32
          %dma_start3A_231 = tpu.memref_slice %arg5[%add3A_213, %dma_start3A_230] : memref<2560x128xi32, #tpu.memory_space<hbm>> -> memref<32x128xi32, #tpu.memory_space<hbm>>
          %dma_start3A_232 = arith.constant 0 : i32
          %dma_start3A_233 = arith.constant 0 : i32
          %dma_start3A_234 = tpu.memref_slice %arg10[%rem3A_210, %dma_start3A_232, %dma_start3A_233] : memref<2x32x128xi32, #tpu.memory_space<vmem>> -> memref<1x32x128xi32, #tpu.memory_space<vmem>>
          %dma_start3A_235 = tpu.memref_squeeze %dma_start3A_234 : memref<1x32x128xi32, #tpu.memory_space<vmem>> -> memref<32x128xi32, #tpu.memory_space<vmem>>
          %dma_start3A_236 = arith.constant 0 : i32
          %dma_start3A_237 = tpu.memref_slice %arg5[%add3A_213, %dma_start3A_236] : memref<2560x128xi32, #tpu.memory_space<hbm>> -> memref<32x128xi32, #tpu.memory_space<hbm>>
          tpu.enqueue_dma source(%dma_start3A_237 : memref<32x128xi32, #tpu.memory_space<hbm>>) target(%dma_start3A_235 : memref<32x128xi32, #tpu.memory_space<vmem>>) target_semaphore(%arg14 : memref<!tpu.dma_semaphore, #tpu.memory_space<semaphore_mem>>)
        } else {
        }
        %rem3A_79 = arith.constant 32 : i32
        %rem3A_80 = arith.remsi %mul3A_67, %rem3A_79 : i32
        %eq3A_81 = arith.constant 30 : i32
        %eq3A_82 = arith.cmpi eq, %rem3A_80, %eq3A_81 : i32
        %add3A_83 = arith.constant 2 : i32
        %add3A_84 = arith.addi %mul3A_67, %add3A_83 : i32
        %lt3A_85 = arith.constant 160 : i32
        %lt3A_86 = arith.cmpi slt, %add3A_84, %lt3A_85 : i32
        %and3A_87 = arith.andi %eq3A_82, %lt3A_86 : i1
        %convert_element_type3A_88 = arith.extui %and3A_87 : i1 to i32
        %cond3A_89 = arith.constant 0 : i32
        %cond3A_90 = arith.cmpi ne, %convert_element_type3A_88, %cond3A_89 : i32
        scf.if %cond3A_90 {
          %jit3A_183 = arith.constant 32 : i32
          %div3A_184 = arith.divsi %mul3A_67, %jit3A_183 : i32
          %sign3A_185 = arith.constant 0 : i32
          %sign3A_186 = arith.cmpi sgt, %mul3A_67, %sign3A_185 : i32
          %sign3A_187 = arith.extui %sign3A_186 : i1 to i32
          %sign3A_188 = arith.constant 0 : i32
          %sign3A_189 = arith.cmpi slt, %mul3A_67, %sign3A_188 : i32
          %sign3A_190 = arith.extui %sign3A_189 : i1 to i32
          %sign3A_191 = arith.subi %sign3A_187, %sign3A_190 : i32
          %sign3A_192 = arith.constant 0 : i32
          %sign3A_193 = arith.cmpi sgt, %jit3A_183, %sign3A_192 : i32
          %sign3A_194 = arith.extui %sign3A_193 : i1 to i32
          %sign3A_195 = arith.constant 0 : i32
          %sign3A_196 = arith.cmpi slt, %jit3A_183, %sign3A_195 : i32
          %sign3A_197 = arith.extui %sign3A_196 : i1 to i32
          %sign3A_198 = arith.subi %sign3A_194, %sign3A_197 : i32
          %ne3A_199 = arith.cmpi ne, %sign3A_191, %sign3A_198 : i32
          %rem3A_200 = arith.remsi %mul3A_67, %jit3A_183 : i32
          %ne3A_201 = arith.constant 0 : i32
          %ne3A_202 = arith.cmpi ne, %rem3A_200, %ne3A_201 : i32
          %and3A_203 = arith.andi %ne3A_199, %ne3A_202 : i1
          %sub3A_204 = arith.constant 1 : i32
          %sub3A_205 = arith.subi %div3A_184, %sub3A_204 : i32
          %select_n3A_206 = arith.select %and3A_203, %sub3A_205, %div3A_184 : i32
          %add3A_207 = arith.constant 1 : i32
          %add3A_208 = arith.addi %select_n3A_206, %add3A_207 : i32
          %rem3A_209 = arith.constant 2 : i32
          %rem3A_210 = arith.remsi %add3A_208, %rem3A_209 : i32
          %mul3A_211 = arith.constant 32 : i32
          %mul3A_212 = arith.muli %add3A_208, %mul3A_211 : i32
          %add3A_213 = arith.addi %mul3A_5, %mul3A_212 : i32
          %dma_wait3A_214 = arith.constant 0 : i32
          %dma_wait3A_215 = arith.constant 0 : i32
          %dma_wait3A_216 = tpu.memref_slice %arg9[%rem3A_210, %dma_wait3A_214, %dma_wait3A_215] : memref<2x32x128xi32, #tpu.memory_space<vmem>> -> memref<1x32x128xi32, #tpu.memory_space<vmem>>
          %dma_wait3A_217 = tpu.memref_squeeze %dma_wait3A_216 : memref<1x32x128xi32, #tpu.memory_space<vmem>> -> memref<32x128xi32, #tpu.memory_space<vmem>>
          %dma_wait3A_218 = arith.constant 0 : i32
          %dma_wait3A_219 = tpu.memref_slice %arg4[%add3A_213, %dma_wait3A_218] : memref<2560x128xi32, #tpu.memory_space<hbm>> -> memref<32x128xi32, #tpu.memory_space<hbm>>
          %dma_wait3A_220 = arith.constant 0 : i32
          %dma_wait3A_221 = arith.constant 0 : i32
          %dma_wait3A_222 = tpu.memref_slice %arg9[%rem3A_210, %dma_wait3A_220, %dma_wait3A_221] : memref<2x32x128xi32, #tpu.memory_space<vmem>> -> memref<1x32x128xi32, #tpu.memory_space<vmem>>
          %dma_wait3A_223 = tpu.memref_squeeze %dma_wait3A_222 : memref<1x32x128xi32, #tpu.memory_space<vmem>> -> memref<32x128xi32, #tpu.memory_space<vmem>>
          %dma_wait3A_224 = arith.constant 0 : i32
          %dma_wait3A_225 = tpu.memref_slice %arg4[%add3A_213, %dma_wait3A_224] : memref<2560x128xi32, #tpu.memory_space<hbm>> -> memref<32x128xi32, #tpu.memory_space<hbm>>
          tpu.wait_dma2 semaphore(%arg14 : memref<!tpu.dma_semaphore, #tpu.memory_space<semaphore_mem>>) src(%dma_wait3A_225 : memref<32x128xi32, #tpu.memory_space<hbm>>) dst(%dma_wait3A_223 : memref<32x128xi32, #tpu.memory_space<vmem>>)
          %dma_wait3A_226 = arith.constant 0 : i32
          %dma_wait3A_227 = arith.constant 0 : i32
          %dma_wait3A_228 = tpu.memref_slice %arg10[%rem3A_210, %dma_wait3A_226, %dma_wait3A_227] : memref<2x32x128xi32, #tpu.memory_space<vmem>> -> memref<1x32x128xi32, #tpu.memory_space<vmem>>
          %dma_wait3A_229 = tpu.memref_squeeze %dma_wait3A_228 : memref<1x32x128xi32, #tpu.memory_space<vmem>> -> memref<32x128xi32, #tpu.memory_space<vmem>>
          %dma_wait3A_230 = arith.constant 0 : i32
          %dma_wait3A_231 = tpu.memref_slice %arg5[%add3A_213, %dma_wait3A_230] : memref<2560x128xi32, #tpu.memory_space<hbm>> -> memref<32x128xi32, #tpu.memory_space<hbm>>
          %dma_wait3A_232 = arith.constant 0 : i32
          %dma_wait3A_233 = arith.constant 0 : i32
          %dma_wait3A_234 = tpu.memref_slice %arg10[%rem3A_210, %dma_wait3A_232, %dma_wait3A_233] : memref<2x32x128xi32, #tpu.memory_space<vmem>> -> memref<1x32x128xi32, #tpu.memory_space<vmem>>
          %dma_wait3A_235 = tpu.memref_squeeze %dma_wait3A_234 : memref<1x32x128xi32, #tpu.memory_space<vmem>> -> memref<32x128xi32, #tpu.memory_space<vmem>>
          %dma_wait3A_236 = arith.constant 0 : i32
          %dma_wait3A_237 = tpu.memref_slice %arg5[%add3A_213, %dma_wait3A_236] : memref<2560x128xi32, #tpu.memory_space<hbm>> -> memref<32x128xi32, #tpu.memory_space<hbm>>
          tpu.wait_dma2 semaphore(%arg14 : memref<!tpu.dma_semaphore, #tpu.memory_space<semaphore_mem>>) src(%dma_wait3A_237 : memref<32x128xi32, #tpu.memory_space<hbm>>) dst(%dma_wait3A_235 : memref<32x128xi32, #tpu.memory_space<vmem>>)
        } else {
        }
        %jit3A = arith.constant 32 : i32
        %div3A = arith.divsi %mul3A_67, %jit3A : i32
        %sign3A = arith.constant 0 : i32
        %sign3A_91 = arith.cmpi sgt, %mul3A_67, %sign3A : i32
        %sign3A_92 = arith.extui %sign3A_91 : i1 to i32
        %sign3A_93 = arith.constant 0 : i32
        %sign3A_94 = arith.cmpi slt, %mul3A_67, %sign3A_93 : i32
        %sign3A_95 = arith.extui %sign3A_94 : i1 to i32
        %sign3A_96 = arith.subi %sign3A_92, %sign3A_95 : i32
        %sign3A_97 = arith.constant 0 : i32
        %sign3A_98 = arith.cmpi sgt, %jit3A, %sign3A_97 : i32
        %sign3A_99 = arith.extui %sign3A_98 : i1 to i32
        %sign3A_100 = arith.constant 0 : i32
        %sign3A_101 = arith.cmpi slt, %jit3A, %sign3A_100 : i32
        %sign3A_102 = arith.extui %sign3A_101 : i1 to i32
        %sign3A_103 = arith.subi %sign3A_99, %sign3A_102 : i32
        %ne3A = arith.cmpi ne, %sign3A_96, %sign3A_103 : i32
        %rem3A_104 = arith.remsi %mul3A_67, %jit3A : i32
        %ne3A_105 = arith.constant 0 : i32
        %ne3A_106 = arith.cmpi ne, %rem3A_104, %ne3A_105 : i32
        %and3A_107 = arith.andi %ne3A, %ne3A_106 : i1
        %sub3A = arith.constant 1 : i32
        %sub3A_108 = arith.subi %div3A, %sub3A : i32
        %select_n3A = arith.select %and3A_107, %sub3A_108, %div3A : i32
        %rem3A_109 = arith.constant 32 : i32
        %rem3A_110 = arith.remsi %mul3A_67, %rem3A_109 : i32
        %rem3A_111 = arith.constant 2 : i32
        %rem3A_112 = arith.remsi %select_n3A, %rem3A_111 : i32
        %dma_wait3A = arith.constant 0 : i32
        %dma_wait3A_113 = arith.constant 0 : i32
        %dma_wait3A_114 = arith.constant 0 : i32
        %dma_wait3A_115 = tpu.memref_slice %arg11[%dma_wait3A, %dma_wait3A_113, %dma_wait3A_114] : memref<2x128x128xf32, #tpu.memory_space<vmem>> -> memref<1x128x128xf32, #tpu.memory_space<vmem>>
        %dma_wait3A_116 = tpu.memref_squeeze %dma_wait3A_115 : memref<1x128x128xf32, #tpu.memory_space<vmem>> -> memref<128x128xf32, #tpu.memory_space<vmem>>
        %dma_wait3A_117 = arith.constant 0 : i32
        %dma_wait3A_118 = tpu.memref_slice %arg9[%rem3A_112, %rem3A_110, %dma_wait3A_117] : memref<2x32x128xi32, #tpu.memory_space<vmem>> -> memref<1x1x128xi32, #tpu.memory_space<vmem>>
        %dma_wait3A_119 = tpu.memref_squeeze %dma_wait3A_118 : memref<1x1x128xi32, #tpu.memory_space<vmem>> -> memref<128xi32, #tpu.memory_space<vmem>>
        %dma_wait3A_120 = arith.constant 0 : i32
        %dma_wait3A_121 = arith.constant 0 : i32
        %dma_wait3A_122 = tpu.memref_slice %arg3[%dma_wait3A_120, %dma_wait3A_121] : memref<10000x128xf32, #tpu.memory_space<hbm>> -> memref<10000x128xf32, #tpu.memory_space<hbm>>
        tpu.wait_indirect_dma semaphore(%arg12 : memref<!tpu.dma_semaphore, #tpu.memory_space<semaphore_mem>>) src(%dma_wait3A_122 : memref<10000x128xf32, #tpu.memory_space<hbm>>) dst(%dma_wait3A_116 : memref<128x128xf32, #tpu.memory_space<vmem>>)
        %rem3A_123 = arith.constant 2 : i32
        %rem3A_124 = arith.remsi %select_n3A, %rem3A_123 : i32
        %run_scoped3A = arith.constant 0 : i32
        "tpu.region"() ({
          %run_scoped3A_183 = tpu.sem_alloc : memref<!tpu.dma_semaphore, #tpu.memory_space<semaphore_mem>>
          %dma_start3A_184 = arith.constant 0 : i32
          %dma_start3A_185 = arith.constant 0 : i32
          %dma_start3A_186 = tpu.memref_slice %arg11[%run_scoped3A, %dma_start3A_184, %dma_start3A_185] : memref<2x128x128xf32, #tpu.memory_space<vmem>> -> memref<1x128x128xf32, #tpu.memory_space<vmem>>
          %dma_start3A_187 = tpu.memref_squeeze %dma_start3A_186 : memref<1x128x128xf32, #tpu.memory_space<vmem>> -> memref<128x128xf32, #tpu.memory_space<vmem>>
          %dma_start3A_188 = arith.constant 0 : i32
          %dma_start3A_189 = tpu.memref_slice %arg10[%rem3A_124, %rem3A_110, %dma_start3A_188] : memref<2x32x128xi32, #tpu.memory_space<vmem>> -> memref<1x1x128xi32, #tpu.memory_space<vmem>>
          %dma_start3A_190 = tpu.memref_squeeze %dma_start3A_189 : memref<1x1x128xi32, #tpu.memory_space<vmem>> -> memref<128xi32, #tpu.memory_space<vmem>>
          %dma_start3A_191 = arith.constant 0 : i32
          %dma_start3A_192 = arith.constant 0 : i32
          %dma_start3A_193 = tpu.memref_slice %arg8[%dma_start3A_191, %dma_start3A_192] : memref<10128x128xf32, #tpu.memory_space<vmem_shared>> -> memref<10128x128xf32, #tpu.memory_space<vmem_shared>>
          tpu.enqueue_indirect_dma source(%dma_start3A_187 : memref<128x128xf32, #tpu.memory_space<vmem>>) target(%dma_start3A_193 : memref<10128x128xf32, #tpu.memory_space<vmem_shared>>) offsets(%dma_start3A_190 : memref<128xi32, #tpu.memory_space<vmem>>) semaphore(%run_scoped3A_183 : memref<!tpu.dma_semaphore, #tpu.memory_space<semaphore_mem>>) {add = true}
          %dma_wait3A_194 = arith.constant 0 : i32
          %dma_wait3A_195 = arith.constant 0 : i32
          %dma_wait3A_196 = tpu.memref_slice %arg11[%run_scoped3A, %dma_wait3A_194, %dma_wait3A_195] : memref<2x128x128xf32, #tpu.memory_space<vmem>> -> memref<1x128x128xf32, #tpu.memory_space<vmem>>
          %dma_wait3A_197 = tpu.memref_squeeze %dma_wait3A_196 : memref<1x128x128xf32, #tpu.memory_space<vmem>> -> memref<128x128xf32, #tpu.memory_space<vmem>>
          %dma_wait3A_198 = arith.constant 0 : i32
          %dma_wait3A_199 = tpu.memref_slice %arg10[%rem3A_124, %rem3A_110, %dma_wait3A_198] : memref<2x32x128xi32, #tpu.memory_space<vmem>> -> memref<1x1x128xi32, #tpu.memory_space<vmem>>
          %dma_wait3A_200 = tpu.memref_squeeze %dma_wait3A_199 : memref<1x1x128xi32, #tpu.memory_space<vmem>> -> memref<128xi32, #tpu.memory_space<vmem>>
          %dma_wait3A_201 = arith.constant 0 : i32
          %dma_wait3A_202 = arith.constant 0 : i32
          %dma_wait3A_203 = tpu.memref_slice %arg8[%dma_wait3A_201, %dma_wait3A_202] : memref<10128x128xf32, #tpu.memory_space<vmem_shared>> -> memref<10128x128xf32, #tpu.memory_space<vmem_shared>>
          tpu.wait_indirect_dma semaphore(%run_scoped3A_183 : memref<!tpu.dma_semaphore, #tpu.memory_space<semaphore_mem>>) src(%dma_wait3A_197 : memref<128x128xf32, #tpu.memory_space<vmem>>) dst(%dma_wait3A_203 : memref<10128x128xf32, #tpu.memory_space<vmem_shared>>)
          tpu.yield
        }) : () -> ()
        %add3A_125 = arith.constant 2 : i32
        %add3A_126 = arith.addi %mul3A_67, %add3A_125 : i32
        %lt3A_127 = arith.constant 160 : i32
        %lt3A_128 = arith.cmpi slt, %add3A_126, %lt3A_127 : i32
        %convert_element_type3A_129 = arith.extui %lt3A_128 : i1 to i32
        %cond3A_130 = arith.constant 0 : i32
        %cond3A_131 = arith.cmpi ne, %convert_element_type3A_129, %cond3A_130 : i32
        scf.if %cond3A_131 {
          %add3A_183 = arith.constant 2 : i32
          %add3A_184 = arith.addi %mul3A_67, %add3A_183 : i32
          %jit3A_185 = arith.constant 32 : i32
          %div3A_186 = arith.divsi %add3A_184, %jit3A_185 : i32
          %sign3A_187 = arith.constant 0 : i32
          %sign3A_188 = arith.cmpi sgt, %add3A_184, %sign3A_187 : i32
          %sign3A_189 = arith.extui %sign3A_188 : i1 to i32
          %sign3A_190 = arith.constant 0 : i32
          %sign3A_191 = arith.cmpi slt, %add3A_184, %sign3A_190 : i32
          %sign3A_192 = arith.extui %sign3A_191 : i1 to i32
          %sign3A_193 = arith.subi %sign3A_189, %sign3A_192 : i32
          %sign3A_194 = arith.constant 0 : i32
          %sign3A_195 = arith.cmpi sgt, %jit3A_185, %sign3A_194 : i32
          %sign3A_196 = arith.extui %sign3A_195 : i1 to i32
          %sign3A_197 = arith.constant 0 : i32
          %sign3A_198 = arith.cmpi slt, %jit3A_185, %sign3A_197 : i32
          %sign3A_199 = arith.extui %sign3A_198 : i1 to i32
          %sign3A_200 = arith.subi %sign3A_196, %sign3A_199 : i32
          %ne3A_201 = arith.cmpi ne, %sign3A_193, %sign3A_200 : i32
          %rem3A_202 = arith.remsi %add3A_184, %jit3A_185 : i32
          %ne3A_203 = arith.constant 0 : i32
          %ne3A_204 = arith.cmpi ne, %rem3A_202, %ne3A_203 : i32
          %and3A_205 = arith.andi %ne3A_201, %ne3A_204 : i1
          %sub3A_206 = arith.constant 1 : i32
          %sub3A_207 = arith.subi %div3A_186, %sub3A_206 : i32
          %select_n3A_208 = arith.select %and3A_205, %sub3A_207, %div3A_186 : i32
          %rem3A_209 = arith.constant 2 : i32
          %rem3A_210 = arith.remsi %select_n3A_208, %rem3A_209 : i32
          %rem3A_211 = arith.constant 32 : i32
          %rem3A_212 = arith.remsi %add3A_184, %rem3A_211 : i32
          %dma_start3A_213 = arith.constant 0 : i32
          %dma_start3A_214 = arith.constant 0 : i32
          %dma_start3A_215 = arith.constant 0 : i32
          %dma_start3A_216 = tpu.memref_slice %arg11[%dma_start3A_213, %dma_start3A_214, %dma_start3A_215] : memref<2x128x128xf32, #tpu.memory_space<vmem>> -> memref<1x128x128xf32, #tpu.memory_space<vmem>>
          %dma_start3A_217 = tpu.memref_squeeze %dma_start3A_216 : memref<1x128x128xf32, #tpu.memory_space<vmem>> -> memref<128x128xf32, #tpu.memory_space<vmem>>
          %dma_start3A_218 = arith.constant 0 : i32
          %dma_start3A_219 = tpu.memref_slice %arg9[%rem3A_210, %rem3A_212, %dma_start3A_218] : memref<2x32x128xi32, #tpu.memory_space<vmem>> -> memref<1x1x128xi32, #tpu.memory_space<vmem>>
          %dma_start3A_220 = tpu.memref_squeeze %dma_start3A_219 : memref<1x1x128xi32, #tpu.memory_space<vmem>> -> memref<128xi32, #tpu.memory_space<vmem>>
          %dma_start3A_221 = arith.constant 0 : i32
          %dma_start3A_222 = arith.constant 0 : i32
          %dma_start3A_223 = tpu.memref_slice %arg3[%dma_start3A_221, %dma_start3A_222] : memref<10000x128xf32, #tpu.memory_space<hbm>> -> memref<10000x128xf32, #tpu.memory_space<hbm>>
          tpu.enqueue_indirect_dma source(%dma_start3A_223 : memref<10000x128xf32, #tpu.memory_space<hbm>>) target(%dma_start3A_217 : memref<128x128xf32, #tpu.memory_space<vmem>>) offsets(%dma_start3A_220 : memref<128xi32, #tpu.memory_space<vmem>>) semaphore(%arg12 : memref<!tpu.dma_semaphore, #tpu.memory_space<semaphore_mem>>)
        } else {
        }
        %add3A_132 = arith.constant 1 : i32
        %add3A_133 = arith.addi %mul3A_67, %add3A_132 : i32
        %jit3A_134 = arith.constant 32 : i32
        %div3A_135 = arith.divsi %add3A_133, %jit3A_134 : i32
        %sign3A_136 = arith.constant 0 : i32
        %sign3A_137 = arith.cmpi sgt, %add3A_133, %sign3A_136 : i32
        %sign3A_138 = arith.extui %sign3A_137 : i1 to i32
        %sign3A_139 = arith.constant 0 : i32
        %sign3A_140 = arith.cmpi slt, %add3A_133, %sign3A_139 : i32
        %sign3A_141 = arith.extui %sign3A_140 : i1 to i32
        %sign3A_142 = arith.subi %sign3A_138, %sign3A_141 : i32
        %sign3A_143 = arith.constant 0 : i32
        %sign3A_144 = arith.cmpi sgt, %jit3A_134, %sign3A_143 : i32
        %sign3A_145 = arith.extui %sign3A_144 : i1 to i32
        %sign3A_146 = arith.constant 0 : i32
        %sign3A_147 = arith.cmpi slt, %jit3A_134, %sign3A_146 : i32
        %sign3A_148 = arith.extui %sign3A_147 : i1 to i32
        %sign3A_149 = arith.subi %sign3A_145, %sign3A_148 : i32
        %ne3A_150 = arith.cmpi ne, %sign3A_142, %sign3A_149 : i32
        %rem3A_151 = arith.remsi %add3A_133, %jit3A_134 : i32
        %ne3A_152 = arith.constant 0 : i32
        %ne3A_153 = arith.cmpi ne, %rem3A_151, %ne3A_152 : i32
        %and3A_154 = arith.andi %ne3A_150, %ne3A_153 : i1
        %sub3A_155 = arith.constant 1 : i32
        %sub3A_156 = arith.subi %div3A_135, %sub3A_155 : i32
        %select_n3A_157 = arith.select %and3A_154, %sub3A_156, %div3A_135 : i32
        %rem3A_158 = arith.constant 32 : i32
        %rem3A_159 = arith.remsi %add3A_133, %rem3A_158 : i32
        %rem3A_160 = arith.constant 2 : i32
        %rem3A_161 = arith.remsi %select_n3A_157, %rem3A_160 : i32
        %dma_wait3A_162 = arith.constant 1 : i32
        %dma_wait3A_163 = arith.constant 0 : i32
        %dma_wait3A_164 = arith.constant 0 : i32
        %dma_wait3A_165 = tpu.memref_slice %arg11[%dma_wait3A_162, %dma_wait3A_163, %dma_wait3A_164] : memref<2x128x128xf32, #tpu.memory_space<vmem>> -> memref<1x128x128xf32, #tpu.memory_space<vmem>>
        %dma_wait3A_166 = tpu.memref_squeeze %dma_wait3A_165 : memref<1x128x128xf32, #tpu.memory_space<vmem>> -> memref<128x128xf32, #tpu.memory_space<vmem>>
        %dma_wait3A_167 = arith.constant 0 : i32
        %dma_wait3A_168 = tpu.memref_slice %arg9[%rem3A_161, %rem3A_159, %dma_wait3A_167] : memref<2x32x128xi32, #tpu.memory_space<vmem>> -> memref<1x1x128xi32, #tpu.memory_space<vmem>>
        %dma_wait3A_169 = tpu.memref_squeeze %dma_wait3A_168 : memref<1x1x128xi32, #tpu.memory_space<vmem>> -> memref<128xi32, #tpu.memory_space<vmem>>
        %dma_wait3A_170 = arith.constant 0 : i32
        %dma_wait3A_171 = arith.constant 0 : i32
        %dma_wait3A_172 = tpu.memref_slice %arg3[%dma_wait3A_170, %dma_wait3A_171] : memref<10000x128xf32, #tpu.memory_space<hbm>> -> memref<10000x128xf32, #tpu.memory_space<hbm>>
        tpu.wait_indirect_dma semaphore(%arg13 : memref<!tpu.dma_semaphore, #tpu.memory_space<semaphore_mem>>) src(%dma_wait3A_172 : memref<10000x128xf32, #tpu.memory_space<hbm>>) dst(%dma_wait3A_166 : memref<128x128xf32, #tpu.memory_space<vmem>>)
        %rem3A_173 = arith.constant 2 : i32
        %rem3A_174 = arith.remsi %select_n3A_157, %rem3A_173 : i32
        %run_scoped3A_175 = arith.constant 1 : i32
        "tpu.region"() ({
          %run_scoped3A_183 = tpu.sem_alloc : memref<!tpu.dma_semaphore, #tpu.memory_space<semaphore_mem>>
          %dma_start3A_184 = arith.constant 0 : i32
          %dma_start3A_185 = arith.constant 0 : i32
          %dma_start3A_186 = tpu.memref_slice %arg11[%run_scoped3A_175, %dma_start3A_184, %dma_start3A_185] : memref<2x128x128xf32, #tpu.memory_space<vmem>> -> memref<1x128x128xf32, #tpu.memory_space<vmem>>
          %dma_start3A_187 = tpu.memref_squeeze %dma_start3A_186 : memref<1x128x128xf32, #tpu.memory_space<vmem>> -> memref<128x128xf32, #tpu.memory_space<vmem>>
          %dma_start3A_188 = arith.constant 0 : i32
          %dma_start3A_189 = tpu.memref_slice %arg10[%rem3A_174, %rem3A_159, %dma_start3A_188] : memref<2x32x128xi32, #tpu.memory_space<vmem>> -> memref<1x1x128xi32, #tpu.memory_space<vmem>>
          %dma_start3A_190 = tpu.memref_squeeze %dma_start3A_189 : memref<1x1x128xi32, #tpu.memory_space<vmem>> -> memref<128xi32, #tpu.memory_space<vmem>>
          %dma_start3A_191 = arith.constant 0 : i32
          %dma_start3A_192 = arith.constant 0 : i32
          %dma_start3A_193 = tpu.memref_slice %arg8[%dma_start3A_191, %dma_start3A_192] : memref<10128x128xf32, #tpu.memory_space<vmem_shared>> -> memref<10128x128xf32, #tpu.memory_space<vmem_shared>>
          tpu.enqueue_indirect_dma source(%dma_start3A_187 : memref<128x128xf32, #tpu.memory_space<vmem>>) target(%dma_start3A_193 : memref<10128x128xf32, #tpu.memory_space<vmem_shared>>) offsets(%dma_start3A_190 : memref<128xi32, #tpu.memory_space<vmem>>) semaphore(%run_scoped3A_183 : memref<!tpu.dma_semaphore, #tpu.memory_space<semaphore_mem>>) {add = true}
          %dma_wait3A_194 = arith.constant 0 : i32
          %dma_wait3A_195 = arith.constant 0 : i32
          %dma_wait3A_196 = tpu.memref_slice %arg11[%run_scoped3A_175, %dma_wait3A_194, %dma_wait3A_195] : memref<2x128x128xf32, #tpu.memory_space<vmem>> -> memref<1x128x128xf32, #tpu.memory_space<vmem>>
          %dma_wait3A_197 = tpu.memref_squeeze %dma_wait3A_196 : memref<1x128x128xf32, #tpu.memory_space<vmem>> -> memref<128x128xf32, #tpu.memory_space<vmem>>
          %dma_wait3A_198 = arith.constant 0 : i32
          %dma_wait3A_199 = tpu.memref_slice %arg10[%rem3A_174, %rem3A_159, %dma_wait3A_198] : memref<2x32x128xi32, #tpu.memory_space<vmem>> -> memref<1x1x128xi32, #tpu.memory_space<vmem>>
          %dma_wait3A_200 = tpu.memref_squeeze %dma_wait3A_199 : memref<1x1x128xi32, #tpu.memory_space<vmem>> -> memref<128xi32, #tpu.memory_space<vmem>>
          %dma_wait3A_201 = arith.constant 0 : i32
          %dma_wait3A_202 = arith.constant 0 : i32
          %dma_wait3A_203 = tpu.memref_slice %arg8[%dma_wait3A_201, %dma_wait3A_202] : memref<10128x128xf32, #tpu.memory_space<vmem_shared>> -> memref<10128x128xf32, #tpu.memory_space<vmem_shared>>
          tpu.wait_indirect_dma semaphore(%run_scoped3A_183 : memref<!tpu.dma_semaphore, #tpu.memory_space<semaphore_mem>>) src(%dma_wait3A_197 : memref<128x128xf32, #tpu.memory_space<vmem>>) dst(%dma_wait3A_203 : memref<10128x128xf32, #tpu.memory_space<vmem_shared>>)
          tpu.yield
        }) : () -> ()
        %add3A_176 = arith.constant 3 : i32
        %add3A_177 = arith.addi %mul3A_67, %add3A_176 : i32
        %lt3A_178 = arith.constant 160 : i32
        %lt3A_179 = arith.cmpi slt, %add3A_177, %lt3A_178 : i32
        %convert_element_type3A_180 = arith.extui %lt3A_179 : i1 to i32
        %cond3A_181 = arith.constant 0 : i32
        %cond3A_182 = arith.cmpi ne, %convert_element_type3A_180, %cond3A_181 : i32
        scf.if %cond3A_182 {
          %add3A_183 = arith.constant 3 : i32
          %add3A_184 = arith.addi %mul3A_67, %add3A_183 : i32
          %jit3A_185 = arith.constant 32 : i32
          %div3A_186 = arith.divsi %add3A_184, %jit3A_185 : i32
          %sign3A_187 = arith.constant 0 : i32
          %sign3A_188 = arith.cmpi sgt, %add3A_184, %sign3A_187 : i32
          %sign3A_189 = arith.extui %sign3A_188 : i1 to i32
          %sign3A_190 = arith.constant 0 : i32
          %sign3A_191 = arith.cmpi slt, %add3A_184, %sign3A_190 : i32
          %sign3A_192 = arith.extui %sign3A_191 : i1 to i32
          %sign3A_193 = arith.subi %sign3A_189, %sign3A_192 : i32
          %sign3A_194 = arith.constant 0 : i32
          %sign3A_195 = arith.cmpi sgt, %jit3A_185, %sign3A_194 : i32
          %sign3A_196 = arith.extui %sign3A_195 : i1 to i32
          %sign3A_197 = arith.constant 0 : i32
          %sign3A_198 = arith.cmpi slt, %jit3A_185, %sign3A_197 : i32
          %sign3A_199 = arith.extui %sign3A_198 : i1 to i32
          %sign3A_200 = arith.subi %sign3A_196, %sign3A_199 : i32
          %ne3A_201 = arith.cmpi ne, %sign3A_193, %sign3A_200 : i32
          %rem3A_202 = arith.remsi %add3A_184, %jit3A_185 : i32
          %ne3A_203 = arith.constant 0 : i32
          %ne3A_204 = arith.cmpi ne, %rem3A_202, %ne3A_203 : i32
          %and3A_205 = arith.andi %ne3A_201, %ne3A_204 : i1
          %sub3A_206 = arith.constant 1 : i32
          %sub3A_207 = arith.subi %div3A_186, %sub3A_206 : i32
          %select_n3A_208 = arith.select %and3A_205, %sub3A_207, %div3A_186 : i32
          %rem3A_209 = arith.constant 2 : i32
          %rem3A_210 = arith.remsi %select_n3A_208, %rem3A_209 : i32
          %rem3A_211 = arith.constant 32 : i32
          %rem3A_212 = arith.remsi %add3A_184, %rem3A_211 : i32
          %dma_start3A_213 = arith.constant 1 : i32
          %dma_start3A_214 = arith.constant 0 : i32
          %dma_start3A_215 = arith.constant 0 : i32
          %dma_start3A_216 = tpu.memref_slice %arg11[%dma_start3A_213, %dma_start3A_214, %dma_start3A_215] : memref<2x128x128xf32, #tpu.memory_space<vmem>> -> memref<1x128x128xf32, #tpu.memory_space<vmem>>
          %dma_start3A_217 = tpu.memref_squeeze %dma_start3A_216 : memref<1x128x128xf32, #tpu.memory_space<vmem>> -> memref<128x128xf32, #tpu.memory_space<vmem>>
          %dma_start3A_218 = arith.constant 0 : i32
          %dma_start3A_219 = tpu.memref_slice %arg9[%rem3A_210, %rem3A_212, %dma_start3A_218] : memref<2x32x128xi32, #tpu.memory_space<vmem>> -> memref<1x1x128xi32, #tpu.memory_space<vmem>>
          %dma_start3A_220 = tpu.memref_squeeze %dma_start3A_219 : memref<1x1x128xi32, #tpu.memory_space<vmem>> -> memref<128xi32, #tpu.memory_space<vmem>>
          %dma_start3A_221 = arith.constant 0 : i32
          %dma_start3A_222 = arith.constant 0 : i32
          %dma_start3A_223 = tpu.memref_slice %arg3[%dma_start3A_221, %dma_start3A_222] : memref<10000x128xf32, #tpu.memory_space<hbm>> -> memref<10000x128xf32, #tpu.memory_space<hbm>>
          tpu.enqueue_indirect_dma source(%dma_start3A_223 : memref<10000x128xf32, #tpu.memory_space<hbm>>) target(%dma_start3A_217 : memref<128x128xf32, #tpu.memory_space<vmem>>) offsets(%dma_start3A_220 : memref<128xi32, #tpu.memory_space<vmem>>) semaphore(%arg13 : memref<!tpu.dma_semaphore, #tpu.memory_space<semaphore_mem>>)
        } else {
        }
      }
      %scan3A_58 = arith.constant 80 : i32
      %barrier3A_59 = arith.constant 0 : index
      tpu.barrier barrier_id(%barrier3A_59)
      "tpu.region"() ({
        %run_scoped3A = tpu.sem_alloc : memref<!tpu.dma_semaphore, #tpu.memory_space<semaphore_mem>>
        %dma_start3A_65 = arith.constant 0 : i32
        %dma_start3A_66 = tpu.memref_slice %arg7[%mul3A_0, %dma_start3A_65] : memref<10000x128xf32, #tpu.memory_space<hbm>> -> memref<624x128xf32, #tpu.memory_space<hbm>>
        %dma_start3A_67 = arith.constant 0 : i32
        %dma_start3A_68 = tpu.memref_slice %arg8[%mul3A_0, %dma_start3A_67] : memref<10128x128xf32, #tpu.memory_space<vmem_shared>> -> memref<624x128xf32, #tpu.memory_space<vmem_shared>>
        tpu.enqueue_dma source(%dma_start3A_68 : memref<624x128xf32, #tpu.memory_space<vmem_shared>>) target(%dma_start3A_66 : memref<624x128xf32, #tpu.memory_space<hbm>>) target_semaphore(%run_scoped3A : memref<!tpu.dma_semaphore, #tpu.memory_space<semaphore_mem>>)
        %dma_wait3A = arith.constant 0 : i32
        %dma_wait3A_69 = tpu.memref_slice %arg7[%mul3A_0, %dma_wait3A] : memref<10000x128xf32, #tpu.memory_space<hbm>> -> memref<624x128xf32, #tpu.memory_space<hbm>>
        %dma_wait3A_70 = arith.constant 0 : i32
        %dma_wait3A_71 = tpu.memref_slice %arg8[%mul3A_0, %dma_wait3A_70] : memref<10128x128xf32, #tpu.memory_space<vmem_shared>> -> memref<624x128xf32, #tpu.memory_space<vmem_shared>>
        tpu.wait_dma2 semaphore(%run_scoped3A : memref<!tpu.dma_semaphore, #tpu.memory_space<semaphore_mem>>) src(%dma_wait3A_71 : memref<624x128xf32, #tpu.memory_space<vmem_shared>>) dst(%dma_wait3A_69 : memref<624x128xf32, #tpu.memory_space<hbm>>)
        tpu.yield
      }) : () -> ()
      %lt3A_60 = arith.constant 2 : i32
      %lt3A_61 = arith.cmpi slt, %arg1, %lt3A_60 : i32
      %convert_element_type3A_62 = arith.extui %lt3A_61 : i1 to i32
      %cond3A_63 = arith.constant 0 : i32
      %cond3A_64 = arith.cmpi ne, %convert_element_type3A_62, %cond3A_63 : i32
      scf.if %cond3A_64 {
        "tpu.region"() ({
          %run_scoped3A = tpu.sem_alloc : memref<!tpu.dma_semaphore, #tpu.memory_space<semaphore_mem>>
          %dma_start3A_65 = arith.constant 0 : i32
          %dma_start3A_66 = tpu.memref_slice %arg7[%add3A_3, %dma_start3A_65] : memref<10000x128xf32, #tpu.memory_space<hbm>> -> memref<8x128xf32, #tpu.memory_space<hbm>>
          %dma_start3A_67 = arith.constant 0 : i32
          %dma_start3A_68 = tpu.memref_slice %arg8[%add3A_3, %dma_start3A_67] : memref<10128x128xf32, #tpu.memory_space<vmem_shared>> -> memref<8x128xf32, #tpu.memory_space<vmem_shared>>
          tpu.enqueue_dma source(%dma_start3A_68 : memref<8x128xf32, #tpu.memory_space<vmem_shared>>) target(%dma_start3A_66 : memref<8x128xf32, #tpu.memory_space<hbm>>) target_semaphore(%run_scoped3A : memref<!tpu.dma_semaphore, #tpu.memory_space<semaphore_mem>>)
          %dma_wait3A = arith.constant 0 : i32
          %dma_wait3A_69 = tpu.memref_slice %arg7[%add3A_3, %dma_wait3A] : memref<10000x128xf32, #tpu.memory_space<hbm>> -> memref<8x128xf32, #tpu.memory_space<hbm>>
          %dma_wait3A_70 = arith.constant 0 : i32
          %dma_wait3A_71 = tpu.memref_slice %arg8[%add3A_3, %dma_wait3A_70] : memref<10128x128xf32, #tpu.memory_space<vmem_shared>> -> memref<8x128xf32, #tpu.memory_space<vmem_shared>>
          tpu.wait_dma2 semaphore(%run_scoped3A : memref<!tpu.dma_semaphore, #tpu.memory_space<semaphore_mem>>) src(%dma_wait3A_71 : memref<8x128xf32, #tpu.memory_space<vmem_shared>>) dst(%dma_wait3A_69 : memref<8x128xf32, #tpu.memory_space<hbm>>)
          tpu.yield
        }) : () -> ()
      } else {
      }
    } else {
    }
    return
  }
}

module attributes {stable_mosaic.version = 14 : i64} {
  func.func @body(%arg0: memref<10000x128xf32, #tpu.memory_space<vmem>>, %arg1: memref<10000x128xf32, #tpu.memory_space<vmem>>, %arg2: memref<10000x128xf32, #tpu.memory_space<vmem>>, %arg3: memref<128x256xf32, #tpu.memory_space<vmem>>, %arg4: memref<256x256xf32, #tpu.memory_space<vmem>>, %arg5: memref<1x256xf32, #tpu.memory_space<vmem>>, %arg6: memref<1x256xf32, #tpu.memory_space<vmem>>, %arg7: memref<1x256xf32, #tpu.memory_space<vmem>>, %arg8: memref<1x256xf32, #tpu.memory_space<vmem>>, %arg9: memref<10000x128xf32, #tpu.memory_space<vmem>>, %arg10: memref<10000x128xf32, #tpu.memory_space<vmem>>) attributes {dimension_semantics = [], scalar_prefetch = 0 : i64, scratch_operands = 0 : i64, tpu.core_type = #tpu.core_type<tc>} {
    %get3A = arith.constant 0 : index
    %get3A_0 = arith.constant 0 : index
    %get3A_1 = vector.load %arg0[%get3A, %get3A_0] : memref<10000x128xf32, #tpu.memory_space<vmem>>, vector<10000x128xf32>
    %get3A_2 = arith.constant 0 : index
    %get3A_3 = arith.constant 0 : index
    %get3A_4 = vector.load %arg1[%get3A_2, %get3A_3] : memref<10000x128xf32, #tpu.memory_space<vmem>>, vector<10000x128xf32>
    %add3A = arith.addf %get3A_1, %get3A_4 : vector<10000x128xf32>
    %get3A_5 = arith.constant 0 : index
    %get3A_6 = arith.constant 0 : index
    %get3A_7 = vector.load %arg2[%get3A_5, %get3A_6] : memref<10000x128xf32, #tpu.memory_space<vmem>>, vector<10000x128xf32>
    %sub3A = arith.subf %add3A, %get3A_7 : vector<10000x128xf32>
    %get3A_8 = arith.constant 0 : index
    %get3A_9 = arith.constant 0 : index
    %get3A_10 = vector.load %arg3[%get3A_8, %get3A_9] : memref<128x256xf32, #tpu.memory_space<vmem>>, vector<128x256xf32>
    %dot_general3A = arith.constant dense<0.000000e+00> : vector<10000x256xf32>
    %dot_general3A_11 = tpu.matmul %sub3A, %get3A_10, %dot_general3A {dimension_numbers = #tpu.dot_dimension_numbers<[1], [0], [0], [1], [0, 0, 1, 1], [], []>, transpose_lhs_hint = false} : vector<10000x128xf32>, vector<128x256xf32>, vector<10000x256xf32> -> vector<10000x256xf32>
    %get3A_12 = arith.constant 0 : index
    %get3A_13 = arith.constant 0 : index
    %get3A_14 = vector.load %arg5[%get3A_12, %get3A_13] : memref<1x256xf32, #tpu.memory_space<vmem>>, vector<1x256xf32>
    %get3A_15 = arith.constant 0 : index
    %get3A_16 = arith.constant 0 : index
    %get3A_17 = vector.load %arg6[%get3A_15, %get3A_16] : memref<1x256xf32, #tpu.memory_space<vmem>>, vector<1x256xf32>
    %reduce_sum3A = arith.constant dense<0.000000e+00> : vector<256xf32>
    %reduce_sum3A_18 = vector.multi_reduction <add>, %dot_general3A_11, %reduce_sum3A [0] : vector<10000x256xf32> to vector<256xf32>
    %broadcast_in_dim3A = vector.shape_cast %reduce_sum3A_18 : vector<256xf32> to vector<1x256xf32>
    %div3A = arith.constant 1.000000e+04 : f32
    %div3A_19 = vector.broadcast %div3A : f32 to vector<1x256xf32>
    %div3A_20 = arith.divf %broadcast_in_dim3A, %div3A_19 : vector<1x256xf32>
    %sub3A_21 = vector.broadcast %div3A_20 : vector<1x256xf32> to vector<10000x256xf32>
    %sub3A_22 = arith.subf %dot_general3A_11, %sub3A_21 : vector<10000x256xf32>
    %integer_pow3A = arith.mulf %sub3A_22, %sub3A_22 : vector<10000x256xf32>
    %reduce_sum3A_23 = arith.constant dense<0.000000e+00> : vector<256xf32>
    %reduce_sum3A_24 = vector.multi_reduction <add>, %integer_pow3A, %reduce_sum3A_23 [0] : vector<10000x256xf32> to vector<256xf32>
    %broadcast_in_dim3A_25 = vector.shape_cast %reduce_sum3A_24 : vector<256xf32> to vector<1x256xf32>
    %div3A_26 = arith.constant 1.000000e+04 : f32
    %div3A_27 = vector.broadcast %div3A_26 : f32 to vector<1x256xf32>
    %div3A_28 = arith.divf %broadcast_in_dim3A_25, %div3A_27 : vector<1x256xf32>
    %sub3A_29 = vector.broadcast %div3A_20 : vector<1x256xf32> to vector<10000x256xf32>
    %sub3A_30 = arith.subf %dot_general3A_11, %sub3A_29 : vector<10000x256xf32>
    %add3A_31 = arith.constant 9.99999974E-6 : f32
    %add3A_32 = vector.broadcast %add3A_31 : f32 to vector<1x256xf32>
    %add3A_33 = arith.addf %div3A_28, %add3A_32 : vector<1x256xf32>
    %rsqrt3A = math.rsqrt %add3A_33 : vector<1x256xf32>
    %mul3A = vector.broadcast %rsqrt3A : vector<1x256xf32> to vector<10000x256xf32>
    %mul3A_34 = arith.mulf %sub3A_30, %mul3A : vector<10000x256xf32>
    %mul3A_35 = vector.broadcast %get3A_14 : vector<1x256xf32> to vector<10000x256xf32>
    %mul3A_36 = arith.mulf %mul3A_34, %mul3A_35 : vector<10000x256xf32>
    %add3A_37 = vector.broadcast %get3A_17 : vector<1x256xf32> to vector<10000x256xf32>
    %add3A_38 = arith.addf %mul3A_36, %add3A_37 : vector<10000x256xf32>
    %max3A = arith.constant 0.000000e+00 : f32
    %max3A_39 = vector.broadcast %max3A : f32 to vector<10000x256xf32>
    %max3A_40 = arith.maximumf %add3A_38, %max3A_39 : vector<10000x256xf32>
    %get3A_41 = arith.constant 0 : index
    %get3A_42 = arith.constant 0 : index
    %get3A_43 = vector.load %arg4[%get3A_41, %get3A_42] : memref<256x256xf32, #tpu.memory_space<vmem>>, vector<256x256xf32>
    %dot_general3A_44 = arith.constant dense<0.000000e+00> : vector<10000x256xf32>
    %dot_general3A_45 = tpu.matmul %max3A_40, %get3A_43, %dot_general3A_44 {dimension_numbers = #tpu.dot_dimension_numbers<[1], [0], [0], [1], [0, 0, 1, 1], [], []>, transpose_lhs_hint = false} : vector<10000x256xf32>, vector<256x256xf32>, vector<10000x256xf32> -> vector<10000x256xf32>
    %get3A_46 = arith.constant 0 : index
    %get3A_47 = arith.constant 0 : index
    %get3A_48 = vector.load %arg7[%get3A_46, %get3A_47] : memref<1x256xf32, #tpu.memory_space<vmem>>, vector<1x256xf32>
    %get3A_49 = arith.constant 0 : index
    %get3A_50 = arith.constant 0 : index
    %get3A_51 = vector.load %arg8[%get3A_49, %get3A_50] : memref<1x256xf32, #tpu.memory_space<vmem>>, vector<1x256xf32>
    %reduce_sum3A_52 = arith.constant dense<0.000000e+00> : vector<256xf32>
    %reduce_sum3A_53 = vector.multi_reduction <add>, %dot_general3A_45, %reduce_sum3A_52 [0] : vector<10000x256xf32> to vector<256xf32>
    %broadcast_in_dim3A_54 = vector.shape_cast %reduce_sum3A_53 : vector<256xf32> to vector<1x256xf32>
    %div3A_55 = arith.constant 1.000000e+04 : f32
    %div3A_56 = vector.broadcast %div3A_55 : f32 to vector<1x256xf32>
    %div3A_57 = arith.divf %broadcast_in_dim3A_54, %div3A_56 : vector<1x256xf32>
    %sub3A_58 = vector.broadcast %div3A_57 : vector<1x256xf32> to vector<10000x256xf32>
    %sub3A_59 = arith.subf %dot_general3A_45, %sub3A_58 : vector<10000x256xf32>
    %integer_pow3A_60 = arith.mulf %sub3A_59, %sub3A_59 : vector<10000x256xf32>
    %reduce_sum3A_61 = arith.constant dense<0.000000e+00> : vector<256xf32>
    %reduce_sum3A_62 = vector.multi_reduction <add>, %integer_pow3A_60, %reduce_sum3A_61 [0] : vector<10000x256xf32> to vector<256xf32>
    %broadcast_in_dim3A_63 = vector.shape_cast %reduce_sum3A_62 : vector<256xf32> to vector<1x256xf32>
    %div3A_64 = arith.constant 1.000000e+04 : f32
    %div3A_65 = vector.broadcast %div3A_64 : f32 to vector<1x256xf32>
    %div3A_66 = arith.divf %broadcast_in_dim3A_63, %div3A_65 : vector<1x256xf32>
    %sub3A_67 = vector.broadcast %div3A_57 : vector<1x256xf32> to vector<10000x256xf32>
    %sub3A_68 = arith.subf %dot_general3A_45, %sub3A_67 : vector<10000x256xf32>
    %add3A_69 = arith.constant 9.99999974E-6 : f32
    %add3A_70 = vector.broadcast %add3A_69 : f32 to vector<1x256xf32>
    %add3A_71 = arith.addf %div3A_66, %add3A_70 : vector<1x256xf32>
    %rsqrt3A_72 = math.rsqrt %add3A_71 : vector<1x256xf32>
    %mul3A_73 = vector.broadcast %rsqrt3A_72 : vector<1x256xf32> to vector<10000x256xf32>
    %mul3A_74 = arith.mulf %sub3A_68, %mul3A_73 : vector<10000x256xf32>
    %mul3A_75 = vector.broadcast %get3A_48 : vector<1x256xf32> to vector<10000x256xf32>
    %mul3A_76 = arith.mulf %mul3A_74, %mul3A_75 : vector<10000x256xf32>
    %add3A_77 = vector.broadcast %get3A_51 : vector<1x256xf32> to vector<10000x256xf32>
    %add3A_78 = arith.addf %mul3A_76, %add3A_77 : vector<10000x256xf32>
    %max3A_79 = arith.constant 0.000000e+00 : f32
    %max3A_80 = vector.broadcast %max3A_79 : f32 to vector<10000x256xf32>
    %max3A_81 = arith.maximumf %add3A_78, %max3A_80 : vector<10000x256xf32>
    %slice3A = vector.extract_strided_slice %max3A_81 {offsets = [0, 0], sizes = [10000, 128], strides = [1, 1]} : vector<10000x256xf32> to vector<10000x128xf32>
    %swap3A = arith.constant 0 : index
    %swap3A_82 = arith.constant 0 : index
    %swap3A_83 = vector.load %arg9[%swap3A, %swap3A_82] : memref<10000x128xf32, #tpu.memory_space<vmem>>, vector<10000x128xf32>
    tpu.vector_store %arg9[%swap3A, %swap3A_82], %slice3A {strides = array<i32>} : memref<10000x128xf32, #tpu.memory_space<vmem>>, vector<10000x128xf32>,
    %slice3A_84 = vector.extract_strided_slice %max3A_81 {offsets = [0, 128], sizes = [10000, 128], strides = [1, 1]} : vector<10000x256xf32> to vector<10000x128xf32>
    %swap3A_85 = arith.constant 0 : index
    %swap3A_86 = arith.constant 0 : index
    %swap3A_87 = vector.load %arg10[%swap3A_85, %swap3A_86] : memref<10000x128xf32, #tpu.memory_space<vmem>>, vector<10000x128xf32>
    tpu.vector_store %arg10[%swap3A_85, %swap3A_86], %slice3A_84 {strides = array<i32>} : memref<10000x128xf32, #tpu.memory_space<vmem>>, vector<10000x128xf32>,
    return
  }
}

module attributes {stable_mosaic.version = 14 : i64} {
  func.func @body(%arg0: memref<10000x128xf32, #tpu.memory_space<vmem>>, %arg1: memref<10000x128xf32, #tpu.memory_space<vmem>>, %arg2: memref<256x256xf32, #tpu.memory_space<vmem>>, %arg3: memref<256x128xf32, #tpu.memory_space<vmem>>, %arg4: memref<1x256xf32, #tpu.memory_space<vmem>>, %arg5: memref<1x256xf32, #tpu.memory_space<vmem>>, %arg6: memref<1x128xf32, #tpu.memory_space<vmem>>, %arg7: memref<1x128xf32, #tpu.memory_space<vmem>>, %arg8: memref<10000x128xf32, #tpu.memory_space<vmem>>) attributes {dimension_semantics = [], scalar_prefetch = 0 : i64, scratch_operands = 0 : i64, tpu.core_type = #tpu.core_type<tc>} {
    %get3A = arith.constant 0 : index
    %get3A_0 = arith.constant 0 : index
    %get3A_1 = vector.load %arg0[%get3A, %get3A_0] : memref<10000x128xf32, #tpu.memory_space<vmem>>, vector<10000x128xf32>
    %get3A_2 = arith.constant 0 : index
    %get3A_3 = arith.constant 0 : index
    %get3A_4 = vector.load %arg1[%get3A_2, %get3A_3] : memref<10000x128xf32, #tpu.memory_space<vmem>>, vector<10000x128xf32>
    %concatenate3A = tpu.concatenate %get3A_1, %get3A_4 in 1 : vector<10000x128xf32>, vector<10000x128xf32> -> vector<10000x256xf32>
    %get3A_5 = arith.constant 0 : index
    %get3A_6 = arith.constant 0 : index
    %get3A_7 = vector.load %arg2[%get3A_5, %get3A_6] : memref<256x256xf32, #tpu.memory_space<vmem>>, vector<256x256xf32>
    %dot_general3A = arith.constant dense<0.000000e+00> : vector<10000x256xf32>
    %dot_general3A_8 = tpu.matmul %concatenate3A, %get3A_7, %dot_general3A {dimension_numbers = #tpu.dot_dimension_numbers<[1], [0], [0], [1], [0, 0, 1, 1], [], []>, transpose_lhs_hint = false} : vector<10000x256xf32>, vector<256x256xf32>, vector<10000x256xf32> -> vector<10000x256xf32>
    %get3A_9 = arith.constant 0 : index
    %get3A_10 = arith.constant 0 : index
    %get3A_11 = vector.load %arg4[%get3A_9, %get3A_10] : memref<1x256xf32, #tpu.memory_space<vmem>>, vector<1x256xf32>
    %get3A_12 = arith.constant 0 : index
    %get3A_13 = arith.constant 0 : index
    %get3A_14 = vector.load %arg5[%get3A_12, %get3A_13] : memref<1x256xf32, #tpu.memory_space<vmem>>, vector<1x256xf32>
    %reduce_sum3A = arith.constant dense<0.000000e+00> : vector<256xf32>
    %reduce_sum3A_15 = vector.multi_reduction <add>, %dot_general3A_8, %reduce_sum3A [0] : vector<10000x256xf32> to vector<256xf32>
    %broadcast_in_dim3A = vector.shape_cast %reduce_sum3A_15 : vector<256xf32> to vector<1x256xf32>
    %div3A = arith.constant 1.000000e+04 : f32
    %div3A_16 = vector.broadcast %div3A : f32 to vector<1x256xf32>
    %div3A_17 = arith.divf %broadcast_in_dim3A, %div3A_16 : vector<1x256xf32>
    %sub3A = vector.broadcast %div3A_17 : vector<1x256xf32> to vector<10000x256xf32>
    %sub3A_18 = arith.subf %dot_general3A_8, %sub3A : vector<10000x256xf32>
    %integer_pow3A = arith.mulf %sub3A_18, %sub3A_18 : vector<10000x256xf32>
    %reduce_sum3A_19 = arith.constant dense<0.000000e+00> : vector<256xf32>
    %reduce_sum3A_20 = vector.multi_reduction <add>, %integer_pow3A, %reduce_sum3A_19 [0] : vector<10000x256xf32> to vector<256xf32>
    %broadcast_in_dim3A_21 = vector.shape_cast %reduce_sum3A_20 : vector<256xf32> to vector<1x256xf32>
    %div3A_22 = arith.constant 1.000000e+04 : f32
    %div3A_23 = vector.broadcast %div3A_22 : f32 to vector<1x256xf32>
    %div3A_24 = arith.divf %broadcast_in_dim3A_21, %div3A_23 : vector<1x256xf32>
    %sub3A_25 = vector.broadcast %div3A_17 : vector<1x256xf32> to vector<10000x256xf32>
    %sub3A_26 = arith.subf %dot_general3A_8, %sub3A_25 : vector<10000x256xf32>
    %add3A = arith.constant 9.99999974E-6 : f32
    %add3A_27 = vector.broadcast %add3A : f32 to vector<1x256xf32>
    %add3A_28 = arith.addf %div3A_24, %add3A_27 : vector<1x256xf32>
    %rsqrt3A = math.rsqrt %add3A_28 : vector<1x256xf32>
    %mul3A = vector.broadcast %rsqrt3A : vector<1x256xf32> to vector<10000x256xf32>
    %mul3A_29 = arith.mulf %sub3A_26, %mul3A : vector<10000x256xf32>
    %mul3A_30 = vector.broadcast %get3A_11 : vector<1x256xf32> to vector<10000x256xf32>
    %mul3A_31 = arith.mulf %mul3A_29, %mul3A_30 : vector<10000x256xf32>
    %add3A_32 = vector.broadcast %get3A_14 : vector<1x256xf32> to vector<10000x256xf32>
    %add3A_33 = arith.addf %mul3A_31, %add3A_32 : vector<10000x256xf32>
    %max3A = arith.constant 0.000000e+00 : f32
    %max3A_34 = vector.broadcast %max3A : f32 to vector<10000x256xf32>
    %max3A_35 = arith.maximumf %add3A_33, %max3A_34 : vector<10000x256xf32>
    %get3A_36 = arith.constant 0 : index
    %get3A_37 = arith.constant 0 : index
    %get3A_38 = vector.load %arg3[%get3A_36, %get3A_37] : memref<256x128xf32, #tpu.memory_space<vmem>>, vector<256x128xf32>
    %dot_general3A_39 = arith.constant dense<0.000000e+00> : vector<10000x128xf32>
    %dot_general3A_40 = tpu.matmul %max3A_35, %get3A_38, %dot_general3A_39 {dimension_numbers = #tpu.dot_dimension_numbers<[1], [0], [0], [1], [0, 0, 1, 1], [], []>, transpose_lhs_hint = false} : vector<10000x256xf32>, vector<256x128xf32>, vector<10000x128xf32> -> vector<10000x128xf32>
    %get3A_41 = arith.constant 0 : index
    %get3A_42 = arith.constant 0 : index
    %get3A_43 = vector.load %arg6[%get3A_41, %get3A_42] : memref<1x128xf32, #tpu.memory_space<vmem>>, vector<1x128xf32>
    %get3A_44 = arith.constant 0 : index
    %get3A_45 = arith.constant 0 : index
    %get3A_46 = vector.load %arg7[%get3A_44, %get3A_45] : memref<1x128xf32, #tpu.memory_space<vmem>>, vector<1x128xf32>
    %reduce_sum3A_47 = arith.constant dense<0.000000e+00> : vector<128xf32>
    %reduce_sum3A_48 = vector.multi_reduction <add>, %dot_general3A_40, %reduce_sum3A_47 [0] : vector<10000x128xf32> to vector<128xf32>
    %broadcast_in_dim3A_49 = vector.shape_cast %reduce_sum3A_48 : vector<128xf32> to vector<1x128xf32>
    %div3A_50 = arith.constant 1.000000e+04 : f32
    %div3A_51 = vector.broadcast %div3A_50 : f32 to vector<1x128xf32>
    %div3A_52 = arith.divf %broadcast_in_dim3A_49, %div3A_51 : vector<1x128xf32>
    %sub3A_53 = vector.broadcast %div3A_52 : vector<1x128xf32> to vector<10000x128xf32>
    %sub3A_54 = arith.subf %dot_general3A_40, %sub3A_53 : vector<10000x128xf32>
    %integer_pow3A_55 = arith.mulf %sub3A_54, %sub3A_54 : vector<10000x128xf32>
    %reduce_sum3A_56 = arith.constant dense<0.000000e+00> : vector<128xf32>
    %reduce_sum3A_57 = vector.multi_reduction <add>, %integer_pow3A_55, %reduce_sum3A_56 [0] : vector<10000x128xf32> to vector<128xf32>
    %broadcast_in_dim3A_58 = vector.shape_cast %reduce_sum3A_57 : vector<128xf32> to vector<1x128xf32>
    %div3A_59 = arith.constant 1.000000e+04 : f32
    %div3A_60 = vector.broadcast %div3A_59 : f32 to vector<1x128xf32>
    %div3A_61 = arith.divf %broadcast_in_dim3A_58, %div3A_60 : vector<1x128xf32>
    %sub3A_62 = vector.broadcast %div3A_52 : vector<1x128xf32> to vector<10000x128xf32>
    %sub3A_63 = arith.subf %dot_general3A_40, %sub3A_62 : vector<10000x128xf32>
    %add3A_64 = arith.constant 9.99999974E-6 : f32
    %add3A_65 = vector.broadcast %add3A_64 : f32 to vector<1x128xf32>
    %add3A_66 = arith.addf %div3A_61, %add3A_65 : vector<1x128xf32>
    %rsqrt3A_67 = math.rsqrt %add3A_66 : vector<1x128xf32>
    %mul3A_68 = vector.broadcast %rsqrt3A_67 : vector<1x128xf32> to vector<10000x128xf32>
    %mul3A_69 = arith.mulf %sub3A_63, %mul3A_68 : vector<10000x128xf32>
    %mul3A_70 = vector.broadcast %get3A_43 : vector<1x128xf32> to vector<10000x128xf32>
    %mul3A_71 = arith.mulf %mul3A_69, %mul3A_70 : vector<10000x128xf32>
    %add3A_72 = vector.broadcast %get3A_46 : vector<1x128xf32> to vector<10000x128xf32>
    %add3A_73 = arith.addf %mul3A_71, %add3A_72 : vector<10000x128xf32>
    %max3A_74 = arith.constant 0.000000e+00 : f32
    %max3A_75 = vector.broadcast %max3A_74 : f32 to vector<10000x128xf32>
    %max3A_76 = arith.maximumf %add3A_73, %max3A_75 : vector<10000x128xf32>
    %swap3A = arith.constant 0 : index
    %swap3A_77 = arith.constant 0 : index
    %swap3A_78 = vector.load %arg8[%swap3A, %swap3A_77] : memref<10000x128xf32, #tpu.memory_space<vmem>>, vector<10000x128xf32>
    tpu.vector_store %arg8[%swap3A, %swap3A_77], %max3A_76 {strides = array<i32>} : memref<10000x128xf32, #tpu.memory_space<vmem>>, vector<10000x128xf32>,
    return
  }
}

</mosaic_0001>

<sc_bundles>
// kernel: kernel.6.cloned.1.call-start
scs
__scs_entry_jumppad:
0x0: {  	(pc) =	sbr.rel $0x88, $3  }
0x1: {  	(tag) =	ssettag $0x0;
	lr =	simm.s32 $0x1  }
0x2: {  	[smem:$0x3F93] =	sst lr;
	_ =	strace $0xD0000000  }
0x3: {  	_ = 	snop  }
0x4: {  	_ = 	snop  }
0x5: {  	_ = 	snop  }
0x6: {  	_ = 	snop  }
0x7: {  	_ = 	snop  }
__scs_overlays_trampoline_lowered:
0x8: {  	[smem:$0x3FA2] =	sst s0  }
0x9: {  	[smem:$0x3FA3] =	sst s1  }
0xa: {  	[smem:$0x3FA4] =	sst s2  }
0xb: {  	[smem:$0x3FA5] =	sst s3  }
0xc: {  	[smem:$0x3FA6] =	sst s4  }
0xd: {  	[smem:$0x3FA7] =	sst s5  }
0xe: {  	[smem:$0x3FA8] =	sst s6  }
0xf: {  	[smem:$0x3FA9] =	sst s7  }
0x10: {  	[smem:$0x3FAA] =	sst s8  }
0x11: {  	[smem:$0x3FAB] =	sst s9;
	s0 =	simm.s32 @!p0 $0x0  }
0x12: {  	s1 =	sld [smem:$0x3F91];
	s0 =	simm.s32 @p0 $0x1  }
0x13: {  	[smem:$0x3FAC] =	sst s0;
	s0 =	simm.s32 @!p1 $0x0  }
0x14: {  	s2 =	sld [smem:$0x3F90];
	s0 =	simm.s32 @p1 $0x1  }
0x15: {  	[smem:$0x3FAD] =	sst s0;
	s0 =	simm.s32 @!p2 $0x0  }
0x16: {  	s3 =	sld [smem:$0x3FDB];
	s0 =	simm.s32 @p2 $0x1  }
0x17: {  	s4 =	simm.s32 $0x1BF5;
	[smem:$0x3FAF] =	sst s0  }
0x18: {  	s0 =	sld [smem:$0x3F92];
	_ =	swait.ge [sflag:s4], $0x0  }
0x19: {  	s7 =	sld [smem:$0x3F93]  }
0x1a: {  	s8 =	sadd.s32 $0xFFFFE003, lr  }
0x1b: {  	s9 =	sadd.s32 $0xFFFFFEF7, lr;
	s5 =	simm.s32 $0xFFFFFFFF;
	p2 =	slt.u32 s8, $0xFFFFF086  }
0x1c: {  	p1 =	slt.u32 s9, $0xF7A;
	s5 =	simm.s32 @!p2 $0x0  }
0x1d: {  	s5 =	simm.s32 @p1 $0x1;
	p0 =	seq.s32 s7, s2  }
0x1e: {  	s7 =	smul.u32 @!p0 $0xF7A, s2;
	p2 =	seq.s32 @!p0 s5, $0x0  }
0x1f: {  	s9 =	smul.u32 $0xF7A, s1;
	s8 =	simm.s32 @!p0 $0x1BF5;
	p2 =	por !p2, p0  }
0x20: {  	[sflag:s8] =	ssyncset.s32 @!p0 $0xFFFFF086;
	s6 =	sadd.s32 @!p0 s3, s7;
	s7 =	simm.s32 @!p0 $0x108  }
0x21: {  	s3 =	sadd.s32 s3, s9;
	s6 =	sadd.s32 @!p0 $0x88, s6;
	s7 =	simm.s32 @p2 $0x1082  }
0x22: {  	[simem:s7], [sflag:s8] =	dma.local @!p0 [hbm:s6], $0xF7A  }
0x23: {  	s9 =	sor.u32 $0xD0000000, s2;
	s6 =	simm.s32 $0x108;
	_ =	swait.ge @!p0 [sflag:s8], $0x0  }
0x24: {  	s3 =	sadd.s32 $0x88, s3;
	s6 =	simm.s32 @!p1 $0x1082;
	[sflag:s4] =	ssyncset.s32 $0xFFFFF086  }
0x25: {  	[simem:s6], [sflag:s4] =	dma.local [hbm:s3], $0xF7A  }
0x26: {  	[smem:$0x3F93] =	sst s1;
	(tag) =	ssettag s2;
	_ =	strace s9  }
0x27: {  	s1 =	sld [smem:$0x3FA3]  }
0x28: {  	s2 =	sld [smem:$0x3FA4]  }
0x29: {  	s4 =	sld [smem:$0x3FA6]  }
0x2a: {  	p0 =	seq.s32 s5, $0x0;
	s5 =	sld [smem:$0x3FA7]  }
0x2b: {  	s6 =	sld [smem:$0x3FA8]  }
0x2c: {  	s7 =	sld [smem:$0x3FA9]  }
0x2d: {  	s3 =	simm.s32 $0x108;
	s8 =	sld [smem:$0x3FAA]  }
0x2e: {  	s3 =	simm.s32 @!p0 $0x1082;
	s9 =	sld [smem:$0x3FAB]  }
0x2f: {  	lr =	sadd.s32 s0, s3;
	s0 =	sld [smem:$0x3FA2]  }
0x30: {  	s3 =	sld [smem:$0x3FA5]  }
0x31: {  	[smem:$0x3FAE] =	sst s10  }
0x32: {  	s10 =	sld [smem:$0x3FAC];
	_ =	sdelay $0x3  }
0x33: {  	p0 =	seq.s32 s10, $0x1;
	s10 =	sld [smem:$0x3FAE];
	_ =	sdelay $0x3  }
0x34: {  	[smem:$0x3FAE] =	sst s10  }
0x35: {  	s10 =	sld [smem:$0x3FAD];
	_ =	sdelay $0x3  }
0x36: {  	p1 =	seq.s32 s10, $0x1;
	s10 =	sld [smem:$0x3FAE];
	_ =	sdelay $0x3  }
0x37: {  	[smem:$0x3FAE] =	sst s10  }
0x38: {  	s10 =	sld [smem:$0x3FAF]  }
0x39: {  	_ = 	snop;
	(pc) =	sbr.ind lr, $3  }
0x3a: {  	_ = 	snop  }
0x3b: {  	_ = 	snop  }
0x3c: {  	p2 =	seq.s32 s10, $0x1;
	s10 =	sld [smem:$0x3FAE]  }
0x3d: {  	_ =	shalt  }
0x3e: {  	_ =	shalt  }
0x3f: {  	_ =	shalt  }
0x40: {  	_ =	shalt  }
0x41: {  	_ =	shalt  }
0x42: {  	_ =	shalt  }
0x43: {  	_ =	shalt  }
0x44: {  	_ =	shalt  }
0x45: {  	_ =	shalt  }
0x46: {  	_ =	shalt  }
0x47: {  	_ =	shalt  }
0x48: {  	_ =	shalt  }
0x49: {  	_ =	shalt  }
0x4a: {  	_ =	shalt  }
0x4b: {  	_ =	shalt  }
0x4c: {  	_ =	shalt  }
0x4d: {  	_ =	shalt  }
0x4e: {  	_ =	shalt  }
0x4f: {  	_ =	shalt  }
0x50: {  	_ =	shalt  }
0x51: {  	_ =	shalt  }
0x52: {  	_ =	shalt  }
0x53: {  	_ =	shalt  }
0x54: {  	_ =	shalt  }
0x55: {  	_ =	shalt  }
0x56: {  	_ =	shalt  }
0x57: {  	_ =	shalt  }
0x58: {  	_ =	shalt  }
0x59: {  	_ =	shalt  }
0x5a: {  	_ =	shalt  }
0x5b: {  	_ =	shalt  }
0x5c: {  	_ =	shalt  }
0x5d: {  	_ =	shalt  }
0x5e: {  	_ =	shalt  }
0x5f: {  	_ =	shalt  }
0x60: {  	_ =	shalt  }
0x61: {  	_ =	shalt  }
0x62: {  	_ =	shalt  }
0x63: {  	_ =	shalt  }
0x64: {  	_ =	shalt  }
0x65: {  	_ =	shalt  }
0x66: {  	_ =	shalt  }
0x67: {  	_ =	shalt  }
0x68: {  	_ =	shalt  }
0x69: {  	_ =	shalt  }
0x6a: {  	_ =	shalt  }
0x6b: {  	_ =	shalt  }
0x6c: {  	_ =	shalt  }
0x6d: {  	_ =	shalt  }
0x6e: {  	_ =	shalt  }
0x6f: {  	_ =	shalt  }
0x70: {  	_ =	shalt  }
0x71: {  	_ =	shalt  }
0x72: {  	_ =	shalt  }
0x73: {  	_ =	shalt  }
0x74: {  	_ =	shalt  }
0x75: {  	_ =	shalt  }
0x76: {  	_ =	shalt  }
0x77: {  	_ =	shalt  }
0x78: {  	_ =	shalt  }
0x79: {  	_ =	shalt  }
0x7a: {  	_ =	shalt  }
0x7b: {  	_ =	shalt  }
0x7c: {  	_ =	shalt  }
0x7d: {  	_ =	shalt  }
0x7e: {  	_ =	shalt  }
0x7f: {  	_ =	shalt  }
0x80: {  	_ =	shalt  }
0x81: {  	_ =	shalt  }
0x82: {  	_ =	shalt  }
0x83: {  	_ =	shalt  }
0x84: {  	_ =	shalt  }
0x85: {  	_ =	shalt  }
0x86: {  	_ =	shalt  }
0x87: {  	_ =	shalt  }
.Lfunc_end0:
.L_simem_size_0:
called_computation_lowered:
.L_overlay_start_0:
0x88: {  	s2 =	sld [smem:$0x3FD9]  }
0x89: {  	s3 =	sld [smem:$0x3FFE];
	_ =	sdelay $0x1  }
0x8a: {  	s1 =	srdreg.scid  }
0x8b: {  	s0 =	sand.u32 $0x1, s1  }
0x8c: {  	s17 =	sshll.u32 s0, $0xA;
	s2 =	sadd.s32 s3, s2  }
0x8d: {  	s2 =	sadd.s32 s2, s17  }
0x8e: {  	[smem:$0x3FBA] =	sst s2  }
0x8f: {  	_ = 	snop  }
0x90: {  	s2 =	sld [smem:$0x3FC9]  }
0x91: {  	s18 =	sld [smem:$0x3FD0];
	(tm) =	ssettm $0x1  }
0x92: {  	s4 =	sld [smem:$0x3FFB];
	_ =	sdelay $0x3  }
0x93: {  	_ =	strace s4  }
0x94: {  	s4 =	sld [smem:$0x3FFC];
	_ =	sdelay $0x3  }
0x95: {  	_ =	strace s4  }
0x96: {  	s4 =	sld [smem:$0x3FFD];
	_ =	sdelay $0x3  }
0x97: {  	_ =	strace s4  }
0x98: {  	_ =	strace $0x8FFFFFFF  }
0x99: {  	s19 =	sld [smem:$0x3FDB];
	_ =	sdelay $0x1  }
0x9a: {  	s5 =	simm.s32 $_scs_section_size  }
0x9b: {  	s6 =	simm.s32 $_size__tile_overlayer_lowered;
	s7 =	simm.s32 $_tile_overlayer_lowered  }
0x9c: {  	s22 =	simm.s32 $0x1BFF;
	s21 =	sshll.u32 s7, $0x1;
	s4 =	sadd.s32 s5, s19  }
0x9d: {  	s8 =	simm.s32 $0x0;
	s20 =	sshll.u32 s6, $0x1;
	s6 =	sadd.s32 s21, s4  }
0x9e: {  	[timem:s8], [sflag:s22] =	dma.local [hbm:s6], s20  }
0x9f: {  	_ =	swait.ge [sflag:s22], s20  }
0xa0: {  	s5 =	ssub.s32 $0x0, s20;
	[sflag:s22] =	ssyncset.done $0x0  }
0xa1: {  	[sflag:s22] =	ssyncadd.s32 s5;
	_ =	sdelay $0x1  }
0xa2: {  	s23 =	simm.s32 $0x1B8B  }
0xa3: {  	_ =	swait.ge [sflag:s23], $0x1  }
0xa4: {  	[sflag:s23] =	ssyncset.done $0x0  }
0xa5: {  	s25 =	simm.s32 $0x1B8E;
	s24 =	sld [smem:$0x3FFE];
	[sflag:s23] =	ssyncadd.s32 $0xFFFFFFFF  }
0xa6: {  	s26 =	simm.s32 $execute0_lowered;
	[smem:$0x3FD2] =	sst s25  }
0xa7: {  	s6 =	sshll.u32 s26, $0x1;
	_ =	strace $0x80000046;
	[dreg:$0x1] =	wrdreg $0xFFFFFFFF  }
0xa8: {  	s28 =	simm.s32 $_size_execute0_lowered;
	s4 =	sadd.s32 s4, s6;
	[dreg:$0x0] =	wrdreg $0x0  }
0xa9: {  	s6 =	sshll.u32 s28, $0x1;
	[dreg:$0x2] =	wrdreg s4  }
0xaa: {  	[dreg:$0x3] =	wrdreg s6  }
0xab: {  	[dreg:$0x4] =	wrdreg $0xC0  }
0xac: {  	_ =	task [dreg:s8], $0x5FFFF  }
0xad: {  	[dreg:$0x1] =	wrdreg $0xFFFFFFFF  }
0xae: {  	[dreg:$0x0] =	wrdreg $0x60  }
0xaf: {  	[dreg:$0x2] =	wrdreg s2  }
0xb0: {  	[dreg:$0x3] =	wrdreg s24  }
0xb1: {  	[dreg:$0x4] =	wrdreg s18  }
0xb2: {  	[dreg:$0x5] =	wrdreg $0x0  }
0xb3: {  	[dreg:$0x6] =	wrdreg $0x9  }
0xb4: {  	_ =	task.clear_ibuf [dreg:s8], $0x7FFFF;
	_ =	strace $0x90000046  }
0xb5: {  	s29 =	simm.s32 $0x9;
	_ =	strace $0x80000048  }
0xb6: {  	_ =	swait.ge [sflag:s29], $0x1  }
0xb7: {  	[sflag:s29] =	ssyncadd.s32 $0xFFFFFFFF  }
0xb8: {  	_ =	strace $0x90000048  }
0xb9: {  	_ =	sfence  }
0xba: {  	s30 =	sld [smem:$0x0];
	_ =	sdelay $0x2  }
0xbb: {  	s31 =	sshll.u32 s1, $0xD;
	s1 =	sshrl.u32 s1, $0x2  }
0xbc: {  	s3 =	sand.u32 $0x4000, s31;
	s1 =	sadd.s32 s1, s30  }
0xbd: {  	s0 =	sor.u32 s3, s0;
	s1 =	sshll.u32 s1, $0x11  }
0xbe: {  	s0 =	sor.u32 s1, s0  }
0xbf: {  	s0 =	sadd.s32 $0x8F2B, s0  }
0xc0: {  	[sflag:s0] =	ssyncadd.remote.s32 $0x1  }
0xc1: {  	_ =	sfence.sel $0xFFFF  }
0xc2: {  	[dreg:$0x0] =	wrdreg $0xFFFFFFFF;
	(pc) =	sbr.abs _section_cstart, $3  }
0xc3: {  	[dreg:$0x1] =	wrdreg $0xFFFFFFFF  }
0xc4: {  	_ =	task.clear_ibuf [dreg:s8], $0x2FFFF;
	_ =	strace $0x9FFFFFFF  }
0xc5: {  	(tm) =	ssettm $0x7FFFFFFF  }
tec
execute0_lowered:
.L_overlay_start_1:
0x0: {  	(tag) =	ssettag $0x1  }
0x1: {  	s1 =	rddreg [dreg:$0x0]  }
0x2: {  	s0 =	rddreg [dreg:$0x1]  }
0x3: {  	s12 =	rddreg [dreg:$0x2]  }
0x4: {  	s3 =	rddreg [dreg:$0x3];
	s4 =	simm.s32 $0x0  }
0x5: {  	s2 =	srdreg.scid;
	s18 =	stileid.u32;
	s21 =	simm.s32 $0x4  }
0x6: {  	s22 =	simm.s32 $0x13C80;
	s28 =	simm.s32 $0x19C80;
	s29 =	simm.s32 $0x1  }
0x7: {  	s30 =	simm.s32 $0x2;
	s31 =	simm.s32 $0x0;
	[smem:$0x7FF] =	sst s4  }
0x8: {  	s6 =	sadd.s32 $0x3000, s0;
	s2 =	sand.u32 $0x1, s2;
	s7 =	sadd.s32 $0xD000, s0  }
0x9: {  	s19 =	sadd.s32 $0x17000, s0;
	s8 =	smul.u32 $0x4E000, s18;
	s24 =	sshll.u32 s18, $0x3  }
0xa: {  	s17 =	smul.u32 $0x2700, s18;
	s10 =	sshll.u32 s18, $0x6;
	p1 =	sgt.u32 s18, $0x1  }
0xb: {  	p2 =	slt.u32 s18, $0x2;
	_ =	strace $0x80000047;
	s5 =	ssub.s32 $0x2, s2  }
0xc: {  	s9 =	sshll.u32 s2, $0x4;
	s10 =	sor.u32 $0x1C04, s10;
	p0 =	seq.s32 s2, $0x1  }
0xd: {  	[dreg:$0x5] =	wrdreg s19;
	s23 =	sshrl.u32 s5, $0x1;
	s8 =	sshrl.u32 s8, $0x2  }
0xe: {  	s16 =	sor.u32 s18, s9;
	s9 =	sadd.s32 s1, s17;
	s25 =	sadd.s32 s12, s17  }
0xf: {  	s26 =	sadd.s32 s19, s17;
	s0 =	ssub.s32 s5, s23;
	s5 =	sor.u32 $0x2700, s24  }
0x10: {  	s8 =	sadd.s32 s8, s3;
	s15 =	smul.u32 $0x500, s16;
	[dreg:$0x7] =	wrdreg s25  }
0x11: {  	s16 =	smul.u32 $0x2800, s16;
	[dreg:$0x8] =	wrdreg s26;
	s24 =	simm.s32 $0x80  }
.Ltmp0:
0x12: {  	s25 =	simm.s32 $0x15C80;
	s26 =	simm.s32 $0x13D00;
	(pc) =	sbr.rel .LBB2_1-.Ltmp0, $4  }
0x13: {  	s11 =	sshll.u32 s5, $0x7;
	s5 =	sshll.u32 s5, $0x4;
	s19 =	smax.u32 s0, $0x1  }
0x14: {  	s20 =	sshrl.u32 s8, $0x3;
	s0 =	simm.s32 @!p2 $0x0;
	s11 =	sadd.s32 s11, s3  }
0x15: {  	[dreg:$0x6] =	wrdreg s5;
	s13 =	sadd.s32 s1, s5;
	s0 =	simm.s32 @p2 $0x1  }
0x16: {  	s14 =	sadd.s32 s6, s15;
	s15 =	sadd.s32 s7, s15;
	[smem:$0x7FD] =	sst s0  }
.LBB2_10:
0x17: {  	s2 =	rddreg [dreg:$0x6]  }
0x18: {  	s23 =	sshrl.u32 s11, $0x3;
	s0 =	sadd.s32 s0, s2  }
0x19: {  	[hbm:s0], [sflag:s10] =	dma.local [spmem:s23], $0x80  }
0x1a: {  	_ =	swait.ge [sflag:s21], $0x80  }
0x1b: {  	[sflag:s21] =	ssyncset.done $0x0  }
0x1c: {  	[sflag:s21] =	ssyncadd.s32 $0xFFFFFF80  }
.LBB2_11:
0x1d: {  	s31 =	sadd.s32 $0x1, s31  }
0x1e: {  	p2 =	sne.s32 s31, s19  }
.Ltmp1:
0x1f: {  	_ = 	snop;
	(pc) =	sbr.rel @!p2 .LBB2_12-.Ltmp1, $1  }
0x20: {  	_ =	sdelay $0x3  }
.LBB2_1:
0x21: {  	[spmem:s20], [sflag:s10] =	dma.local [hbm:s9], $0x2700  }
0x22: {  	_ =	swait.ge [sflag:s21], $0x2700  }
0x23: {  	[sflag:s21] =	ssyncset.done $0x0  }
0x24: {  	s0 =	sshrl.u32 @!p1 s11, $0x3;
	[sflag:s21] =	ssyncadd.s32 $0xFFFFD900  }
0x25: {  	[spmem:s0], [sflag:s10] =	dma.local @!p1 [hbm:s13], $0x80  }
0x26: {  	s0 =	simm.s32 @!p1 $0x4  }
0x27: {  	_ =	swait.ge @!p1 [sflag:s0], $0x80  }
0x28: {  	[sflag:s0] =	ssyncset.done @!p1 $0x0  }
0x29: {  	[sflag:s0] =	ssyncadd.s32 @!p1 $0xFFFFFF80  }
0x2a: {  	[bflag:$0x0] =	sbarrier.arrive $0xFFFF  }
0x2b: {  	[tilespmem:s22], [sflag:$0x4] =	stream.linear.gather [hbm4b:s14+s4], $0x800, $0x38;
	[tilespmem:$0x1DC80] =	vst v63  }
0x2c: {  	_ =	swait.ge [sflag:s21], $0x800  }
0x2d: {  	[sflag:s21] =	ssyncset.done $0x0  }
0x2e: {  	s23 =	simm.s32 $0x14C80;
	[sflag:s21] =	ssyncadd.s32 $0xFFFFF800  }
0x2f: {  	[tilespmem:s23], [sflag:$0x4] =	stream.linear.gather [hbm4b:s15+s4], $0x800, $0x38;
	[tilespmem:$0x1DC80] =	vst v63  }
0x30: {  	_ =	swait.ge [sflag:s21], $0x800  }
0x31: {  	[sflag:s21] =	ssyncset.done $0x0  }
0x32: {  	[sflag:s21] =	ssyncadd.s32 $0xFFFFF800  }
0x33: {  	[tilespmem:s25], [sflag:$0x1] =	stream.indirect.gather [hbm4b:s1+s24], $0x80, s22, s24, $0xb8;
	[tilespmem:$0x1DC80] =	vst v63  }
0x34: {  	s17 =	simm.s32 $0x2;
	s2 =	simm.s32 $0x0;
	s0 =	simm.s32 $0x600  }
0x35: {  	[tilespmem:s28], [sflag:$0x2] =	stream.indirect.gather [hbm4b:s1+s24], $0x80, s26, s24, $0xb8;
	[tilespmem:$0x1DC80] =	vst v63  }
.LBB2_2:
0x36: {  	s5 =	sadd.s32 $0xFFFFFFFE, s17  }
0x37: {  	p3 =	sgt.u32 s2, $0x25;
	s8 =	sand.u32 $0xE, s5  }
0x38: {  	p4 =	sne.s32 @!p3 s8, $0xC  }
0x39: {  	p3 =	por p3, p4  }
.Ltmp2:
0x3a: {  	_ = 	snop;
	(pc) =	sbr.rel @p3 .LBB2_4-.Ltmp2, $1  }
0x3b: {  	_ =	sdelay $0x3  }
0x3c: {  	p3 =	seq.s32 s2, $0x0;
	s5 =	simm.s32 $0x1  }
0x3d: {  	s18 =	sshrl.u32 s2, $0x3;
	s5 =	simm.s32 @!p3 $0x0  }
0x3e: {  	s5 =	ssub.s32 s18, s5  }
0x3f: {  	s5 =	sshll.u32 s5, $0xB  }
0x40: {  	s5 =	sadd.s32 $0x800, s5  }
0x41: {  	s12 =	sadd.s32 s16, s5  }
0x42: {  	s5 =	sand.u32 $0x800, s5;
	s18 =	sshrl.u32 s12, $0x3  }
.Ltmp3:
0x43: {  	s23 =	sadd.s32 $0x13C80, s5;
	s12 =	sadd.s32 s6, s18;
	(pc) =	sbr.rel .LBB2_5-.Ltmp3, $4  }
0x44: {  	[tilespmem:s23], [sflag:$0x3] =	stream.linear.gather [hbm4b:s12+s4], $0x800, $0x38;
	[tilespmem:$0x1DC80] =	vst v63  }
0x45: {  	s5 =	sadd.s32 $0x14C80, s5;
	s23 =	sadd.s32 s7, s18  }
0x46: {  	[tilespmem:s5], [sflag:$0x3] =	stream.linear.gather [hbm4b:s23+s4], $0x800, $0x38;
	[tilespmem:$0x1DC80] =	vst v63  }
0x47: {  	p3 =	por $0x1, $0x1;
	s5 =	smov.u32 s17  }
.LBB2_4:
0x48: {  	p4 =	seq.s32 s2, $0x27  }
0x49: {  	p5 =	sne.s32 @!p4 s8, $0xE  }
0x4a: {  	p6 =	por p5, p4  }
0x4b: {  	s12 =	simm.s32 @!p6 $0x3  }
0x4c: {  	_ =	swait.ge @!p6 [sflag:s12], $0x800  }
0x4d: {  	[sflag:s12] =	ssyncset.done @!p6 $0x0  }
0x4e: {  	p3 =	sne.s32 s2, $0x27;
	[sflag:s12] =	ssyncadd.s32 @!p6 $0xFFFFF800  }
0x4f: {  	p5 =	por !p5, p4;
	p2 =	por @!p6 $0x1, $0x1;
	_ =	swait.ge @!p6 [sflag:s12], $0x800  }
0x50: {  	s5 =	sshll.u32 s2, $0x1;
	p2 =	por @!p5 p3, p3;
	[sflag:s12] =	ssyncset.done @!p6 $0x0  }
0x51: {  	s5 =	sadd.s32 $0x2, s5;
	p3 =	por @!p4 p2, p2;
	[sflag:s12] =	ssyncadd.s32 @!p6 $0xFFFFF800  }
.LBB2_5:
0x52: {  	s12 =	sadd.s32 $0xFFFFFA00, s0  }
0x53: {  	s18 =	sand.u32 $0x2000, s12  }
0x54: {  	_ =	swait.ge [sflag:s29], $0x4000;
	s18 =	sshrl.u32 s18, $0x2  }
0x55: {  	s8 =	sshll.u32 s8, $0x7;
	[sflag:s29] =	ssyncset.done $0x0;
	s18 =	sadd.s32 $0x14C80, s18  }
0x56: {  	[sflag:s29] =	ssyncadd.s32 $0xFFFFC000;
	s8 =	sadd.s32 s8, s18  }
0x57: {  	[spmem:s3] =	stream.indirect.scatter.add.f32 [tilespmem:s25], [sflag:$0x4], $0x80, s8, s24, $0xb8;
	[tilespmem:$0x1DC80] =	vst v63  }
0x58: {  	s5 =	sshll.u32 @p3 s5, $0x7;
	_ =	swait.ge [sflag:s21], $0x4000  }
0x59: {  	s23 =	simm.s32 @p3 $0x15C80;
	s5 =	sand.u32 @p3 $0xF00, s5;
	[sflag:s21] =	ssyncset.done $0x0  }
0x5a: {  	s5 =	sadd.s32 @p3 $0x13C80, s5;
	s8 =	simm.s32 @p3 $0x80;
	[sflag:s21] =	ssyncadd.s32 $0xFFFFC000  }
0x5b: {  	[tilespmem:s23], [sflag:$0x1] =	stream.indirect.gather @p3 [hbm4b:s1+s8], $0x80, s5, s8, $0xb8;
	[tilespmem:$0x1DC80] =	vst v63  }
0x5c: {  	s23 =	sand.u32 $0x1C00, s12  }
0x5d: {  	_ =	swait.ge [sflag:s30], $0x4000;
	s5 =	sshrl.u32 s23, $0x2  }
0x5e: {  	p2 =	seq.s32 s2, $0x27;
	[sflag:s30] =	ssyncset.done $0x0;
	s5 =	sadd.s32 s5, s18  }
.Ltmp4:
0x5f: {  	[sflag:s30] =	ssyncadd.s32 $0xFFFFC000;
	s5 =	sadd.s32 $0x80, s5;
	(pc) =	sbr.rel @p2 .LBB2_7-.Ltmp4, $4  }
0x60: {  	[spmem:s3] =	stream.indirect.scatter.add.f32 [tilespmem:s28], [sflag:$0x4], $0x80, s5, s24, $0xb8;
	[tilespmem:$0x1DC80] =	vst v63  }
0x61: {  	_ =	swait.ge [sflag:s21], $0x4000  }
0x62: {  	[sflag:s21] =	ssyncset.done $0x0  }
0x63: {  	[sflag:s21] =	ssyncadd.s32 $0xFFFFC000  }
.Ltmp5:
0x64: {  	(pc) =	sbr.rel .LBB2_2-.Ltmp5, $4  }
0x65: {  	s5 =	sand.u32 $0x3E00, s0  }
0x66: {  	s2 =	sadd.s32 $0x1, s2;
	s5 =	sshrl.u32 s5, $0x2  }
0x67: {  	s17 =	sadd.s32 $0x2, s17;
	s0 =	sadd.s32 $0x400, s0;
	s5 =	sadd.s32 $0x13C80, s5  }
0x68: {  	[tilespmem:s28], [sflag:$0x2] =	stream.indirect.gather [hbm4b:s1+s24], $0x80, s5, s24, $0xb8;
	[tilespmem:$0x1DC80] =	vst v63  }
.LBB2_7:
.Ltmp6:
0x69: {  	(pc) =	sbr.rel @!p0 .LBB2_8-.Ltmp6, $2  }
0x6a: {  	_ =	sdelay $0x1  }
0x6b: {  	[bflag:$0x0] =	sbarrier.arrive $0xFFFF;
	_ =	sdelay $0x1  }
0x6c: {  	s0 =	rddreg [dreg:$0x8]  }
0x6d: {  	[hbm:s0], [sflag:s10] =	dma.local [spmem:s20], $0x2700  }
.Ltmp7:
0x6e: {  	_ = 	snop;
	(pc) =	sbr.rel @p1 .LBB2_11-.Ltmp7, $4  }
.Ltmp8:
0x6f: {  	_ = 	snop;
	(pc) =	sbr.rel @!p1 .LBB2_10-.Ltmp8, $4  }
0x70: {  	_ =	swait.ge [sflag:s21], $0x2700  }
0x71: {  	[sflag:s21] =	ssyncset.done $0x0  }
0x72: {  	s0 =	rddreg [dreg:$0x5];
	[sflag:s21] =	ssyncadd.s32 $0xFFFFD900  }
0x73: {  	_ = 	snop  }
.LBB2_8:
0x74: {  	s0 =	rddreg [dreg:$0x7]  }
0x75: {  	[hbm:s0], [sflag:s10] =	dma.local [spmem:s20], $0x2700  }
0x76: {  	_ =	swait.ge [sflag:s21], $0x2700  }
0x77: {  	s2 =	sld [smem:$0x7FD];
	_ =	sdelay $0x2  }
0x78: {  	p2 =	seq.s32 s2, $0x1  }
.Ltmp9:
0x79: {  	_ = 	snop;
	(pc) =	sbr.rel @p2 .LBB2_10-.Ltmp9, $4  }
.Ltmp10:
0x7a: {  	_ = 	snop;
	(pc) =	sbr.rel @!p2 .LBB2_11-.Ltmp10, $4  }
0x7b: {  	[sflag:s21] =	ssyncset.done $0x0  }
0x7c: {  	[sflag:s21] =	ssyncadd.s32 $0xFFFFD900  }
0x7d: {  	s0 =	rddreg [dreg:$0x2]  }
0x7e: {  	_ = 	snop  }
.LBB2_12:
0x7f: {  	_ =	sfence.sel $0x180000  }
0x80: {  	[bflag:$0x0] =	sbarrier.arrive $0xFFFF  }
0x81: {  	_ =	strace $0x90000047  }
0x82: {  	s0 =	stileid.u32;
	[bflag:$0x2] =	sbarrier.arrive $0xFFFF  }
0x83: {  	p0 =	sne.s32 s0, $0x0;
	s0 =	rddreg [dreg:$0x4]  }
0x84: {  	s0 =	sadd.s32 @!p0 $0x100000, s0  }
0x85: {  	[sflag:s0] =	ssyncadd.tile.s32 @!p0 $0x1;
	_ =	shalt  }
.Lfunc_end2:
_tile_overlayer_lowered:
.L_overlay_start_2:
0x86: {  	(tag) =	ssettag $0x2  }
0x87: {  	s0 =	rddreg [dreg:$0x0];
	s2 =	stileid.u32  }
0x88: {  	s1 =	rddreg [dreg:$0x1];
	p0 =	sne.s32 s2, $0x0  }
0x89: {  	s3 =	rddreg [dreg:$0x2];
	[bflag:$0x3] =	sbarrier.arrive $0xFFFF;
	s2 =	simm.s32 @!p0 $0x1C04  }
0x8a: {  	[timem:s3], [sflag:s2] =	dma.local @!p0 [hbm:s0], s1  }
0x8b: {  	s0 =	simm.s32 @!p0 $0x4  }
0x8c: {  	_ =	swait.ge @!p0 [sflag:s0], s1  }
0x8d: {  	s1 =	ssub.s32 @!p0 $0x0, s1;
	[sflag:s0] =	ssyncset.done @!p0 $0x0  }
0x8e: {  	[sflag:s0] =	ssyncadd.s32 @!p0 s1  }
0x8f: {  	[bflag:$0x3] =	sbarrier.arrive $0xFFFF  }
0x90: {  	_ =	shalt  }

// kernel: kernel.9.cloned.1.call-start
scs
__scs_entry_jumppad:
0x0: {  	(pc) =	sbr.rel $0x88, $3  }
0x1: {  	(tag) =	ssettag $0x0;
	lr =	simm.s32 $0x1  }
0x2: {  	[smem:$0x3F93] =	sst lr;
	_ =	strace $0xD0000000  }
0x3: {  	_ = 	snop  }
0x4: {  	_ = 	snop  }
0x5: {  	_ = 	snop  }
0x6: {  	_ = 	snop  }
0x7: {  	_ = 	snop  }
__scs_overlays_trampoline_lowered:
0x8: {  	[smem:$0x3FA2] =	sst s0  }
0x9: {  	[smem:$0x3FA3] =	sst s1  }
0xa: {  	[smem:$0x3FA4] =	sst s2  }
0xb: {  	[smem:$0x3FA5] =	sst s3  }
0xc: {  	[smem:$0x3FA6] =	sst s4  }
0xd: {  	[smem:$0x3FA7] =	sst s5  }
0xe: {  	[smem:$0x3FA8] =	sst s6  }
0xf: {  	[smem:$0x3FA9] =	sst s7  }
0x10: {  	[smem:$0x3FAA] =	sst s8  }
0x11: {  	[smem:$0x3FAB] =	sst s9;
	s0 =	simm.s32 @!p0 $0x0  }
0x12: {  	s1 =	sld [smem:$0x3F91];
	s0 =	simm.s32 @p0 $0x1  }
0x13: {  	[smem:$0x3FAC] =	sst s0;
	s0 =	simm.s32 @!p1 $0x0  }
0x14: {  	s2 =	sld [smem:$0x3F90];
	s0 =	simm.s32 @p1 $0x1  }
0x15: {  	[smem:$0x3FAD] =	sst s0;
	s0 =	simm.s32 @!p2 $0x0  }
0x16: {  	s3 =	sld [smem:$0x3FDB];
	s0 =	simm.s32 @p2 $0x1  }
0x17: {  	s4 =	simm.s32 $0x1BF5;
	[smem:$0x3FAF] =	sst s0  }
0x18: {  	s0 =	sld [smem:$0x3F92];
	_ =	swait.ge [sflag:s4], $0x0  }
0x19: {  	s7 =	sld [smem:$0x3F93]  }
0x1a: {  	s8 =	sadd.s32 $0xFFFFE003, lr  }
0x1b: {  	s9 =	sadd.s32 $0xFFFFFEF7, lr;
	s5 =	simm.s32 $0xFFFFFFFF;
	p2 =	slt.u32 s8, $0xFFFFF086  }
0x1c: {  	p1 =	slt.u32 s9, $0xF7A;
	s5 =	simm.s32 @!p2 $0x0  }
0x1d: {  	s5 =	simm.s32 @p1 $0x1;
	p0 =	seq.s32 s7, s2  }
0x1e: {  	s7 =	smul.u32 @!p0 $0xF7A, s2;
	p2 =	seq.s32 @!p0 s5, $0x0  }
0x1f: {  	s9 =	smul.u32 $0xF7A, s1;
	s8 =	simm.s32 @!p0 $0x1BF5;
	p2 =	por !p2, p0  }
0x20: {  	[sflag:s8] =	ssyncset.s32 @!p0 $0xFFFFF086;
	s6 =	sadd.s32 @!p0 s3, s7;
	s7 =	simm.s32 @!p0 $0x108  }
0x21: {  	s3 =	sadd.s32 s3, s9;
	s6 =	sadd.s32 @!p0 $0x88, s6;
	s7 =	simm.s32 @p2 $0x1082  }
0x22: {  	[simem:s7], [sflag:s8] =	dma.local @!p0 [hbm:s6], $0xF7A  }
0x23: {  	s9 =	sor.u32 $0xD0000000, s2;
	s6 =	simm.s32 $0x108;
	_ =	swait.ge @!p0 [sflag:s8], $0x0  }
0x24: {  	s3 =	sadd.s32 $0x88, s3;
	s6 =	simm.s32 @!p1 $0x1082;
	[sflag:s4] =	ssyncset.s32 $0xFFFFF086  }
0x25: {  	[simem:s6], [sflag:s4] =	dma.local [hbm:s3], $0xF7A  }
0x26: {  	[smem:$0x3F93] =	sst s1;
	(tag) =	ssettag s2;
	_ =	strace s9  }
0x27: {  	s1 =	sld [smem:$0x3FA3]  }
0x28: {  	s2 =	sld [smem:$0x3FA4]  }
0x29: {  	s4 =	sld [smem:$0x3FA6]  }
0x2a: {  	p0 =	seq.s32 s5, $0x0;
	s5 =	sld [smem:$0x3FA7]  }
0x2b: {  	s6 =	sld [smem:$0x3FA8]  }
0x2c: {  	s7 =	sld [smem:$0x3FA9]  }
0x2d: {  	s3 =	simm.s32 $0x108;
	s8 =	sld [smem:$0x3FAA]  }
0x2e: {  	s3 =	simm.s32 @!p0 $0x1082;
	s9 =	sld [smem:$0x3FAB]  }
0x2f: {  	lr =	sadd.s32 s0, s3;
	s0 =	sld [smem:$0x3FA2]  }
0x30: {  	s3 =	sld [smem:$0x3FA5]  }
0x31: {  	[smem:$0x3FAE] =	sst s10  }
0x32: {  	s10 =	sld [smem:$0x3FAC];
	_ =	sdelay $0x3  }
0x33: {  	p0 =	seq.s32 s10, $0x1;
	s10 =	sld [smem:$0x3FAE];
	_ =	sdelay $0x3  }
0x34: {  	[smem:$0x3FAE] =	sst s10  }
0x35: {  	s10 =	sld [smem:$0x3FAD];
	_ =	sdelay $0x3  }
0x36: {  	p1 =	seq.s32 s10, $0x1;
	s10 =	sld [smem:$0x3FAE];
	_ =	sdelay $0x3  }
0x37: {  	[smem:$0x3FAE] =	sst s10  }
0x38: {  	s10 =	sld [smem:$0x3FAF]  }
0x39: {  	_ = 	snop;
	(pc) =	sbr.ind lr, $3  }
0x3a: {  	_ = 	snop  }
0x3b: {  	_ = 	snop  }
0x3c: {  	p2 =	seq.s32 s10, $0x1;
	s10 =	sld [smem:$0x3FAE]  }
0x3d: {  	_ =	shalt  }
0x3e: {  	_ =	shalt  }
0x3f: {  	_ =	shalt  }
0x40: {  	_ =	shalt  }
0x41: {  	_ =	shalt  }
0x42: {  	_ =	shalt  }
0x43: {  	_ =	shalt  }
0x44: {  	_ =	shalt  }
0x45: {  	_ =	shalt  }
0x46: {  	_ =	shalt  }
0x47: {  	_ =	shalt  }
0x48: {  	_ =	shalt  }
0x49: {  	_ =	shalt  }
0x4a: {  	_ =	shalt  }
0x4b: {  	_ =	shalt  }
0x4c: {  	_ =	shalt  }
0x4d: {  	_ =	shalt  }
0x4e: {  	_ =	shalt  }
0x4f: {  	_ =	shalt  }
0x50: {  	_ =	shalt  }
0x51: {  	_ =	shalt  }
0x52: {  	_ =	shalt  }
0x53: {  	_ =	shalt  }
0x54: {  	_ =	shalt  }
0x55: {  	_ =	shalt  }
0x56: {  	_ =	shalt  }
0x57: {  	_ =	shalt  }
0x58: {  	_ =	shalt  }
0x59: {  	_ =	shalt  }
0x5a: {  	_ =	shalt  }
0x5b: {  	_ =	shalt  }
0x5c: {  	_ =	shalt  }
0x5d: {  	_ =	shalt  }
0x5e: {  	_ =	shalt  }
0x5f: {  	_ =	shalt  }
0x60: {  	_ =	shalt  }
0x61: {  	_ =	shalt  }
0x62: {  	_ =	shalt  }
0x63: {  	_ =	shalt  }
0x64: {  	_ =	shalt  }
0x65: {  	_ =	shalt  }
0x66: {  	_ =	shalt  }
0x67: {  	_ =	shalt  }
0x68: {  	_ =	shalt  }
0x69: {  	_ =	shalt  }
0x6a: {  	_ =	shalt  }
0x6b: {  	_ =	shalt  }
0x6c: {  	_ =	shalt  }
0x6d: {  	_ =	shalt  }
0x6e: {  	_ =	shalt  }
0x6f: {  	_ =	shalt  }
0x70: {  	_ =	shalt  }
0x71: {  	_ =	shalt  }
0x72: {  	_ =	shalt  }
0x73: {  	_ =	shalt  }
0x74: {  	_ =	shalt  }
0x75: {  	_ =	shalt  }
0x76: {  	_ =	shalt  }
0x77: {  	_ =	shalt  }
0x78: {  	_ =	shalt  }
0x79: {  	_ =	shalt  }
0x7a: {  	_ =	shalt  }
0x7b: {  	_ =	shalt  }
0x7c: {  	_ =	shalt  }
0x7d: {  	_ =	shalt  }
0x7e: {  	_ =	shalt  }
0x7f: {  	_ =	shalt  }
0x80: {  	_ =	shalt  }
0x81: {  	_ =	shalt  }
0x82: {  	_ =	shalt  }
0x83: {  	_ =	shalt  }
0x84: {  	_ =	shalt  }
0x85: {  	_ =	shalt  }
0x86: {  	_ =	shalt  }
0x87: {  	_ =	shalt  }
.Lfunc_end0:
.L_simem_size_0:
called_computation.1_lowered:
.L_overlay_start_0:
0x88: {  	s2 =	sld [smem:$0x3FD9]  }
0x89: {  	s3 =	sld [smem:$0x3FFE];
	_ =	sdelay $0x1  }
0x8a: {  	s1 =	srdreg.scid  }
0x8b: {  	s0 =	sand.u32 $0x1, s1  }
0x8c: {  	s17 =	sshll.u32 s0, $0xA;
	s2 =	sadd.s32 s3, s2  }
0x8d: {  	s2 =	sadd.s32 s2, s17  }
0x8e: {  	[smem:$0x3FBA] =	sst s2  }
0x8f: {  	_ = 	snop  }
0x90: {  	s2 =	sld [smem:$0x3FD0];
	(tm) =	ssettm $0x1  }
0x91: {  	s18 =	sld [smem:$0x3FFB];
	_ =	sdelay $0x3  }
0x92: {  	_ =	strace s18  }
0x93: {  	s3 =	sld [smem:$0x3FFC];
	_ =	sdelay $0x3  }
0x94: {  	_ =	strace s3  }
0x95: {  	s3 =	sld [smem:$0x3FFD];
	_ =	sdelay $0x3  }
0x96: {  	_ =	strace s3  }
0x97: {  	_ =	strace $0x8FFFFFFF  }
0x98: {  	s19 =	sld [smem:$0x3FDB];
	_ =	sdelay $0x1  }
0x99: {  	s4 =	simm.s32 $_scs_section_size  }
0x9a: {  	s5 =	simm.s32 $_size__tile_overlayer_lowered;
	s6 =	simm.s32 $_tile_overlayer_lowered  }
0x9b: {  	s22 =	simm.s32 $0x1BFF;
	s21 =	sshll.u32 s6, $0x1;
	s3 =	sadd.s32 s4, s19  }
0x9c: {  	s7 =	simm.s32 $0x0;
	s20 =	sshll.u32 s5, $0x1;
	s5 =	sadd.s32 s21, s3  }
0x9d: {  	[timem:s7], [sflag:s22] =	dma.local [hbm:s5], s20  }
0x9e: {  	_ =	swait.ge [sflag:s22], s20  }
0x9f: {  	s4 =	ssub.s32 $0x0, s20;
	[sflag:s22] =	ssyncset.done $0x0  }
0xa0: {  	[sflag:s22] =	ssyncadd.s32 s4;
	_ =	sdelay $0x1  }
0xa1: {  	s23 =	simm.s32 $0x1B8B  }
0xa2: {  	_ =	swait.ge [sflag:s23], $0x1  }
0xa3: {  	[sflag:s23] =	ssyncset.done $0x0  }
0xa4: {  	s25 =	simm.s32 $0x1B8E;
	s24 =	sld [smem:$0x3FFE];
	[sflag:s23] =	ssyncadd.s32 $0xFFFFFFFF  }
0xa5: {  	s26 =	simm.s32 $execute0_lowered;
	[smem:$0x3FD2] =	sst s25  }
0xa6: {  	s5 =	sshll.u32 s26, $0x1;
	_ =	strace $0x80000049;
	[dreg:$0x1] =	wrdreg $0xFFFFFFFF  }
0xa7: {  	s28 =	simm.s32 $_size_execute0_lowered;
	s3 =	sadd.s32 s3, s5;
	[dreg:$0x0] =	wrdreg $0x0  }
0xa8: {  	s5 =	sshll.u32 s28, $0x1;
	[dreg:$0x2] =	wrdreg s3  }
0xa9: {  	[dreg:$0x3] =	wrdreg s5  }
0xaa: {  	[dreg:$0x4] =	wrdreg $0xC0  }
0xab: {  	_ =	task [dreg:s7], $0x5FFFF  }
0xac: {  	[dreg:$0x1] =	wrdreg $0xFFFFFFFF  }
0xad: {  	[dreg:$0x0] =	wrdreg $0x60  }
0xae: {  	[dreg:$0x2] =	wrdreg s2  }
0xaf: {  	[dreg:$0x3] =	wrdreg s24  }
0xb0: {  	[dreg:$0x4] =	wrdreg $0x0  }
0xb1: {  	[dreg:$0x5] =	wrdreg $0x9  }
0xb2: {  	_ =	task.clear_ibuf [dreg:s7], $0x6FFFF;
	_ =	strace $0x90000049  }
0xb3: {  	s29 =	simm.s32 $0x9;
	_ =	strace $0x8000004B  }
0xb4: {  	_ =	swait.ge [sflag:s29], $0x1  }
0xb5: {  	[sflag:s29] =	ssyncadd.s32 $0xFFFFFFFF  }
0xb6: {  	_ =	strace $0x9000004B  }
0xb7: {  	_ =	sfence  }
0xb8: {  	s30 =	sld [smem:$0x0];
	_ =	sdelay $0x2  }
0xb9: {  	s31 =	sshll.u32 s1, $0xD;
	s1 =	sshrl.u32 s1, $0x2  }
0xba: {  	s3 =	sand.u32 $0x4000, s31;
	s1 =	sadd.s32 s1, s30  }
0xbb: {  	s0 =	sor.u32 s3, s0;
	s1 =	sshll.u32 s1, $0x11  }
0xbc: {  	s0 =	sor.u32 s1, s0  }
0xbd: {  	s0 =	sadd.s32 $0x8F2B, s0  }
0xbe: {  	[sflag:s0] =	ssyncadd.remote.s32 $0x1  }
0xbf: {  	_ =	sfence.sel $0xFFFF  }
0xc0: {  	[dreg:$0x0] =	wrdreg $0xFFFFFFFF;
	(pc) =	sbr.abs _section_cstart, $3  }
0xc1: {  	[dreg:$0x1] =	wrdreg $0xFFFFFFFF  }
0xc2: {  	_ =	task.clear_ibuf [dreg:s7], $0x2FFFF;
	_ =	strace $0x9FFFFFFF  }
0xc3: {  	(tm) =	ssettm $0x7FFFFFFF  }
tec
execute0_lowered:
.L_overlay_start_1:
0x0: {  	(tag) =	ssettag $0x1  }
0x1: {  	s1 =	rddreg [dreg:$0x0]  }
0x2: {  	s0 =	rddreg [dreg:$0x1]  }
0x3: {  	s2 =	rddreg [dreg:$0x2];
	s3 =	simm.s32 $0x0  }
0x4: {  	s4 =	srdreg.scid;
	s12 =	stileid.u32;
	s29 =	simm.s32 $0x80  }
0x5: {  	s30 =	simm.s32 $0x17C80;
	[smem:$0x7FF] =	sst s3;
	s5 =	sadd.s32 $0x17000, s0  }
0x6: {  	s6 =	sadd.s32 $0x3000, s0;
	s4 =	sand.u32 $0x1, s4;
	s10 =	smul.u32 $0x4E000, s12  }
0x7: {  	s7 =	sadd.s32 $0xD000, s0;
	s14 =	sadd.s32 $0x3E200, s0;
	s11 =	smul.u32 $0x2700, s12  }
0x8: {  	s18 =	sadd.s32 $0x65400, s0;
	s17 =	sshll.u32 s12, $0x3;
	s20 =	smul.u32 $0xA00, s12  }
0x9: {  	p1 =	sgt.u32 s12, $0x1;
	p2 =	slt.u32 s12, $0x2;
	_ =	strace $0x8000004A  }
0xa: {  	s8 =	ssub.s32 $0x2, s4;
	p0 =	seq.s32 s4, $0x1;
	[dreg:$0x4] =	wrdreg s14  }
0xb: {  	[dreg:$0x5] =	wrdreg s18;
	s0 =	simm.s32 @!p2 $0x0;
	s4 =	simm.s32 $0x1  }
0xc: {  	s9 =	sshrl.u32 s8, $0x1;
	s19 =	sshrl.u32 s10, $0x2;
	s21 =	sadd.s32 s1, s11  }
0xd: {  	s15 =	sadd.s32 s6, s20;
	s16 =	sadd.s32 s7, s20;
	s24 =	sadd.s32 s14, s11  }
0xe: {  	s25 =	sadd.s32 s5, s11;
	s28 =	sadd.s32 s18, s11;
	[dreg:$0x6] =	wrdreg s21  }
0xf: {  	s0 =	simm.s32 @p2 $0x1;
	s11 =	simm.s32 $0x2;
	[dreg:$0x9] =	wrdreg s24  }
0x10: {  	s14 =	simm.s32 $0x0;
	s31 =	ssub.s32 s8, s9;
	[dreg:$0xa] =	wrdreg s25  }
0x11: {  	s8 =	sor.u32 $0x2700, s17;
	s10 =	sadd.s32 s19, s2;
	[dreg:$0xc] =	wrdreg s28  }
0x12: {  	s17 =	smul.u32 $0x5000, s12;
	s25 =	simm.s32 $0x4;
	[smem:$0x7FD] =	sst s0  }
.Ltmp0:
0x13: {  	s22 =	sshll.u32 s8, $0x7;
	s8 =	sshll.u32 s8, $0x4;
	(pc) =	sbr.rel .LBB2_1-.Ltmp0, $4  }
0x14: {  	s0 =	simm.s32 $0x1BC80;
	s23 =	sadd.s32 s1, s8;
	[dreg:$0x7] =	wrdreg s8  }
0x15: {  	s13 =	sadd.s32 s22, s2;
	s26 =	sadd.s32 s5, s8;
	[dreg:$0x8] =	wrdreg s23  }
0x16: {  	s22 =	smax.u32 s31, $0x1;
	s31 =	sshll.u32 s12, $0x6;
	[dreg:$0xb] =	wrdreg s26  }
0x17: {  	[dreg:$0xd] =	wrdreg s31;
	s19 =	sor.u32 $0x1C04, s31;
	s26 =	simm.s32 $0x13C80  }
.LBB2_16:
0x18: {  	s9 =	rddreg [dreg:$0x7]  }
0x19: {  	s31 =	sshrl.u32 s13, $0x3;
	s8 =	sadd.s32 s8, s9  }
0x1a: {  	[hbm:s8], [sflag:s24] =	dma.local [spmem:s31], $0x80  }
0x1b: {  	_ =	swait.ge [sflag:s25], $0x80  }
0x1c: {  	[sflag:s25] =	ssyncset.done $0x0  }
0x1d: {  	[sflag:s25] =	ssyncadd.s32 $0xFFFFFF80  }
.LBB2_17:
0x1e: {  	s14 =	sadd.s32 $0x1, s14  }
0x1f: {  	p2 =	sne.s32 s14, s22  }
.Ltmp1:
0x20: {  	_ = 	snop;
	(pc) =	sbr.rel @!p2 .LBB2_18-.Ltmp1, $1  }
0x21: {  	_ =	sdelay $0x3  }
.LBB2_1:
.Ltmp2:
0x22: {  	(pc) =	sbr.rel @!p0 .LBB2_2-.Ltmp2, $2  }
0x23: {  	_ =	sdelay $0x2  }
0x24: {  	s18 =	sshrl.u32 s10, $0x3;
	s8 =	sshrl.u32 @!p1 s13, $0x3  }
0x25: {  	s9 =	rddreg [dreg:$0xa]  }
0x26: {  	[spmem:s18], [sflag:s19] =	dma.local [hbm:s9], $0x2700  }
0x27: {  	_ =	swait.ge [sflag:s25], $0x2700  }
0x28: {  	[sflag:s25] =	ssyncset.done $0x0  }
0x29: {  	s9 =	rddreg [dreg:$0xb];
	[sflag:s25] =	ssyncadd.s32 $0xFFFFD900  }
0x2a: {  	[spmem:s8], [sflag:s19] =	dma.local @!p1 [hbm:s9], $0x80  }
0x2b: {  	s8 =	simm.s32 @!p1 $0x4  }
0x2c: {  	_ =	swait.ge @!p1 [sflag:s8], $0x80  }
0x2d: {  	[sflag:s8] =	ssyncset.done @!p1 $0x0  }
0x2e: {  	[sflag:s8] =	ssyncadd.s32 @!p1 $0xFFFFFF80  }
0x2f: {  	s8 =	simm.s32 $0x0;
	[bflag:$0x0] =	sbarrier.arrive $0xFFFF  }
0x30: {  	[tilespmem:s26], [sflag:$0x4] =	stream.linear.gather [hbm4b:s15+s8], $0x1000, $0x38;
	[tilespmem:$0x1FC80] =	vst v63  }
0x31: {  	_ =	swait.ge [sflag:s25], $0x1000  }
0x32: {  	[sflag:s25] =	ssyncset.done $0x0  }
0x33: {  	s28 =	simm.s32 $0x15C80;
	[sflag:s25] =	ssyncadd.s32 $0xFFFFF000  }
0x34: {  	[tilespmem:s28], [sflag:$0x4] =	stream.linear.gather [hbm4b:s16+s8], $0x1000, $0x38;
	[tilespmem:$0x1FC80] =	vst v63  }
0x35: {  	_ =	swait.ge [sflag:s25], $0x1000  }
0x36: {  	[sflag:s25] =	ssyncset.done $0x0  }
0x37: {  	[sflag:s25] =	ssyncadd.s32 $0xFFFFF000  }
0x38: {  	[tilespmem:s30], [sflag:$0x1] =	stream.indirect.gather [hbm4b:s5+s29], $0x80, s26, s29, $0xb8;
	[tilespmem:$0x1FC80] =	vst v63  }
0x39: {  	s31 =	simm.s32 $0x13D00;
	s24 =	simm.s32 $0x2;
	s20 =	simm.s32 $0x600  }
0x3a: {  	[tilespmem:s0], [sflag:$0x2] =	stream.indirect.gather [hbm4b:s5+s29], $0x80, s31, s29, $0xb8;
	[tilespmem:$0x1FC80] =	vst v63  }
.LBB2_10:
0x3b: {  	s9 =	sadd.s32 $0xFFFFFFFE, s24  }
0x3c: {  	p2 =	sgt.u32 s8, $0x4D;
	s21 =	sand.u32 $0x1E, s9  }
0x3d: {  	p3 =	sne.s32 @!p2 s21, $0x1C  }
0x3e: {  	p2 =	por p2, p3  }
.Ltmp3:
0x3f: {  	_ = 	snop;
	(pc) =	sbr.rel @p2 .LBB2_12-.Ltmp3, $1  }
0x40: {  	_ =	sdelay $0x3  }
0x41: {  	p2 =	seq.s32 s8, $0x0;
	s9 =	simm.s32 $0x1  }
0x42: {  	s12 =	sshrl.u32 s8, $0x4;
	s9 =	simm.s32 @!p2 $0x0  }
0x43: {  	s9 =	ssub.s32 s12, s9  }
0x44: {  	s9 =	sshll.u32 s9, $0xC  }
0x45: {  	s9 =	sadd.s32 $0x1000, s9  }
0x46: {  	s31 =	sadd.s32 s17, s9  }
0x47: {  	s9 =	sand.u32 $0x1000, s9;
	s12 =	sshrl.u32 s31, $0x3  }
.Ltmp4:
0x48: {  	s23 =	sadd.s32 $0x13C80, s9;
	s28 =	sadd.s32 s6, s12;
	(pc) =	sbr.rel .LBB2_13-.Ltmp4, $4  }
0x49: {  	[tilespmem:s23], [sflag:$0x3] =	stream.linear.gather [hbm4b:s28+s3], $0x1000, $0x38;
	[tilespmem:$0x1FC80] =	vst v63  }
0x4a: {  	s9 =	sadd.s32 $0x15C80, s9;
	s12 =	sadd.s32 s7, s12  }
0x4b: {  	[tilespmem:s9], [sflag:$0x3] =	stream.linear.gather [hbm4b:s12+s3], $0x1000, $0x38;
	[tilespmem:$0x1FC80] =	vst v63  }
0x4c: {  	p3 =	por $0x1, $0x1;
	s9 =	smov.u32 s24  }
.LBB2_12:
0x4d: {  	p4 =	seq.s32 s8, $0x4F  }
0x4e: {  	p2 =	sne.s32 @!p4 s21, $0x1E  }
0x4f: {  	p5 =	por p2, p4  }
0x50: {  	s12 =	simm.s32 @!p5 $0x3  }
0x51: {  	_ =	swait.ge @!p5 [sflag:s12], $0x1000  }
0x52: {  	[sflag:s12] =	ssyncset.done @!p5 $0x0  }
0x53: {  	p3 =	sne.s32 s8, $0x4F;
	[sflag:s12] =	ssyncadd.s32 @!p5 $0xFFFFF000  }
0x54: {  	p2 =	por !p2, p4;
	p6 =	por @!p5 $0x1, $0x1;
	_ =	swait.ge @!p5 [sflag:s12], $0x1000  }
0x55: {  	s9 =	sshll.u32 s8, $0x1;
	p6 =	por @!p2 p3, p3;
	[sflag:s12] =	ssyncset.done @!p5 $0x0  }
0x56: {  	s9 =	sadd.s32 $0x2, s9;
	p3 =	por @!p4 p6, p6;
	[sflag:s12] =	ssyncadd.s32 @!p5 $0xFFFFF000  }
.LBB2_13:
0x57: {  	s12 =	sadd.s32 $0xFFFFFA00, s20  }
0x58: {  	s23 =	sand.u32 $0x4000, s12  }
0x59: {  	_ =	swait.ge [sflag:s4], $0x4000;
	s23 =	sshrl.u32 s23, $0x2  }
0x5a: {  	s21 =	sshll.u32 s21, $0x7;
	[sflag:s4] =	ssyncset.done $0x0;
	s23 =	sadd.s32 $0x15C80, s23  }
0x5b: {  	[sflag:s4] =	ssyncadd.s32 $0xFFFFC000;
	s21 =	sadd.s32 s21, s23  }
0x5c: {  	[spmem:s2] =	stream.indirect.scatter.add.f32 [tilespmem:s30], [sflag:$0x4], $0x80, s21, s29, $0xb8;
	[tilespmem:$0x1FC80] =	vst v63  }
0x5d: {  	s9 =	sshll.u32 @p3 s9, $0x7;
	s28 =	simm.s32 @p3 $0x17C80;
	_ =	swait.ge [sflag:s25], $0x4000  }
0x5e: {  	s9 =	sand.u32 @p3 $0x1F00, s9;
	s31 =	sand.u32 $0x3C00, s12;
	[sflag:s25] =	ssyncset.done $0x0  }
0x5f: {  	s9 =	sadd.s32 @p3 $0x13C80, s9;
	s21 =	simm.s32 @p3 $0x80;
	[sflag:s25] =	ssyncadd.s32 $0xFFFFC000  }
0x60: {  	[tilespmem:s28], [sflag:$0x1] =	stream.indirect.gather @p3 [hbm4b:s5+s21], $0x80, s9, s21, $0xb8;
	[tilespmem:$0x1FC80] =	vst v63  }
0x61: {  	s9 =	sshrl.u32 s31, $0x2;
	_ =	swait.ge [sflag:s11], $0x4000  }
0x62: {  	p2 =	seq.s32 s8, $0x4F;
	s9 =	sadd.s32 s9, s23;
	[sflag:s11] =	ssyncset.done $0x0  }
.Ltmp5:
0x63: {  	s9 =	sadd.s32 $0x80, s9;
	[sflag:s11] =	ssyncadd.s32 $0xFFFFC000;
	(pc) =	sbr.rel @p2 .LBB2_15-.Ltmp5, $4  }
0x64: {  	[spmem:s2] =	stream.indirect.scatter.add.f32 [tilespmem:s0], [sflag:$0x4], $0x80, s9, s29, $0xb8;
	[tilespmem:$0x1FC80] =	vst v63  }
0x65: {  	_ =	swait.ge [sflag:s25], $0x4000  }
0x66: {  	[sflag:s25] =	ssyncset.done $0x0  }
0x67: {  	[sflag:s25] =	ssyncadd.s32 $0xFFFFC000  }
.Ltmp6:
0x68: {  	(pc) =	sbr.rel .LBB2_10-.Ltmp6, $4  }
0x69: {  	s9 =	sand.u32 $0x7E00, s20  }
0x6a: {  	s8 =	sadd.s32 $0x1, s8;
	s9 =	sshrl.u32 s9, $0x2  }
0x6b: {  	s24 =	sadd.s32 $0x2, s24;
	s20 =	sadd.s32 $0x400, s20;
	s9 =	sadd.s32 $0x13C80, s9  }
0x6c: {  	[tilespmem:s0], [sflag:$0x2] =	stream.indirect.gather [hbm4b:s5+s29], $0x80, s9, s29, $0xb8;
	[tilespmem:$0x1FC80] =	vst v63  }
.LBB2_2:
0x6d: {  	s9 =	rddreg [dreg:$0xd]  }
0x6e: {  	s23 =	rddreg [dreg:$0x6];
	s24 =	sor.u32 $0x1C04, s9  }
0x6f: {  	[spmem:s18], [sflag:s24] =	dma.local [hbm:s23], $0x2700  }
0x70: {  	_ =	swait.ge [sflag:s25], $0x2700  }
0x71: {  	[sflag:s25] =	ssyncset.done $0x0  }
0x72: {  	s9 =	rddreg [dreg:$0x8];
	[sflag:s25] =	ssyncadd.s32 $0xFFFFD900  }
0x73: {  	[spmem:s8], [sflag:s24] =	dma.local @!p1 [hbm:s9], $0x80  }
0x74: {  	s8 =	simm.s32 @!p1 $0x4  }
0x75: {  	_ =	swait.ge @!p1 [sflag:s8], $0x80  }
0x76: {  	[sflag:s8] =	ssyncset.done @!p1 $0x0  }
0x77: {  	[sflag:s8] =	ssyncadd.s32 @!p1 $0xFFFFFF80  }
0x78: {  	s8 =	simm.s32 $0x0;
	[bflag:$0x0] =	sbarrier.arrive $0xFFFF  }
0x79: {  	[tilespmem:s26], [sflag:$0x4] =	stream.linear.gather [hbm4b:s15+s8], $0x1000, $0x38;
	[tilespmem:$0x1FC80] =	vst v63  }
0x7a: {  	_ =	swait.ge [sflag:s25], $0x1000  }
0x7b: {  	[sflag:s25] =	ssyncset.done $0x0  }
0x7c: {  	s28 =	simm.s32 $0x15C80;
	[sflag:s25] =	ssyncadd.s32 $0xFFFFF000  }
0x7d: {  	[tilespmem:s28], [sflag:$0x4] =	stream.linear.gather [hbm4b:s16+s8], $0x1000, $0x38;
	[tilespmem:$0x1FC80] =	vst v63  }
0x7e: {  	_ =	swait.ge [sflag:s25], $0x1000  }
0x7f: {  	[sflag:s25] =	ssyncset.done $0x0  }
0x80: {  	[sflag:s25] =	ssyncadd.s32 $0xFFFFF000  }
0x81: {  	[tilespmem:s30], [sflag:$0x1] =	stream.indirect.gather [hbm4b:s1+s29], $0x80, s26, s29, $0xb8;
	[tilespmem:$0x1FC80] =	vst v63  }
0x82: {  	s31 =	simm.s32 $0x13D00;
	s20 =	simm.s32 $0x600;
	s9 =	simm.s32 $0x2  }
0x83: {  	[tilespmem:s0], [sflag:$0x2] =	stream.indirect.gather [hbm4b:s1+s29], $0x80, s31, s29, $0xb8;
	[tilespmem:$0x1FC80] =	vst v63  }
.LBB2_3:
0x84: {  	s21 =	sadd.s32 $0xFFFFFFFE, s9  }
0x85: {  	p3 =	sgt.u32 s8, $0x4D;
	s21 =	sand.u32 $0x1E, s21  }
0x86: {  	p4 =	sne.s32 @!p3 s21, $0x1C  }
0x87: {  	p3 =	por p3, p4  }
.Ltmp7:
0x88: {  	_ = 	snop;
	(pc) =	sbr.rel @p3 .LBB2_5-.Ltmp7, $1  }
0x89: {  	_ =	sdelay $0x3  }
0x8a: {  	p3 =	seq.s32 s8, $0x0;
	s28 =	simm.s32 $0x1  }
0x8b: {  	s31 =	sshrl.u32 s8, $0x4;
	s28 =	simm.s32 @!p3 $0x0  }
0x8c: {  	s28 =	ssub.s32 s31, s28  }
0x8d: {  	s28 =	sshll.u32 s28, $0xC  }
0x8e: {  	s28 =	sadd.s32 $0x1000, s28  }
0x8f: {  	s12 =	sadd.s32 s17, s28  }
.Ltmp8:
0x90: {  	s28 =	sand.u32 $0x1000, s28;
	s31 =	sshrl.u32 s12, $0x3;
	(pc) =	sbr.rel .LBB2_6-.Ltmp8, $4  }
0x91: {  	p3 =	por $0x1, $0x1;
	s23 =	sadd.s32 $0x13C80, s28;
	s12 =	sadd.s32 s6, s31  }
0x92: {  	[tilespmem:s23], [sflag:$0x3] =	stream.linear.gather [hbm4b:s12+s3], $0x1000, $0x38;
	[tilespmem:$0x1FC80] =	vst v63  }
0x93: {  	s31 =	sadd.s32 s7, s31;
	s23 =	sadd.s32 $0x15C80, s28;
	s28 =	smov.u32 s9  }
0x94: {  	[tilespmem:s23], [sflag:$0x3] =	stream.linear.gather [hbm4b:s31+s3], $0x1000, $0x38;
	[tilespmem:$0x1FC80] =	vst v63  }
.LBB2_5:
0x95: {  	p4 =	seq.s32 s8, $0x4F  }
0x96: {  	p5 =	sne.s32 @!p4 s21, $0x1E  }
0x97: {  	p6 =	por p5, p4  }
0x98: {  	s12 =	simm.s32 @!p6 $0x3  }
0x99: {  	_ =	swait.ge @!p6 [sflag:s12], $0x1000  }
0x9a: {  	[sflag:s12] =	ssyncset.done @!p6 $0x0  }
0x9b: {  	p3 =	sne.s32 s8, $0x4F;
	[sflag:s12] =	ssyncadd.s32 @!p6 $0xFFFFF000  }
0x9c: {  	p5 =	por !p5, p4;
	p2 =	por @!p6 $0x1, $0x1;
	_ =	swait.ge @!p6 [sflag:s12], $0x1000  }
0x9d: {  	s23 =	sshll.u32 s8, $0x1;
	p2 =	por @!p5 p3, p3;
	[sflag:s12] =	ssyncset.done @!p6 $0x0  }
0x9e: {  	s28 =	sadd.s32 $0x2, s23;
	p3 =	por @!p4 p2, p2;
	[sflag:s12] =	ssyncadd.s32 @!p6 $0xFFFFF000  }
.LBB2_6:
0x9f: {  	s12 =	sadd.s32 $0xFFFFFA00, s20  }
0xa0: {  	s23 =	sand.u32 $0x4000, s12  }
0xa1: {  	_ =	swait.ge [sflag:s4], $0x4000;
	s23 =	sshrl.u32 s23, $0x2  }
0xa2: {  	s21 =	sshll.u32 s21, $0x7;
	[sflag:s4] =	ssyncset.done $0x0;
	s23 =	sadd.s32 $0x15C80, s23  }
0xa3: {  	[sflag:s4] =	ssyncadd.s32 $0xFFFFC000;
	s21 =	sadd.s32 s21, s23  }
0xa4: {  	[spmem:s2] =	stream.indirect.scatter.add.f32 [tilespmem:s30], [sflag:$0x4], $0x80, s21, s29, $0xb8;
	[tilespmem:$0x1FC80] =	vst v63  }
0xa5: {  	s31 =	simm.s32 @p3 $0x17C80;
	s21 =	sshll.u32 @p3 s28, $0x7;
	_ =	swait.ge [sflag:s25], $0x4000  }
0xa6: {  	s12 =	sand.u32 $0x3C00, s12;
	s21 =	sand.u32 @p3 $0x1F00, s21;
	[sflag:s25] =	ssyncset.done $0x0  }
0xa7: {  	s28 =	simm.s32 @p3 $0x80;
	s21 =	sadd.s32 @p3 $0x13C80, s21;
	[sflag:s25] =	ssyncadd.s32 $0xFFFFC000  }
0xa8: {  	[tilespmem:s31], [sflag:$0x1] =	stream.indirect.gather @p3 [hbm4b:s1+s28], $0x80, s21, s28, $0xb8;
	[tilespmem:$0x1FC80] =	vst v63  }
0xa9: {  	s12 =	sshrl.u32 s12, $0x2;
	_ =	swait.ge [sflag:s11], $0x4000  }
0xaa: {  	p2 =	seq.s32 s8, $0x4F;
	s12 =	sadd.s32 s12, s23;
	[sflag:s11] =	ssyncset.done $0x0  }
.Ltmp9:
0xab: {  	s12 =	sadd.s32 $0x80, s12;
	[sflag:s11] =	ssyncadd.s32 $0xFFFFC000;
	(pc) =	sbr.rel @p2 .LBB2_8-.Ltmp9, $4  }
0xac: {  	[spmem:s2] =	stream.indirect.scatter.add.f32 [tilespmem:s0], [sflag:$0x4], $0x80, s12, s29, $0xb8;
	[tilespmem:$0x1FC80] =	vst v63  }
0xad: {  	_ =	swait.ge [sflag:s25], $0x4000  }
0xae: {  	[sflag:s25] =	ssyncset.done $0x0  }
0xaf: {  	[sflag:s25] =	ssyncadd.s32 $0xFFFFC000  }
.Ltmp10:
0xb0: {  	(pc) =	sbr.rel .LBB2_3-.Ltmp10, $4  }
0xb1: {  	s12 =	sand.u32 $0x7E00, s20  }
0xb2: {  	s8 =	sadd.s32 $0x1, s8;
	s12 =	sshrl.u32 s12, $0x2  }
0xb3: {  	s9 =	sadd.s32 $0x2, s9;
	s20 =	sadd.s32 $0x400, s20;
	s12 =	sadd.s32 $0x13C80, s12  }
0xb4: {  	[tilespmem:s0], [sflag:$0x2] =	stream.indirect.gather [hbm4b:s1+s29], $0x80, s12, s29, $0xb8;
	[tilespmem:$0x1FC80] =	vst v63  }
.LBB2_15:
0xb5: {  	[bflag:$0x0] =	sbarrier.arrive $0xFFFF  }
0xb6: {  	s8 =	rddreg [dreg:$0xc]  }
0xb7: {  	[hbm:s8], [sflag:s19] =	dma.local [spmem:s18], $0x2700  }
.Ltmp11:
0xb8: {  	_ = 	snop;
	(pc) =	sbr.rel @p1 .LBB2_17-.Ltmp11, $4  }
.Ltmp12:
0xb9: {  	_ = 	snop;
	(pc) =	sbr.rel @!p1 .LBB2_16-.Ltmp12, $4  }
0xba: {  	_ =	swait.ge [sflag:s25], $0x2700  }
0xbb: {  	[sflag:s25] =	ssyncset.done $0x0  }
0xbc: {  	s24 =	smov.u32 s19;
	s8 =	rddreg [dreg:$0x5];
	[sflag:s25] =	ssyncadd.s32 $0xFFFFD900  }
0xbd: {  	_ = 	snop  }
.LBB2_8:
0xbe: {  	[bflag:$0x0] =	sbarrier.arrive $0xFFFF  }
0xbf: {  	s8 =	rddreg [dreg:$0x9]  }
0xc0: {  	[hbm:s8], [sflag:s24] =	dma.local [spmem:s18], $0x2700  }
0xc1: {  	_ =	swait.ge [sflag:s25], $0x2700  }
0xc2: {  	s9 =	sld [smem:$0x7FD];
	_ =	sdelay $0x2  }
0xc3: {  	p2 =	seq.s32 s9, $0x1  }
.Ltmp13:
0xc4: {  	_ = 	snop;
	(pc) =	sbr.rel @p2 .LBB2_16-.Ltmp13, $4  }
.Ltmp14:
0xc5: {  	_ = 	snop;
	(pc) =	sbr.rel @!p2 .LBB2_17-.Ltmp14, $4  }
0xc6: {  	_ = 	snop  }
0xc7: {  	[sflag:s25] =	ssyncset.done $0x0  }
0xc8: {  	s8 =	rddreg [dreg:$0x4];
	[sflag:s25] =	ssyncadd.s32 $0xFFFFD900  }
0xc9: {  	_ = 	snop  }
.LBB2_18:
0xca: {  	_ =	sfence.sel $0x180000  }
0xcb: {  	[bflag:$0x0] =	sbarrier.arrive $0xFFFF  }
0xcc: {  	_ =	strace $0x9000004A  }
0xcd: {  	s0 =	stileid.u32;
	[bflag:$0x2] =	sbarrier.arrive $0xFFFF  }
0xce: {  	p0 =	sne.s32 s0, $0x0;
	s0 =	rddreg [dreg:$0x3]  }
0xcf: {  	s0 =	sadd.s32 @!p0 $0x100000, s0  }
0xd0: {  	[sflag:s0] =	ssyncadd.tile.s32 @!p0 $0x1;
	_ =	shalt  }
.Lfunc_end2:
_tile_overlayer_lowered:
.L_overlay_start_2:
0xd1: {  	(tag) =	ssettag $0x2  }
0xd2: {  	s0 =	rddreg [dreg:$0x0];
	s2 =	stileid.u32  }
0xd3: {  	s1 =	rddreg [dreg:$0x1];
	p0 =	sne.s32 s2, $0x0  }
0xd4: {  	s3 =	rddreg [dreg:$0x2];
	[bflag:$0x3] =	sbarrier.arrive $0xFFFF;
	s2 =	simm.s32 @!p0 $0x1C04  }
0xd5: {  	[timem:s3], [sflag:s2] =	dma.local @!p0 [hbm:s0], s1  }
0xd6: {  	s0 =	simm.s32 @!p0 $0x4  }
0xd7: {  	_ =	swait.ge @!p0 [sflag:s0], s1  }
0xd8: {  	s1 =	ssub.s32 @!p0 $0x0, s1;
	[sflag:s0] =	ssyncset.done @!p0 $0x0  }
0xd9: {  	[sflag:s0] =	ssyncadd.s32 @!p0 s1  }
0xda: {  	[bflag:$0x3] =	sbarrier.arrive $0xFFFF  }
0xdb: {  	_ =	shalt  }

</sc_bundles>
